<compile_context>
chip_gen: v7x
topology: tpu7x:2x2x1
jax: 0.10.2.dev20260603
libtpu: 0.0.44.dev20260713+nightly
codegen_flags: <defaults>
</compile_context>

<pallas_src>
import functools

import jax
import jax.numpy as jnp
from jax import lax
from jax.experimental import pallas as pl
from jax.experimental.pallas import tpu as pltpu
from jax.experimental.pallas import tpu_sc as plsc

_NC = 2
_NS = 16
_L = 16
_NW = _NC * _NS


def _table_body(wv_ref, w1_ref, b1_ref, w2t_ref, b2_ref, out_ref):
    w_row = jax.lax.dot_general(
        w2t_ref[...], w1_ref[...], (((1,), (1,)), ((), ())),
        preferred_element_type=jnp.float32,
    )
    c = jnp.sum(b1_ref[...] * w2t_ref[...]) + b2_ref[0, 0]
    t_row = jax.lax.dot_general(
        w_row, wv_ref[...], (((1,), (1,)), ((), ())),
        preferred_element_type=jnp.float32,
    )
    out_ref[...] = t_row[0] + c


def _build_table(word2vec, W1, b1, W2, b2):
    V, D = word2vec.shape
    H = W1.shape[1]
    BLK = 4096
    grid = (V + BLK - 1) // BLK
    VP = grid * BLK
    return pl.pallas_call(
        _table_body,
        grid=(grid,),
        in_specs=[
            pl.BlockSpec((BLK, D), lambda i: (i, 0)),
            pl.BlockSpec((D, H), lambda i: (0, 0)),
            pl.BlockSpec((1, H), lambda i: (0, 0)),
            pl.BlockSpec((1, H), lambda i: (0, 0)),
            pl.BlockSpec((1, 1), lambda i: (0, 0)),
        ],
        out_specs=pl.BlockSpec((BLK,), lambda i: (i,)),
        out_shape=jax.ShapeDtypeStruct((VP,), jnp.float32),
    )(word2vec, W1, b1.reshape(1, H), W2.reshape(1, H), b2.reshape(1, 1))


def _make_pool_kernel(B, S, V):
    BPW = B // _NW
    NCHUNK = 2
    CROWS = BPW // NCHUNK
    assert BPW % (NCHUNK * _L) == 0
    GROUPS = CROWS // _L
    inv_s = 1.0 / S

    mesh = plsc.VectorSubcoreMesh(
        core_axis_name="c", subcore_axis_name="s",
        num_cores=_NC, num_subcores=_NS,
    )

    @functools.partial(
        pl.kernel,
        out_type=jax.ShapeDtypeStruct((B,), jnp.float32),
        mesh=mesh,
        compiler_params=pltpu.CompilerParams(needs_layout_passes=False),
        scratch_types=[
            pltpu.VMEM((V,), jnp.float32),
            pltpu.VMEM((CROWS * S,), jnp.int32),
            pltpu.VMEM((BPW,), jnp.float32),
        ],
    )
    def pool(table_hbm, ids_hbm, out_hbm, table_v, ids_v, out_v):
        wid = lax.axis_index("s") * _NC + lax.axis_index("c")
        base = wid * BPW
        pltpu.sync_copy(table_hbm, table_v)
        iota = lax.iota(jnp.int32, _L)
        lane_off = iota * S
        for chunk in range(NCHUNK):
            pltpu.sync_copy(
                ids_hbm.at[pl.ds((base + chunk * CROWS) * S, CROWS * S)],
                ids_v,
            )

            def group_body(g, carry, _chunk=chunk):
                rowbase = lane_off + g * (_L * S)
                acc = jnp.zeros((_L,), jnp.float32)
                for s in range(S):
                    idv = plsc.load_gather(ids_v, [rowbase + s])
                    acc = acc + plsc.load_gather(table_v, [idv])
                out_v[pl.ds(_chunk * CROWS + g * _L, _L)] = acc * inv_s
                return carry

            lax.fori_loop(0, GROUPS, group_body, 0)
        pltpu.sync_copy(out_v, out_hbm.at[pl.ds(base, BPW)])

    return pool


def kernel(ids, word2vec, W1, b1, W2, b2):
    B, S = ids.shape
    V, _D = word2vec.shape
    table = _build_table(word2vec, W1, b1, W2, b2)
    pool = _make_pool_kernel(B, S, table.shape[0])
    out = pool(table, ids.reshape(B * S))
    return out.reshape(B, 1)

# --- scband reference (transcript-rebuilt; emitter-appended) ---
"""Pipeline reference for scband-covid-tweets-74534862455009 (READ-ONLY COPY).

The authoritative reference and input builder live on the scoring server;
editing this copy changes nothing except your own understanding.
"""

import jax, jax.numpy as jnp
import numpy as np

B, S, V, D, H = 16384, 60, 100000, 128, 64

def setup_inputs(seed: int = 0) -> dict:
    key = jax.random.key(seed)
    k1, k2, k3, k4 = jax.random.split(key, 4)
    ids = jax.random.randint(k1, (B, S), 0, V)
    word2vec = jax.random.normal(k2, (V, D), dtype=jnp.float32) * 0.02
    W1 = jax.random.normal(k3, (D, H), dtype=jnp.float32) * 0.05
    b1 = jnp.zeros((H,), dtype=jnp.float32)
    W2 = jax.random.normal(k4, (H, 1), dtype=jnp.float32) * 0.05
    b2 = jnp.zeros((1,), dtype=jnp.float32)
    return {"ids": ids, "word2vec": word2vec, "W1": W1, "b1": b1, "W2": W2, "b2": b2}

def reference(ids, word2vec, W1, b1, W2, b2):
    # TextVectorization is modeled as precomputed int token ids (ids).
    # Lambda(lambda x: self.word2vec[x]) -> embedding gather
    emb = jnp.take(word2vec, ids, axis=0)          # [B, S, D]
    # GlobalAveragePooling1D -> mean over sequence axis
    pooled = jnp.mean(emb, axis=1)                 # [B, D]
    # Dense(64) (linear, no activation)
    h = pooled @ W1 + b1                           # [B, 64]
    # Dense(1)
    out = h @ W2 + b2                              # [B, 1]
    return out

if __name__ == "__main__":
    import jax
    _d = setup_inputs()
    print(jax.jit(kernel)(*tuple(_d.values())))

</pallas_src>

<mosaic_0001>
#map = affine_map<(d0, d1) -> (0)>
module attributes {stable_mosaic.version = 14 : i64} {
  func.func @pool(%arg0: i32, %arg1: i32, %arg2: memref<102400xf32, #tpu.memory_space<hbm>>, %arg3: memref<983040xi32, #tpu.memory_space<hbm>>, %arg4: memref<16384xf32, #tpu.memory_space<hbm>>, %arg5: memref<102400xf32, #tpu.memory_space<vmem>>, %arg6: memref<15360xi32, #tpu.memory_space<vmem>>, %arg7: memref<512xf32, #tpu.memory_space<vmem>>) attributes {dimension_semantics = [#tpu.dimension_semantics<core_parallel>, #tpu.dimension_semantics<subcore_parallel>], iteration_bounds = array<i64: 2, 16>, scalar_prefetch = 0 : i64, scratch_operands = 3 : i64, tpu.core_type = #tpu.core_type<sc_vector_subcore>, window_params = [{transform_indices = #map}, {transform_indices = #map}, {transform_indices = #map}]} {
    %mul3A = arith.constant 2 : i32
    %mul3A_0 = arith.muli %arg1, %mul3A : i32
    %add3A = arith.addi %mul3A_0, %arg0 : i32
    %mul3A_1 = arith.constant 512 : i32
    %mul3A_2 = arith.muli %add3A, %mul3A_1 : i32
    "tpu.region"() ({
      %run_scoped3A = tpu.sem_alloc : memref<!tpu.dma_semaphore, #tpu.memory_space<semaphore_mem>>
      tpu.enqueue_dma source(%arg2 : memref<102400xf32, #tpu.memory_space<hbm>>) target(%arg5 : memref<102400xf32, #tpu.memory_space<vmem>>) target_semaphore(%run_scoped3A : memref<!tpu.dma_semaphore, #tpu.memory_space<semaphore_mem>>)
      tpu.wait_dma2 semaphore(%run_scoped3A : memref<!tpu.dma_semaphore, #tpu.memory_space<semaphore_mem>>) src(%arg2 : memref<102400xf32, #tpu.memory_space<hbm>>) dst(%arg5 : memref<102400xf32, #tpu.memory_space<vmem>>)
      tpu.yield
    }) : () -> ()
    %iota3A = tpu.iota {dimensions = array<i32: 0>} : vector<16xi32>
    %mul3A_3 = arith.constant 60 : i32
    %mul3A_4 = vector.broadcast %mul3A_3 : i32 to vector<16xi32>
    %mul3A_5 = arith.muli %iota3A, %mul3A_4 : vector<16xi32>
    %add3A_6 = arith.constant 0 : i32
    %add3A_7 = arith.addi %mul3A_2, %add3A_6 : i32
    %mul3A_8 = arith.constant 60 : i32
    %mul3A_9 = arith.muli %add3A_7, %mul3A_8 : i32
    "tpu.region"() ({
      %run_scoped3A = tpu.sem_alloc : memref<!tpu.dma_semaphore, #tpu.memory_space<semaphore_mem>>
      %dma_start3A = tpu.memref_slice %arg3[%mul3A_9] : memref<983040xi32, #tpu.memory_space<hbm>> -> memref<15360xi32, #tpu.memory_space<hbm>>
      %dma_start3A_25 = tpu.memref_slice %arg3[%mul3A_9] : memref<983040xi32, #tpu.memory_space<hbm>> -> memref<15360xi32, #tpu.memory_space<hbm>>
      tpu.enqueue_dma source(%dma_start3A_25 : memref<15360xi32, #tpu.memory_space<hbm>>) target(%arg6 : memref<15360xi32, #tpu.memory_space<vmem>>) target_semaphore(%run_scoped3A : memref<!tpu.dma_semaphore, #tpu.memory_space<semaphore_mem>>)
      %dma_wait3A = tpu.memref_slice %arg3[%mul3A_9] : memref<983040xi32, #tpu.memory_space<hbm>> -> memref<15360xi32, #tpu.memory_space<hbm>>
      %dma_wait3A_26 = tpu.memref_slice %arg3[%mul3A_9] : memref<983040xi32, #tpu.memory_space<hbm>> -> memref<15360xi32, #tpu.memory_space<hbm>>
      tpu.wait_dma2 semaphore(%run_scoped3A : memref<!tpu.dma_semaphore, #tpu.memory_space<semaphore_mem>>) src(%dma_wait3A_26 : memref<15360xi32, #tpu.memory_space<hbm>>) dst(%arg6 : memref<15360xi32, #tpu.memory_space<vmem>>)
      tpu.yield
    }) : () -> ()
    %scan3A = arith.constant 0 : i32
    %scan3A_10 = arith.constant 0 : i32
    %scan3A_11 = arith.constant 16 : i32
    %scan3A_12 = arith.addi %scan3A_10, %scan3A_11 : i32
    %scan3A_13 = arith.constant 1 : i32
    scf.for %scan3A_25 = %scan3A_10 to %scan3A_12 step %scan3A_13  : i32 {
      %mul3A_26 = arith.constant 960 : i32
      %mul3A_27 = arith.muli %scan3A_25, %mul3A_26 : i32
      %add3A_28 = vector.broadcast %mul3A_27 : i32 to vector<16xi32>
      %add3A_29 = arith.addi %mul3A_5, %add3A_28 : vector<16xi32>
      %broadcast_in_dim3A = arith.constant 0.000000e+00 : f32
      %broadcast_in_dim3A_30 = vector.broadcast %broadcast_in_dim3A : f32 to vector<16xf32>
      %add3A_31 = arith.constant 0 : i32
      %add3A_32 = vector.broadcast %add3A_31 : i32 to vector<16xi32>
      %add3A_33 = arith.addi %add3A_29, %add3A_32 : vector<16xi32>
      %gather3A = tpu.vector_load_idx %arg6[%add3A_33] : memref<15360xi32, #tpu.memory_space<vmem>>[vector<16xi32>], vector<16xi32>,
      %gather3A_34 = tpu.vector_load_idx %arg5[%gather3A] : memref<102400xf32, #tpu.memory_space<vmem>>[vector<16xi32>], vector<16xf32>,
      %add3A_35 = arith.addf %broadcast_in_dim3A_30, %gather3A_34 : vector<16xf32>
      %add3A_36 = arith.constant 1 : i32
      %add3A_37 = vector.broadcast %add3A_36 : i32 to vector<16xi32>
      %add3A_38 = arith.addi %add3A_29, %add3A_37 : vector<16xi32>
      %gather3A_39 = tpu.vector_load_idx %arg6[%add3A_38] : memref<15360xi32, #tpu.memory_space<vmem>>[vector<16xi32>], vector<16xi32>,
      %gather3A_40 = tpu.vector_load_idx %arg5[%gather3A_39] : memref<102400xf32, #tpu.memory_space<vmem>>[vector<16xi32>], vector<16xf32>,
      %add3A_41 = arith.addf %add3A_35, %gather3A_40 : vector<16xf32>
      %add3A_42 = arith.constant 2 : i32
      %add3A_43 = vector.broadcast %add3A_42 : i32 to vector<16xi32>
      %add3A_44 = arith.addi %add3A_29, %add3A_43 : vector<16xi32>
      %gather3A_45 = tpu.vector_load_idx %arg6[%add3A_44] : memref<15360xi32, #tpu.memory_space<vmem>>[vector<16xi32>], vector<16xi32>,
      %gather3A_46 = tpu.vector_load_idx %arg5[%gather3A_45] : memref<102400xf32, #tpu.memory_space<vmem>>[vector<16xi32>], vector<16xf32>,
      %add3A_47 = arith.addf %add3A_41, %gather3A_46 : vector<16xf32>
      %add3A_48 = arith.constant 3 : i32
      %add3A_49 = vector.broadcast %add3A_48 : i32 to vector<16xi32>
      %add3A_50 = arith.addi %add3A_29, %add3A_49 : vector<16xi32>
      %gather3A_51 = tpu.vector_load_idx %arg6[%add3A_50] : memref<15360xi32, #tpu.memory_space<vmem>>[vector<16xi32>], vector<16xi32>,
      %gather3A_52 = tpu.vector_load_idx %arg5[%gather3A_51] : memref<102400xf32, #tpu.memory_space<vmem>>[vector<16xi32>], vector<16xf32>,
      %add3A_53 = arith.addf %add3A_47, %gather3A_52 : vector<16xf32>
      %add3A_54 = arith.constant 4 : i32
      %add3A_55 = vector.broadcast %add3A_54 : i32 to vector<16xi32>
      %add3A_56 = arith.addi %add3A_29, %add3A_55 : vector<16xi32>
      %gather3A_57 = tpu.vector_load_idx %arg6[%add3A_56] : memref<15360xi32, #tpu.memory_space<vmem>>[vector<16xi32>], vector<16xi32>,
      %gather3A_58 = tpu.vector_load_idx %arg5[%gather3A_57] : memref<102400xf32, #tpu.memory_space<vmem>>[vector<16xi32>], vector<16xf32>,
      %add3A_59 = arith.addf %add3A_53, %gather3A_58 : vector<16xf32>
      %add3A_60 = arith.constant 5 : i32
      %add3A_61 = vector.broadcast %add3A_60 : i32 to vector<16xi32>
      %add3A_62 = arith.addi %add3A_29, %add3A_61 : vector<16xi32>
      %gather3A_63 = tpu.vector_load_idx %arg6[%add3A_62] : memref<15360xi32, #tpu.memory_space<vmem>>[vector<16xi32>], vector<16xi32>,
      %gather3A_64 = tpu.vector_load_idx %arg5[%gather3A_63] : memref<102400xf32, #tpu.memory_space<vmem>>[vector<16xi32>], vector<16xf32>,
      %add3A_65 = arith.addf %add3A_59, %gather3A_64 : vector<16xf32>
      %add3A_66 = arith.constant 6 : i32
      %add3A_67 = vector.broadcast %add3A_66 : i32 to vector<16xi32>
      %add3A_68 = arith.addi %add3A_29, %add3A_67 : vector<16xi32>
      %gather3A_69 = tpu.vector_load_idx %arg6[%add3A_68] : memref<15360xi32, #tpu.memory_space<vmem>>[vector<16xi32>], vector<16xi32>,
      %gather3A_70 = tpu.vector_load_idx %arg5[%gather3A_69] : memref<102400xf32, #tpu.memory_space<vmem>>[vector<16xi32>], vector<16xf32>,
      %add3A_71 = arith.addf %add3A_65, %gather3A_70 : vector<16xf32>
      %add3A_72 = arith.constant 7 : i32
      %add3A_73 = vector.broadcast %add3A_72 : i32 to vector<16xi32>
      %add3A_74 = arith.addi %add3A_29, %add3A_73 : vector<16xi32>
      %gather3A_75 = tpu.vector_load_idx %arg6[%add3A_74] : memref<15360xi32, #tpu.memory_space<vmem>>[vector<16xi32>], vector<16xi32>,
      %gather3A_76 = tpu.vector_load_idx %arg5[%gather3A_75] : memref<102400xf32, #tpu.memory_space<vmem>>[vector<16xi32>], vector<16xf32>,
      %add3A_77 = arith.addf %add3A_71, %gather3A_76 : vector<16xf32>
      %add3A_78 = arith.constant 8 : i32
      %add3A_79 = vector.broadcast %add3A_78 : i32 to vector<16xi32>
      %add3A_80 = arith.addi %add3A_29, %add3A_79 : vector<16xi32>
      %gather3A_81 = tpu.vector_load_idx %arg6[%add3A_80] : memref<15360xi32, #tpu.memory_space<vmem>>[vector<16xi32>], vector<16xi32>,
      %gather3A_82 = tpu.vector_load_idx %arg5[%gather3A_81] : memref<102400xf32, #tpu.memory_space<vmem>>[vector<16xi32>], vector<16xf32>,
      %add3A_83 = arith.addf %add3A_77, %gather3A_82 : vector<16xf32>
      %add3A_84 = arith.constant 9 : i32
      %add3A_85 = vector.broadcast %add3A_84 : i32 to vector<16xi32>
      %add3A_86 = arith.addi %add3A_29, %add3A_85 : vector<16xi32>
      %gather3A_87 = tpu.vector_load_idx %arg6[%add3A_86] : memref<15360xi32, #tpu.memory_space<vmem>>[vector<16xi32>], vector<16xi32>,
      %gather3A_88 = tpu.vector_load_idx %arg5[%gather3A_87] : memref<102400xf32, #tpu.memory_space<vmem>>[vector<16xi32>], vector<16xf32>,
      %add3A_89 = arith.addf %add3A_83, %gather3A_88 : vector<16xf32>
      %add3A_90 = arith.constant 10 : i32
      %add3A_91 = vector.broadcast %add3A_90 : i32 to vector<16xi32>
      %add3A_92 = arith.addi %add3A_29, %add3A_91 : vector<16xi32>
      %gather3A_93 = tpu.vector_load_idx %arg6[%add3A_92] : memref<15360xi32, #tpu.memory_space<vmem>>[vector<16xi32>], vector<16xi32>,
      %gather3A_94 = tpu.vector_load_idx %arg5[%gather3A_93] : memref<102400xf32, #tpu.memory_space<vmem>>[vector<16xi32>], vector<16xf32>,
      %add3A_95 = arith.addf %add3A_89, %gather3A_94 : vector<16xf32>
      %add3A_96 = arith.constant 11 : i32
      %add3A_97 = vector.broadcast %add3A_96 : i32 to vector<16xi32>
      %add3A_98 = arith.addi %add3A_29, %add3A_97 : vector<16xi32>
      %gather3A_99 = tpu.vector_load_idx %arg6[%add3A_98] : memref<15360xi32, #tpu.memory_space<vmem>>[vector<16xi32>], vector<16xi32>,
      %gather3A_100 = tpu.vector_load_idx %arg5[%gather3A_99] : memref<102400xf32, #tpu.memory_space<vmem>>[vector<16xi32>], vector<16xf32>,
      %add3A_101 = arith.addf %add3A_95, %gather3A_100 : vector<16xf32>
      %add3A_102 = arith.constant 12 : i32
      %add3A_103 = vector.broadcast %add3A_102 : i32 to vector<16xi32>
      %add3A_104 = arith.addi %add3A_29, %add3A_103 : vector<16xi32>
      %gather3A_105 = tpu.vector_load_idx %arg6[%add3A_104] : memref<15360xi32, #tpu.memory_space<vmem>>[vector<16xi32>], vector<16xi32>,
      %gather3A_106 = tpu.vector_load_idx %arg5[%gather3A_105] : memref<102400xf32, #tpu.memory_space<vmem>>[vector<16xi32>], vector<16xf32>,
      %add3A_107 = arith.addf %add3A_101, %gather3A_106 : vector<16xf32>
      %add3A_108 = arith.constant 13 : i32
      %add3A_109 = vector.broadcast %add3A_108 : i32 to vector<16xi32>
      %add3A_110 = arith.addi %add3A_29, %add3A_109 : vector<16xi32>
      %gather3A_111 = tpu.vector_load_idx %arg6[%add3A_110] : memref<15360xi32, #tpu.memory_space<vmem>>[vector<16xi32>], vector<16xi32>,
      %gather3A_112 = tpu.vector_load_idx %arg5[%gather3A_111] : memref<102400xf32, #tpu.memory_space<vmem>>[vector<16xi32>], vector<16xf32>,
      %add3A_113 = arith.addf %add3A_107, %gather3A_112 : vector<16xf32>
      %add3A_114 = arith.constant 14 : i32
      %add3A_115 = vector.broadcast %add3A_114 : i32 to vector<16xi32>
      %add3A_116 = arith.addi %add3A_29, %add3A_115 : vector<16xi32>
      %gather3A_117 = tpu.vector_load_idx %arg6[%add3A_116] : memref<15360xi32, #tpu.memory_space<vmem>>[vector<16xi32>], vector<16xi32>,
      %gather3A_118 = tpu.vector_load_idx %arg5[%gather3A_117] : memref<102400xf32, #tpu.memory_space<vmem>>[vector<16xi32>], vector<16xf32>,
      %add3A_119 = arith.addf %add3A_113, %gather3A_118 : vector<16xf32>
      %add3A_120 = arith.constant 15 : i32
      %add3A_121 = vector.broadcast %add3A_120 : i32 to vector<16xi32>
      %add3A_122 = arith.addi %add3A_29, %add3A_121 : vector<16xi32>
      %gather3A_123 = tpu.vector_load_idx %arg6[%add3A_122] : memref<15360xi32, #tpu.memory_space<vmem>>[vector<16xi32>], vector<16xi32>,
      %gather3A_124 = tpu.vector_load_idx %arg5[%gather3A_123] : memref<102400xf32, #tpu.memory_space<vmem>>[vector<16xi32>], vector<16xf32>,
      %add3A_125 = arith.addf %add3A_119, %gather3A_124 : vector<16xf32>
      %add3A_126 = arith.constant 16 : i32
      %add3A_127 = vector.broadcast %add3A_126 : i32 to vector<16xi32>
      %add3A_128 = arith.addi %add3A_29, %add3A_127 : vector<16xi32>
      %gather3A_129 = tpu.vector_load_idx %arg6[%add3A_128] : memref<15360xi32, #tpu.memory_space<vmem>>[vector<16xi32>], vector<16xi32>,
      %gather3A_130 = tpu.vector_load_idx %arg5[%gather3A_129] : memref<102400xf32, #tpu.memory_space<vmem>>[vector<16xi32>], vector<16xf32>,
      %add3A_131 = arith.addf %add3A_125, %gather3A_130 : vector<16xf32>
      %add3A_132 = arith.constant 17 : i32
      %add3A_133 = vector.broadcast %add3A_132 : i32 to vector<16xi32>
      %add3A_134 = arith.addi %add3A_29, %add3A_133 : vector<16xi32>
      %gather3A_135 = tpu.vector_load_idx %arg6[%add3A_134] : memref<15360xi32, #tpu.memory_space<vmem>>[vector<16xi32>], vector<16xi32>,
      %gather3A_136 = tpu.vector_load_idx %arg5[%gather3A_135] : memref<102400xf32, #tpu.memory_space<vmem>>[vector<16xi32>], vector<16xf32>,
      %add3A_137 = arith.addf %add3A_131, %gather3A_136 : vector<16xf32>
      %add3A_138 = arith.constant 18 : i32
      %add3A_139 = vector.broadcast %add3A_138 : i32 to vector<16xi32>
      %add3A_140 = arith.addi %add3A_29, %add3A_139 : vector<16xi32>
      %gather3A_141 = tpu.vector_load_idx %arg6[%add3A_140] : memref<15360xi32, #tpu.memory_space<vmem>>[vector<16xi32>], vector<16xi32>,
      %gather3A_142 = tpu.vector_load_idx %arg5[%gather3A_141] : memref<102400xf32, #tpu.memory_space<vmem>>[vector<16xi32>], vector<16xf32>,
      %add3A_143 = arith.addf %add3A_137, %gather3A_142 : vector<16xf32>
      %add3A_144 = arith.constant 19 : i32
      %add3A_145 = vector.broadcast %add3A_144 : i32 to vector<16xi32>
      %add3A_146 = arith.addi %add3A_29, %add3A_145 : vector<16xi32>
      %gather3A_147 = tpu.vector_load_idx %arg6[%add3A_146] : memref<15360xi32, #tpu.memory_space<vmem>>[vector<16xi32>], vector<16xi32>,
      %gather3A_148 = tpu.vector_load_idx %arg5[%gather3A_147] : memref<102400xf32, #tpu.memory_space<vmem>>[vector<16xi32>], vector<16xf32>,
      %add3A_149 = arith.addf %add3A_143, %gather3A_148 : vector<16xf32>
      %add3A_150 = arith.constant 20 : i32
      %add3A_151 = vector.broadcast %add3A_150 : i32 to vector<16xi32>
      %add3A_152 = arith.addi %add3A_29, %add3A_151 : vector<16xi32>
      %gather3A_153 = tpu.vector_load_idx %arg6[%add3A_152] : memref<15360xi32, #tpu.memory_space<vmem>>[vector<16xi32>], vector<16xi32>,
      %gather3A_154 = tpu.vector_load_idx %arg5[%gather3A_153] : memref<102400xf32, #tpu.memory_space<vmem>>[vector<16xi32>], vector<16xf32>,
      %add3A_155 = arith.addf %add3A_149, %gather3A_154 : vector<16xf32>
      %add3A_156 = arith.constant 21 : i32
      %add3A_157 = vector.broadcast %add3A_156 : i32 to vector<16xi32>
      %add3A_158 = arith.addi %add3A_29, %add3A_157 : vector<16xi32>
      %gather3A_159 = tpu.vector_load_idx %arg6[%add3A_158] : memref<15360xi32, #tpu.memory_space<vmem>>[vector<16xi32>], vector<16xi32>,
      %gather3A_160 = tpu.vector_load_idx %arg5[%gather3A_159] : memref<102400xf32, #tpu.memory_space<vmem>>[vector<16xi32>], vector<16xf32>,
      %add3A_161 = arith.addf %add3A_155, %gather3A_160 : vector<16xf32>
      %add3A_162 = arith.constant 22 : i32
      %add3A_163 = vector.broadcast %add3A_162 : i32 to vector<16xi32>
      %add3A_164 = arith.addi %add3A_29, %add3A_163 : vector<16xi32>
      %gather3A_165 = tpu.vector_load_idx %arg6[%add3A_164] : memref<15360xi32, #tpu.memory_space<vmem>>[vector<16xi32>], vector<16xi32>,
      %gather3A_166 = tpu.vector_load_idx %arg5[%gather3A_165] : memref<102400xf32, #tpu.memory_space<vmem>>[vector<16xi32>], vector<16xf32>,
      %add3A_167 = arith.addf %add3A_161, %gather3A_166 : vector<16xf32>
      %add3A_168 = arith.constant 23 : i32
      %add3A_169 = vector.broadcast %add3A_168 : i32 to vector<16xi32>
      %add3A_170 = arith.addi %add3A_29, %add3A_169 : vector<16xi32>
      %gather3A_171 = tpu.vector_load_idx %arg6[%add3A_170] : memref<15360xi32, #tpu.memory_space<vmem>>[vector<16xi32>], vector<16xi32>,
      %gather3A_172 = tpu.vector_load_idx %arg5[%gather3A_171] : memref<102400xf32, #tpu.memory_space<vmem>>[vector<16xi32>], vector<16xf32>,
      %add3A_173 = arith.addf %add3A_167, %gather3A_172 : vector<16xf32>
      %add3A_174 = arith.constant 24 : i32
      %add3A_175 = vector.broadcast %add3A_174 : i32 to vector<16xi32>
      %add3A_176 = arith.addi %add3A_29, %add3A_175 : vector<16xi32>
      %gather3A_177 = tpu.vector_load_idx %arg6[%add3A_176] : memref<15360xi32, #tpu.memory_space<vmem>>[vector<16xi32>], vector<16xi32>,
      %gather3A_178 = tpu.vector_load_idx %arg5[%gather3A_177] : memref<102400xf32, #tpu.memory_space<vmem>>[vector<16xi32>], vector<16xf32>,
      %add3A_179 = arith.addf %add3A_173, %gather3A_178 : vector<16xf32>
      %add3A_180 = arith.constant 25 : i32
      %add3A_181 = vector.broadcast %add3A_180 : i32 to vector<16xi32>
      %add3A_182 = arith.addi %add3A_29, %add3A_181 : vector<16xi32>
      %gather3A_183 = tpu.vector_load_idx %arg6[%add3A_182] : memref<15360xi32, #tpu.memory_space<vmem>>[vector<16xi32>], vector<16xi32>,
      %gather3A_184 = tpu.vector_load_idx %arg5[%gather3A_183] : memref<102400xf32, #tpu.memory_space<vmem>>[vector<16xi32>], vector<16xf32>,
      %add3A_185 = arith.addf %add3A_179, %gather3A_184 : vector<16xf32>
      %add3A_186 = arith.constant 26 : i32
      %add3A_187 = vector.broadcast %add3A_186 : i32 to vector<16xi32>
      %add3A_188 = arith.addi %add3A_29, %add3A_187 : vector<16xi32>
      %gather3A_189 = tpu.vector_load_idx %arg6[%add3A_188] : memref<15360xi32, #tpu.memory_space<vmem>>[vector<16xi32>], vector<16xi32>,
      %gather3A_190 = tpu.vector_load_idx %arg5[%gather3A_189] : memref<102400xf32, #tpu.memory_space<vmem>>[vector<16xi32>], vector<16xf32>,
      %add3A_191 = arith.addf %add3A_185, %gather3A_190 : vector<16xf32>
      %add3A_192 = arith.constant 27 : i32
      %add3A_193 = vector.broadcast %add3A_192 : i32 to vector<16xi32>
      %add3A_194 = arith.addi %add3A_29, %add3A_193 : vector<16xi32>
      %gather3A_195 = tpu.vector_load_idx %arg6[%add3A_194] : memref<15360xi32, #tpu.memory_space<vmem>>[vector<16xi32>], vector<16xi32>,
      %gather3A_196 = tpu.vector_load_idx %arg5[%gather3A_195] : memref<102400xf32, #tpu.memory_space<vmem>>[vector<16xi32>], vector<16xf32>,
      %add3A_197 = arith.addf %add3A_191, %gather3A_196 : vector<16xf32>
      %add3A_198 = arith.constant 28 : i32
      %add3A_199 = vector.broadcast %add3A_198 : i32 to vector<16xi32>
      %add3A_200 = arith.addi %add3A_29, %add3A_199 : vector<16xi32>
      %gather3A_201 = tpu.vector_load_idx %arg6[%add3A_200] : memref<15360xi32, #tpu.memory_space<vmem>>[vector<16xi32>], vector<16xi32>,
      %gather3A_202 = tpu.vector_load_idx %arg5[%gather3A_201] : memref<102400xf32, #tpu.memory_space<vmem>>[vector<16xi32>], vector<16xf32>,
      %add3A_203 = arith.addf %add3A_197, %gather3A_202 : vector<16xf32>
      %add3A_204 = arith.constant 29 : i32
      %add3A_205 = vector.broadcast %add3A_204 : i32 to vector<16xi32>
      %add3A_206 = arith.addi %add3A_29, %add3A_205 : vector<16xi32>
      %gather3A_207 = tpu.vector_load_idx %arg6[%add3A_206] : memref<15360xi32, #tpu.memory_space<vmem>>[vector<16xi32>], vector<16xi32>,
      %gather3A_208 = tpu.vector_load_idx %arg5[%gather3A_207] : memref<102400xf32, #tpu.memory_space<vmem>>[vector<16xi32>], vector<16xf32>,
      %add3A_209 = arith.addf %add3A_203, %gather3A_208 : vector<16xf32>
      %add3A_210 = arith.constant 30 : i32
      %add3A_211 = vector.broadcast %add3A_210 : i32 to vector<16xi32>
      %add3A_212 = arith.addi %add3A_29, %add3A_211 : vector<16xi32>
      %gather3A_213 = tpu.vector_load_idx %arg6[%add3A_212] : memref<15360xi32, #tpu.memory_space<vmem>>[vector<16xi32>], vector<16xi32>,
      %gather3A_214 = tpu.vector_load_idx %arg5[%gather3A_213] : memref<102400xf32, #tpu.memory_space<vmem>>[vector<16xi32>], vector<16xf32>,
      %add3A_215 = arith.addf %add3A_209, %gather3A_214 : vector<16xf32>
      %add3A_216 = arith.constant 31 : i32
      %add3A_217 = vector.broadcast %add3A_216 : i32 to vector<16xi32>
      %add3A_218 = arith.addi %add3A_29, %add3A_217 : vector<16xi32>
      %gather3A_219 = tpu.vector_load_idx %arg6[%add3A_218] : memref<15360xi32, #tpu.memory_space<vmem>>[vector<16xi32>], vector<16xi32>,
      %gather3A_220 = tpu.vector_load_idx %arg5[%gather3A_219] : memref<102400xf32, #tpu.memory_space<vmem>>[vector<16xi32>], vector<16xf32>,
      %add3A_221 = arith.addf %add3A_215, %gather3A_220 : vector<16xf32>
      %add3A_222 = arith.constant 32 : i32
      %add3A_223 = vector.broadcast %add3A_222 : i32 to vector<16xi32>
      %add3A_224 = arith.addi %add3A_29, %add3A_223 : vector<16xi32>
      %gather3A_225 = tpu.vector_load_idx %arg6[%add3A_224] : memref<15360xi32, #tpu.memory_space<vmem>>[vector<16xi32>], vector<16xi32>,
      %gather3A_226 = tpu.vector_load_idx %arg5[%gather3A_225] : memref<102400xf32, #tpu.memory_space<vmem>>[vector<16xi32>], vector<16xf32>,
      %add3A_227 = arith.addf %add3A_221, %gather3A_226 : vector<16xf32>
      %add3A_228 = arith.constant 33 : i32
      %add3A_229 = vector.broadcast %add3A_228 : i32 to vector<16xi32>
      %add3A_230 = arith.addi %add3A_29, %add3A_229 : vector<16xi32>
      %gather3A_231 = tpu.vector_load_idx %arg6[%add3A_230] : memref<15360xi32, #tpu.memory_space<vmem>>[vector<16xi32>], vector<16xi32>,
      %gather3A_232 = tpu.vector_load_idx %arg5[%gather3A_231] : memref<102400xf32, #tpu.memory_space<vmem>>[vector<16xi32>], vector<16xf32>,
      %add3A_233 = arith.addf %add3A_227, %gather3A_232 : vector<16xf32>
      %add3A_234 = arith.constant 34 : i32
      %add3A_235 = vector.broadcast %add3A_234 : i32 to vector<16xi32>
      %add3A_236 = arith.addi %add3A_29, %add3A_235 : vector<16xi32>
      %gather3A_237 = tpu.vector_load_idx %arg6[%add3A_236] : memref<15360xi32, #tpu.memory_space<vmem>>[vector<16xi32>], vector<16xi32>,
      %gather3A_238 = tpu.vector_load_idx %arg5[%gather3A_237] : memref<102400xf32, #tpu.memory_space<vmem>>[vector<16xi32>], vector<16xf32>,
      %add3A_239 = arith.addf %add3A_233, %gather3A_238 : vector<16xf32>
      %add3A_240 = arith.constant 35 : i32
      %add3A_241 = vector.broadcast %add3A_240 : i32 to vector<16xi32>
      %add3A_242 = arith.addi %add3A_29, %add3A_241 : vector<16xi32>
      %gather3A_243 = tpu.vector_load_idx %arg6[%add3A_242] : memref<15360xi32, #tpu.memory_space<vmem>>[vector<16xi32>], vector<16xi32>,
      %gather3A_244 = tpu.vector_load_idx %arg5[%gather3A_243] : memref<102400xf32, #tpu.memory_space<vmem>>[vector<16xi32>], vector<16xf32>,
      %add3A_245 = arith.addf %add3A_239, %gather3A_244 : vector<16xf32>
      %add3A_246 = arith.constant 36 : i32
      %add3A_247 = vector.broadcast %add3A_246 : i32 to vector<16xi32>
      %add3A_248 = arith.addi %add3A_29, %add3A_247 : vector<16xi32>
      %gather3A_249 = tpu.vector_load_idx %arg6[%add3A_248] : memref<15360xi32, #tpu.memory_space<vmem>>[vector<16xi32>], vector<16xi32>,
      %gather3A_250 = tpu.vector_load_idx %arg5[%gather3A_249] : memref<102400xf32, #tpu.memory_space<vmem>>[vector<16xi32>], vector<16xf32>,
      %add3A_251 = arith.addf %add3A_245, %gather3A_250 : vector<16xf32>
      %add3A_252 = arith.constant 37 : i32
      %add3A_253 = vector.broadcast %add3A_252 : i32 to vector<16xi32>
      %add3A_254 = arith.addi %add3A_29, %add3A_253 : vector<16xi32>
      %gather3A_255 = tpu.vector_load_idx %arg6[%add3A_254] : memref<15360xi32, #tpu.memory_space<vmem>>[vector<16xi32>], vector<16xi32>,
      %gather3A_256 = tpu.vector_load_idx %arg5[%gather3A_255] : memref<102400xf32, #tpu.memory_space<vmem>>[vector<16xi32>], vector<16xf32>,
      %add3A_257 = arith.addf %add3A_251, %gather3A_256 : vector<16xf32>
      %add3A_258 = arith.constant 38 : i32
      %add3A_259 = vector.broadcast %add3A_258 : i32 to vector<16xi32>
      %add3A_260 = arith.addi %add3A_29, %add3A_259 : vector<16xi32>
      %gather3A_261 = tpu.vector_load_idx %arg6[%add3A_260] : memref<15360xi32, #tpu.memory_space<vmem>>[vector<16xi32>], vector<16xi32>,
      %gather3A_262 = tpu.vector_load_idx %arg5[%gather3A_261] : memref<102400xf32, #tpu.memory_space<vmem>>[vector<16xi32>], vector<16xf32>,
      %add3A_263 = arith.addf %add3A_257, %gather3A_262 : vector<16xf32>
      %add3A_264 = arith.constant 39 : i32
      %add3A_265 = vector.broadcast %add3A_264 : i32 to vector<16xi32>
      %add3A_266 = arith.addi %add3A_29, %add3A_265 : vector<16xi32>
      %gather3A_267 = tpu.vector_load_idx %arg6[%add3A_266] : memref<15360xi32, #tpu.memory_space<vmem>>[vector<16xi32>], vector<16xi32>,
      %gather3A_268 = tpu.vector_load_idx %arg5[%gather3A_267] : memref<102400xf32, #tpu.memory_space<vmem>>[vector<16xi32>], vector<16xf32>,
      %add3A_269 = arith.addf %add3A_263, %gather3A_268 : vector<16xf32>
      %add3A_270 = arith.constant 40 : i32
      %add3A_271 = vector.broadcast %add3A_270 : i32 to vector<16xi32>
      %add3A_272 = arith.addi %add3A_29, %add3A_271 : vector<16xi32>
      %gather3A_273 = tpu.vector_load_idx %arg6[%add3A_272] : memref<15360xi32, #tpu.memory_space<vmem>>[vector<16xi32>], vector<16xi32>,
      %gather3A_274 = tpu.vector_load_idx %arg5[%gather3A_273] : memref<102400xf32, #tpu.memory_space<vmem>>[vector<16xi32>], vector<16xf32>,
      %add3A_275 = arith.addf %add3A_269, %gather3A_274 : vector<16xf32>
      %add3A_276 = arith.constant 41 : i32
      %add3A_277 = vector.broadcast %add3A_276 : i32 to vector<16xi32>
      %add3A_278 = arith.addi %add3A_29, %add3A_277 : vector<16xi32>
      %gather3A_279 = tpu.vector_load_idx %arg6[%add3A_278] : memref<15360xi32, #tpu.memory_space<vmem>>[vector<16xi32>], vector<16xi32>,
      %gather3A_280 = tpu.vector_load_idx %arg5[%gather3A_279] : memref<102400xf32, #tpu.memory_space<vmem>>[vector<16xi32>], vector<16xf32>,
      %add3A_281 = arith.addf %add3A_275, %gather3A_280 : vector<16xf32>
      %add3A_282 = arith.constant 42 : i32
      %add3A_283 = vector.broadcast %add3A_282 : i32 to vector<16xi32>
      %add3A_284 = arith.addi %add3A_29, %add3A_283 : vector<16xi32>
      %gather3A_285 = tpu.vector_load_idx %arg6[%add3A_284] : memref<15360xi32, #tpu.memory_space<vmem>>[vector<16xi32>], vector<16xi32>,
      %gather3A_286 = tpu.vector_load_idx %arg5[%gather3A_285] : memref<102400xf32, #tpu.memory_space<vmem>>[vector<16xi32>], vector<16xf32>,
      %add3A_287 = arith.addf %add3A_281, %gather3A_286 : vector<16xf32>
      %add3A_288 = arith.constant 43 : i32
      %add3A_289 = vector.broadcast %add3A_288 : i32 to vector<16xi32>
      %add3A_290 = arith.addi %add3A_29, %add3A_289 : vector<16xi32>
      %gather3A_291 = tpu.vector_load_idx %arg6[%add3A_290] : memref<15360xi32, #tpu.memory_space<vmem>>[vector<16xi32>], vector<16xi32>,
      %gather3A_292 = tpu.vector_load_idx %arg5[%gather3A_291] : memref<102400xf32, #tpu.memory_space<vmem>>[vector<16xi32>], vector<16xf32>,
      %add3A_293 = arith.addf %add3A_287, %gather3A_292 : vector<16xf32>
      %add3A_294 = arith.constant 44 : i32
      %add3A_295 = vector.broadcast %add3A_294 : i32 to vector<16xi32>
      %add3A_296 = arith.addi %add3A_29, %add3A_295 : vector<16xi32>
      %gather3A_297 = tpu.vector_load_idx %arg6[%add3A_296] : memref<15360xi32, #tpu.memory_space<vmem>>[vector<16xi32>], vector<16xi32>,
      %gather3A_298 = tpu.vector_load_idx %arg5[%gather3A_297] : memref<102400xf32, #tpu.memory_space<vmem>>[vector<16xi32>], vector<16xf32>,
      %add3A_299 = arith.addf %add3A_293, %gather3A_298 : vector<16xf32>
      %add3A_300 = arith.constant 45 : i32
      %add3A_301 = vector.broadcast %add3A_300 : i32 to vector<16xi32>
      %add3A_302 = arith.addi %add3A_29, %add3A_301 : vector<16xi32>
      %gather3A_303 = tpu.vector_load_idx %arg6[%add3A_302] : memref<15360xi32, #tpu.memory_space<vmem>>[vector<16xi32>], vector<16xi32>,
      %gather3A_304 = tpu.vector_load_idx %arg5[%gather3A_303] : memref<102400xf32, #tpu.memory_space<vmem>>[vector<16xi32>], vector<16xf32>,
      %add3A_305 = arith.addf %add3A_299, %gather3A_304 : vector<16xf32>
      %add3A_306 = arith.constant 46 : i32
      %add3A_307 = vector.broadcast %add3A_306 : i32 to vector<16xi32>
      %add3A_308 = arith.addi %add3A_29, %add3A_307 : vector<16xi32>
      %gather3A_309 = tpu.vector_load_idx %arg6[%add3A_308] : memref<15360xi32, #tpu.memory_space<vmem>>[vector<16xi32>], vector<16xi32>,
      %gather3A_310 = tpu.vector_load_idx %arg5[%gather3A_309] : memref<102400xf32, #tpu.memory_space<vmem>>[vector<16xi32>], vector<16xf32>,
      %add3A_311 = arith.addf %add3A_305, %gather3A_310 : vector<16xf32>
      %add3A_312 = arith.constant 47 : i32
      %add3A_313 = vector.broadcast %add3A_312 : i32 to vector<16xi32>
      %add3A_314 = arith.addi %add3A_29, %add3A_313 : vector<16xi32>
      %gather3A_315 = tpu.vector_load_idx %arg6[%add3A_314] : memref<15360xi32, #tpu.memory_space<vmem>>[vector<16xi32>], vector<16xi32>,
      %gather3A_316 = tpu.vector_load_idx %arg5[%gather3A_315] : memref<102400xf32, #tpu.memory_space<vmem>>[vector<16xi32>], vector<16xf32>,
      %add3A_317 = arith.addf %add3A_311, %gather3A_316 : vector<16xf32>
      %add3A_318 = arith.constant 48 : i32
      %add3A_319 = vector.broadcast %add3A_318 : i32 to vector<16xi32>
      %add3A_320 = arith.addi %add3A_29, %add3A_319 : vector<16xi32>
      %gather3A_321 = tpu.vector_load_idx %arg6[%add3A_320] : memref<15360xi32, #tpu.memory_space<vmem>>[vector<16xi32>], vector<16xi32>,
      %gather3A_322 = tpu.vector_load_idx %arg5[%gather3A_321] : memref<102400xf32, #tpu.memory_space<vmem>>[vector<16xi32>], vector<16xf32>,
      %add3A_323 = arith.addf %add3A_317, %gather3A_322 : vector<16xf32>
      %add3A_324 = arith.constant 49 : i32
      %add3A_325 = vector.broadcast %add3A_324 : i32 to vector<16xi32>
      %add3A_326 = arith.addi %add3A_29, %add3A_325 : vector<16xi32>
      %gather3A_327 = tpu.vector_load_idx %arg6[%add3A_326] : memref<15360xi32, #tpu.memory_space<vmem>>[vector<16xi32>], vector<16xi32>,
      %gather3A_328 = tpu.vector_load_idx %arg5[%gather3A_327] : memref<102400xf32, #tpu.memory_space<vmem>>[vector<16xi32>], vector<16xf32>,
      %add3A_329 = arith.addf %add3A_323, %gather3A_328 : vector<16xf32>
      %add3A_330 = arith.constant 50 : i32
      %add3A_331 = vector.broadcast %add3A_330 : i32 to vector<16xi32>
      %add3A_332 = arith.addi %add3A_29, %add3A_331 : vector<16xi32>
      %gather3A_333 = tpu.vector_load_idx %arg6[%add3A_332] : memref<15360xi32, #tpu.memory_space<vmem>>[vector<16xi32>], vector<16xi32>,
      %gather3A_334 = tpu.vector_load_idx %arg5[%gather3A_333] : memref<102400xf32, #tpu.memory_space<vmem>>[vector<16xi32>], vector<16xf32>,
      %add3A_335 = arith.addf %add3A_329, %gather3A_334 : vector<16xf32>
      %add3A_336 = arith.constant 51 : i32
      %add3A_337 = vector.broadcast %add3A_336 : i32 to vector<16xi32>
      %add3A_338 = arith.addi %add3A_29, %add3A_337 : vector<16xi32>
      %gather3A_339 = tpu.vector_load_idx %arg6[%add3A_338] : memref<15360xi32, #tpu.memory_space<vmem>>[vector<16xi32>], vector<16xi32>,
      %gather3A_340 = tpu.vector_load_idx %arg5[%gather3A_339] : memref<102400xf32, #tpu.memory_space<vmem>>[vector<16xi32>], vector<16xf32>,
      %add3A_341 = arith.addf %add3A_335, %gather3A_340 : vector<16xf32>
      %add3A_342 = arith.constant 52 : i32
      %add3A_343 = vector.broadcast %add3A_342 : i32 to vector<16xi32>
      %add3A_344 = arith.addi %add3A_29, %add3A_343 : vector<16xi32>
      %gather3A_345 = tpu.vector_load_idx %arg6[%add3A_344] : memref<15360xi32, #tpu.memory_space<vmem>>[vector<16xi32>], vector<16xi32>,
      %gather3A_346 = tpu.vector_load_idx %arg5[%gather3A_345] : memref<102400xf32, #tpu.memory_space<vmem>>[vector<16xi32>], vector<16xf32>,
      %add3A_347 = arith.addf %add3A_341, %gather3A_346 : vector<16xf32>
      %add3A_348 = arith.constant 53 : i32
      %add3A_349 = vector.broadcast %add3A_348 : i32 to vector<16xi32>
      %add3A_350 = arith.addi %add3A_29, %add3A_349 : vector<16xi32>
      %gather3A_351 = tpu.vector_load_idx %arg6[%add3A_350] : memref<15360xi32, #tpu.memory_space<vmem>>[vector<16xi32>], vector<16xi32>,
      %gather3A_352 = tpu.vector_load_idx %arg5[%gather3A_351] : memref<102400xf32, #tpu.memory_space<vmem>>[vector<16xi32>], vector<16xf32>,
      %add3A_353 = arith.addf %add3A_347, %gather3A_352 : vector<16xf32>
      %add3A_354 = arith.constant 54 : i32
      %add3A_355 = vector.broadcast %add3A_354 : i32 to vector<16xi32>
      %add3A_356 = arith.addi %add3A_29, %add3A_355 : vector<16xi32>
      %gather3A_357 = tpu.vector_load_idx %arg6[%add3A_356] : memref<15360xi32, #tpu.memory_space<vmem>>[vector<16xi32>], vector<16xi32>,
      %gather3A_358 = tpu.vector_load_idx %arg5[%gather3A_357] : memref<102400xf32, #tpu.memory_space<vmem>>[vector<16xi32>], vector<16xf32>,
      %add3A_359 = arith.addf %add3A_353, %gather3A_358 : vector<16xf32>
      %add3A_360 = arith.constant 55 : i32
      %add3A_361 = vector.broadcast %add3A_360 : i32 to vector<16xi32>
      %add3A_362 = arith.addi %add3A_29, %add3A_361 : vector<16xi32>
      %gather3A_363 = tpu.vector_load_idx %arg6[%add3A_362] : memref<15360xi32, #tpu.memory_space<vmem>>[vector<16xi32>], vector<16xi32>,
      %gather3A_364 = tpu.vector_load_idx %arg5[%gather3A_363] : memref<102400xf32, #tpu.memory_space<vmem>>[vector<16xi32>], vector<16xf32>,
      %add3A_365 = arith.addf %add3A_359, %gather3A_364 : vector<16xf32>
      %add3A_366 = arith.constant 56 : i32
      %add3A_367 = vector.broadcast %add3A_366 : i32 to vector<16xi32>
      %add3A_368 = arith.addi %add3A_29, %add3A_367 : vector<16xi32>
      %gather3A_369 = tpu.vector_load_idx %arg6[%add3A_368] : memref<15360xi32, #tpu.memory_space<vmem>>[vector<16xi32>], vector<16xi32>,
      %gather3A_370 = tpu.vector_load_idx %arg5[%gather3A_369] : memref<102400xf32, #tpu.memory_space<vmem>>[vector<16xi32>], vector<16xf32>,
      %add3A_371 = arith.addf %add3A_365, %gather3A_370 : vector<16xf32>
      %add3A_372 = arith.constant 57 : i32
      %add3A_373 = vector.broadcast %add3A_372 : i32 to vector<16xi32>
      %add3A_374 = arith.addi %add3A_29, %add3A_373 : vector<16xi32>
      %gather3A_375 = tpu.vector_load_idx %arg6[%add3A_374] : memref<15360xi32, #tpu.memory_space<vmem>>[vector<16xi32>], vector<16xi32>,
      %gather3A_376 = tpu.vector_load_idx %arg5[%gather3A_375] : memref<102400xf32, #tpu.memory_space<vmem>>[vector<16xi32>], vector<16xf32>,
      %add3A_377 = arith.addf %add3A_371, %gather3A_376 : vector<16xf32>
      %add3A_378 = arith.constant 58 : i32
      %add3A_379 = vector.broadcast %add3A_378 : i32 to vector<16xi32>
      %add3A_380 = arith.addi %add3A_29, %add3A_379 : vector<16xi32>
      %gather3A_381 = tpu.vector_load_idx %arg6[%add3A_380] : memref<15360xi32, #tpu.memory_space<vmem>>[vector<16xi32>], vector<16xi32>,
      %gather3A_382 = tpu.vector_load_idx %arg5[%gather3A_381] : memref<102400xf32, #tpu.memory_space<vmem>>[vector<16xi32>], vector<16xf32>,
      %add3A_383 = arith.addf %add3A_377, %gather3A_382 : vector<16xf32>
      %add3A_384 = arith.constant 59 : i32
      %add3A_385 = vector.broadcast %add3A_384 : i32 to vector<16xi32>
      %add3A_386 = arith.addi %add3A_29, %add3A_385 : vector<16xi32>
      %gather3A_387 = tpu.vector_load_idx %arg6[%add3A_386] : memref<15360xi32, #tpu.memory_space<vmem>>[vector<16xi32>], vector<16xi32>,
      %gather3A_388 = tpu.vector_load_idx %arg5[%gather3A_387] : memref<102400xf32, #tpu.memory_space<vmem>>[vector<16xi32>], vector<16xf32>,
      %add3A_389 = arith.addf %add3A_383, %gather3A_388 : vector<16xf32>
      %mul3A_390 = arith.constant 0.0166666675 : f32
      %mul3A_391 = vector.broadcast %mul3A_390 : f32 to vector<16xf32>
      %mul3A_392 = arith.mulf %add3A_389, %mul3A_391 : vector<16xf32>
      %mul3A_393 = arith.constant 16 : i32
      %mul3A_394 = arith.muli %scan3A_25, %mul3A_393 : i32
      %add3A_395 = arith.constant 0 : i32
      %add3A_396 = arith.addi %add3A_395, %mul3A_394 : i32
      %swap3A = arith.index_cast %add3A_396 : i32 to index
      %swap3A_397 = tpu.vector_load %arg7[%swap3A] {strides = array<i32>} : memref<512xf32, #tpu.memory_space<vmem>>, vector<16xf32>,
      tpu.vector_store %arg7[%swap3A], %mul3A_392 {strides = array<i32>} : memref<512xf32, #tpu.memory_space<vmem>>, vector<16xf32>,
    }
    %scan3A_14 = arith.constant 16 : i32
    %add3A_15 = arith.constant 256 : i32
    %add3A_16 = arith.addi %mul3A_2, %add3A_15 : i32
    %mul3A_17 = arith.constant 60 : i32
    %mul3A_18 = arith.muli %add3A_16, %mul3A_17 : i32
    "tpu.region"() ({
      %run_scoped3A = tpu.sem_alloc : memref<!tpu.dma_semaphore, #tpu.memory_space<semaphore_mem>>
      %dma_start3A = tpu.memref_slice %arg3[%mul3A_18] : memref<983040xi32, #tpu.memory_space<hbm>> -> memref<15360xi32, #tpu.memory_space<hbm>>
      %dma_start3A_25 = tpu.memref_slice %arg3[%mul3A_18] : memref<983040xi32, #tpu.memory_space<hbm>> -> memref<15360xi32, #tpu.memory_space<hbm>>
      tpu.enqueue_dma source(%dma_start3A_25 : memref<15360xi32, #tpu.memory_space<hbm>>) target(%arg6 : memref<15360xi32, #tpu.memory_space<vmem>>) target_semaphore(%run_scoped3A : memref<!tpu.dma_semaphore, #tpu.memory_space<semaphore_mem>>)
      %dma_wait3A = tpu.memref_slice %arg3[%mul3A_18] : memref<983040xi32, #tpu.memory_space<hbm>> -> memref<15360xi32, #tpu.memory_space<hbm>>
      %dma_wait3A_26 = tpu.memref_slice %arg3[%mul3A_18] : memref<983040xi32, #tpu.memory_space<hbm>> -> memref<15360xi32, #tpu.memory_space<hbm>>
      tpu.wait_dma2 semaphore(%run_scoped3A : memref<!tpu.dma_semaphore, #tpu.memory_space<semaphore_mem>>) src(%dma_wait3A_26 : memref<15360xi32, #tpu.memory_space<hbm>>) dst(%arg6 : memref<15360xi32, #tpu.memory_space<vmem>>)
      tpu.yield
    }) : () -> ()
    %scan3A_19 = arith.constant 0 : i32
    %scan3A_20 = arith.constant 0 : i32
    %scan3A_21 = arith.constant 16 : i32
    %scan3A_22 = arith.addi %scan3A_20, %scan3A_21 : i32
    %scan3A_23 = arith.constant 1 : i32
    scf.for %scan3A_25 = %scan3A_20 to %scan3A_22 step %scan3A_23  : i32 {
      %mul3A_26 = arith.constant 960 : i32
      %mul3A_27 = arith.muli %scan3A_25, %mul3A_26 : i32
      %add3A_28 = vector.broadcast %mul3A_27 : i32 to vector<16xi32>
      %add3A_29 = arith.addi %mul3A_5, %add3A_28 : vector<16xi32>
      %broadcast_in_dim3A = arith.constant 0.000000e+00 : f32
      %broadcast_in_dim3A_30 = vector.broadcast %broadcast_in_dim3A : f32 to vector<16xf32>
      %add3A_31 = arith.constant 0 : i32
      %add3A_32 = vector.broadcast %add3A_31 : i32 to vector<16xi32>
      %add3A_33 = arith.addi %add3A_29, %add3A_32 : vector<16xi32>
      %gather3A = tpu.vector_load_idx %arg6[%add3A_33] : memref<15360xi32, #tpu.memory_space<vmem>>[vector<16xi32>], vector<16xi32>,
      %gather3A_34 = tpu.vector_load_idx %arg5[%gather3A] : memref<102400xf32, #tpu.memory_space<vmem>>[vector<16xi32>], vector<16xf32>,
      %add3A_35 = arith.addf %broadcast_in_dim3A_30, %gather3A_34 : vector<16xf32>
      %add3A_36 = arith.constant 1 : i32
      %add3A_37 = vector.broadcast %add3A_36 : i32 to vector<16xi32>
      %add3A_38 = arith.addi %add3A_29, %add3A_37 : vector<16xi32>
      %gather3A_39 = tpu.vector_load_idx %arg6[%add3A_38] : memref<15360xi32, #tpu.memory_space<vmem>>[vector<16xi32>], vector<16xi32>,
      %gather3A_40 = tpu.vector_load_idx %arg5[%gather3A_39] : memref<102400xf32, #tpu.memory_space<vmem>>[vector<16xi32>], vector<16xf32>,
      %add3A_41 = arith.addf %add3A_35, %gather3A_40 : vector<16xf32>
      %add3A_42 = arith.constant 2 : i32
      %add3A_43 = vector.broadcast %add3A_42 : i32 to vector<16xi32>
      %add3A_44 = arith.addi %add3A_29, %add3A_43 : vector<16xi32>
      %gather3A_45 = tpu.vector_load_idx %arg6[%add3A_44] : memref<15360xi32, #tpu.memory_space<vmem>>[vector<16xi32>], vector<16xi32>,
      %gather3A_46 = tpu.vector_load_idx %arg5[%gather3A_45] : memref<102400xf32, #tpu.memory_space<vmem>>[vector<16xi32>], vector<16xf32>,
      %add3A_47 = arith.addf %add3A_41, %gather3A_46 : vector<16xf32>
      %add3A_48 = arith.constant 3 : i32
      %add3A_49 = vector.broadcast %add3A_48 : i32 to vector<16xi32>
      %add3A_50 = arith.addi %add3A_29, %add3A_49 : vector<16xi32>
      %gather3A_51 = tpu.vector_load_idx %arg6[%add3A_50] : memref<15360xi32, #tpu.memory_space<vmem>>[vector<16xi32>], vector<16xi32>,
      %gather3A_52 = tpu.vector_load_idx %arg5[%gather3A_51] : memref<102400xf32, #tpu.memory_space<vmem>>[vector<16xi32>], vector<16xf32>,
      %add3A_53 = arith.addf %add3A_47, %gather3A_52 : vector<16xf32>
      %add3A_54 = arith.constant 4 : i32
      %add3A_55 = vector.broadcast %add3A_54 : i32 to vector<16xi32>
      %add3A_56 = arith.addi %add3A_29, %add3A_55 : vector<16xi32>
      %gather3A_57 = tpu.vector_load_idx %arg6[%add3A_56] : memref<15360xi32, #tpu.memory_space<vmem>>[vector<16xi32>], vector<16xi32>,
      %gather3A_58 = tpu.vector_load_idx %arg5[%gather3A_57] : memref<102400xf32, #tpu.memory_space<vmem>>[vector<16xi32>], vector<16xf32>,
      %add3A_59 = arith.addf %add3A_53, %gather3A_58 : vector<16xf32>
      %add3A_60 = arith.constant 5 : i32
      %add3A_61 = vector.broadcast %add3A_60 : i32 to vector<16xi32>
      %add3A_62 = arith.addi %add3A_29, %add3A_61 : vector<16xi32>
      %gather3A_63 = tpu.vector_load_idx %arg6[%add3A_62] : memref<15360xi32, #tpu.memory_space<vmem>>[vector<16xi32>], vector<16xi32>,
      %gather3A_64 = tpu.vector_load_idx %arg5[%gather3A_63] : memref<102400xf32, #tpu.memory_space<vmem>>[vector<16xi32>], vector<16xf32>,
      %add3A_65 = arith.addf %add3A_59, %gather3A_64 : vector<16xf32>
      %add3A_66 = arith.constant 6 : i32
      %add3A_67 = vector.broadcast %add3A_66 : i32 to vector<16xi32>
      %add3A_68 = arith.addi %add3A_29, %add3A_67 : vector<16xi32>
      %gather3A_69 = tpu.vector_load_idx %arg6[%add3A_68] : memref<15360xi32, #tpu.memory_space<vmem>>[vector<16xi32>], vector<16xi32>,
      %gather3A_70 = tpu.vector_load_idx %arg5[%gather3A_69] : memref<102400xf32, #tpu.memory_space<vmem>>[vector<16xi32>], vector<16xf32>,
      %add3A_71 = arith.addf %add3A_65, %gather3A_70 : vector<16xf32>
      %add3A_72 = arith.constant 7 : i32
      %add3A_73 = vector.broadcast %add3A_72 : i32 to vector<16xi32>
      %add3A_74 = arith.addi %add3A_29, %add3A_73 : vector<16xi32>
      %gather3A_75 = tpu.vector_load_idx %arg6[%add3A_74] : memref<15360xi32, #tpu.memory_space<vmem>>[vector<16xi32>], vector<16xi32>,
      %gather3A_76 = tpu.vector_load_idx %arg5[%gather3A_75] : memref<102400xf32, #tpu.memory_space<vmem>>[vector<16xi32>], vector<16xf32>,
      %add3A_77 = arith.addf %add3A_71, %gather3A_76 : vector<16xf32>
      %add3A_78 = arith.constant 8 : i32
      %add3A_79 = vector.broadcast %add3A_78 : i32 to vector<16xi32>
      %add3A_80 = arith.addi %add3A_29, %add3A_79 : vector<16xi32>
      %gather3A_81 = tpu.vector_load_idx %arg6[%add3A_80] : memref<15360xi32, #tpu.memory_space<vmem>>[vector<16xi32>], vector<16xi32>,
      %gather3A_82 = tpu.vector_load_idx %arg5[%gather3A_81] : memref<102400xf32, #tpu.memory_space<vmem>>[vector<16xi32>], vector<16xf32>,
      %add3A_83 = arith.addf %add3A_77, %gather3A_82 : vector<16xf32>
      %add3A_84 = arith.constant 9 : i32
      %add3A_85 = vector.broadcast %add3A_84 : i32 to vector<16xi32>
      %add3A_86 = arith.addi %add3A_29, %add3A_85 : vector<16xi32>
      %gather3A_87 = tpu.vector_load_idx %arg6[%add3A_86] : memref<15360xi32, #tpu.memory_space<vmem>>[vector<16xi32>], vector<16xi32>,
      %gather3A_88 = tpu.vector_load_idx %arg5[%gather3A_87] : memref<102400xf32, #tpu.memory_space<vmem>>[vector<16xi32>], vector<16xf32>,
      %add3A_89 = arith.addf %add3A_83, %gather3A_88 : vector<16xf32>
      %add3A_90 = arith.constant 10 : i32
      %add3A_91 = vector.broadcast %add3A_90 : i32 to vector<16xi32>
      %add3A_92 = arith.addi %add3A_29, %add3A_91 : vector<16xi32>
      %gather3A_93 = tpu.vector_load_idx %arg6[%add3A_92] : memref<15360xi32, #tpu.memory_space<vmem>>[vector<16xi32>], vector<16xi32>,
      %gather3A_94 = tpu.vector_load_idx %arg5[%gather3A_93] : memref<102400xf32, #tpu.memory_space<vmem>>[vector<16xi32>], vector<16xf32>,
      %add3A_95 = arith.addf %add3A_89, %gather3A_94 : vector<16xf32>
      %add3A_96 = arith.constant 11 : i32
      %add3A_97 = vector.broadcast %add3A_96 : i32 to vector<16xi32>
      %add3A_98 = arith.addi %add3A_29, %add3A_97 : vector<16xi32>
      %gather3A_99 = tpu.vector_load_idx %arg6[%add3A_98] : memref<15360xi32, #tpu.memory_space<vmem>>[vector<16xi32>], vector<16xi32>,
      %gather3A_100 = tpu.vector_load_idx %arg5[%gather3A_99] : memref<102400xf32, #tpu.memory_space<vmem>>[vector<16xi32>], vector<16xf32>,
      %add3A_101 = arith.addf %add3A_95, %gather3A_100 : vector<16xf32>
      %add3A_102 = arith.constant 12 : i32
      %add3A_103 = vector.broadcast %add3A_102 : i32 to vector<16xi32>
      %add3A_104 = arith.addi %add3A_29, %add3A_103 : vector<16xi32>
      %gather3A_105 = tpu.vector_load_idx %arg6[%add3A_104] : memref<15360xi32, #tpu.memory_space<vmem>>[vector<16xi32>], vector<16xi32>,
      %gather3A_106 = tpu.vector_load_idx %arg5[%gather3A_105] : memref<102400xf32, #tpu.memory_space<vmem>>[vector<16xi32>], vector<16xf32>,
      %add3A_107 = arith.addf %add3A_101, %gather3A_106 : vector<16xf32>
      %add3A_108 = arith.constant 13 : i32
      %add3A_109 = vector.broadcast %add3A_108 : i32 to vector<16xi32>
      %add3A_110 = arith.addi %add3A_29, %add3A_109 : vector<16xi32>
      %gather3A_111 = tpu.vector_load_idx %arg6[%add3A_110] : memref<15360xi32, #tpu.memory_space<vmem>>[vector<16xi32>], vector<16xi32>,
      %gather3A_112 = tpu.vector_load_idx %arg5[%gather3A_111] : memref<102400xf32, #tpu.memory_space<vmem>>[vector<16xi32>], vector<16xf32>,
      %add3A_113 = arith.addf %add3A_107, %gather3A_112 : vector<16xf32>
      %add3A_114 = arith.constant 14 : i32
      %add3A_115 = vector.broadcast %add3A_114 : i32 to vector<16xi32>
      %add3A_116 = arith.addi %add3A_29, %add3A_115 : vector<16xi32>
      %gather3A_117 = tpu.vector_load_idx %arg6[%add3A_116] : memref<15360xi32, #tpu.memory_space<vmem>>[vector<16xi32>], vector<16xi32>,
      %gather3A_118 = tpu.vector_load_idx %arg5[%gather3A_117] : memref<102400xf32, #tpu.memory_space<vmem>>[vector<16xi32>], vector<16xf32>,
      %add3A_119 = arith.addf %add3A_113, %gather3A_118 : vector<16xf32>
      %add3A_120 = arith.constant 15 : i32
      %add3A_121 = vector.broadcast %add3A_120 : i32 to vector<16xi32>
      %add3A_122 = arith.addi %add3A_29, %add3A_121 : vector<16xi32>
      %gather3A_123 = tpu.vector_load_idx %arg6[%add3A_122] : memref<15360xi32, #tpu.memory_space<vmem>>[vector<16xi32>], vector<16xi32>,
      %gather3A_124 = tpu.vector_load_idx %arg5[%gather3A_123] : memref<102400xf32, #tpu.memory_space<vmem>>[vector<16xi32>], vector<16xf32>,
      %add3A_125 = arith.addf %add3A_119, %gather3A_124 : vector<16xf32>
      %add3A_126 = arith.constant 16 : i32
      %add3A_127 = vector.broadcast %add3A_126 : i32 to vector<16xi32>
      %add3A_128 = arith.addi %add3A_29, %add3A_127 : vector<16xi32>
      %gather3A_129 = tpu.vector_load_idx %arg6[%add3A_128] : memref<15360xi32, #tpu.memory_space<vmem>>[vector<16xi32>], vector<16xi32>,
      %gather3A_130 = tpu.vector_load_idx %arg5[%gather3A_129] : memref<102400xf32, #tpu.memory_space<vmem>>[vector<16xi32>], vector<16xf32>,
      %add3A_131 = arith.addf %add3A_125, %gather3A_130 : vector<16xf32>
      %add3A_132 = arith.constant 17 : i32
      %add3A_133 = vector.broadcast %add3A_132 : i32 to vector<16xi32>
      %add3A_134 = arith.addi %add3A_29, %add3A_133 : vector<16xi32>
      %gather3A_135 = tpu.vector_load_idx %arg6[%add3A_134] : memref<15360xi32, #tpu.memory_space<vmem>>[vector<16xi32>], vector<16xi32>,
      %gather3A_136 = tpu.vector_load_idx %arg5[%gather3A_135] : memref<102400xf32, #tpu.memory_space<vmem>>[vector<16xi32>], vector<16xf32>,
      %add3A_137 = arith.addf %add3A_131, %gather3A_136 : vector<16xf32>
      %add3A_138 = arith.constant 18 : i32
      %add3A_139 = vector.broadcast %add3A_138 : i32 to vector<16xi32>
      %add3A_140 = arith.addi %add3A_29, %add3A_139 : vector<16xi32>
      %gather3A_141 = tpu.vector_load_idx %arg6[%add3A_140] : memref<15360xi32, #tpu.memory_space<vmem>>[vector<16xi32>], vector<16xi32>,
      %gather3A_142 = tpu.vector_load_idx %arg5[%gather3A_141] : memref<102400xf32, #tpu.memory_space<vmem>>[vector<16xi32>], vector<16xf32>,
      %add3A_143 = arith.addf %add3A_137, %gather3A_142 : vector<16xf32>
      %add3A_144 = arith.constant 19 : i32
      %add3A_145 = vector.broadcast %add3A_144 : i32 to vector<16xi32>
      %add3A_146 = arith.addi %add3A_29, %add3A_145 : vector<16xi32>
      %gather3A_147 = tpu.vector_load_idx %arg6[%add3A_146] : memref<15360xi32, #tpu.memory_space<vmem>>[vector<16xi32>], vector<16xi32>,
      %gather3A_148 = tpu.vector_load_idx %arg5[%gather3A_147] : memref<102400xf32, #tpu.memory_space<vmem>>[vector<16xi32>], vector<16xf32>,
      %add3A_149 = arith.addf %add3A_143, %gather3A_148 : vector<16xf32>
      %add3A_150 = arith.constant 20 : i32
      %add3A_151 = vector.broadcast %add3A_150 : i32 to vector<16xi32>
      %add3A_152 = arith.addi %add3A_29, %add3A_151 : vector<16xi32>
      %gather3A_153 = tpu.vector_load_idx %arg6[%add3A_152] : memref<15360xi32, #tpu.memory_space<vmem>>[vector<16xi32>], vector<16xi32>,
      %gather3A_154 = tpu.vector_load_idx %arg5[%gather3A_153] : memref<102400xf32, #tpu.memory_space<vmem>>[vector<16xi32>], vector<16xf32>,
      %add3A_155 = arith.addf %add3A_149, %gather3A_154 : vector<16xf32>
      %add3A_156 = arith.constant 21 : i32
      %add3A_157 = vector.broadcast %add3A_156 : i32 to vector<16xi32>
      %add3A_158 = arith.addi %add3A_29, %add3A_157 : vector<16xi32>
      %gather3A_159 = tpu.vector_load_idx %arg6[%add3A_158] : memref<15360xi32, #tpu.memory_space<vmem>>[vector<16xi32>], vector<16xi32>,
      %gather3A_160 = tpu.vector_load_idx %arg5[%gather3A_159] : memref<102400xf32, #tpu.memory_space<vmem>>[vector<16xi32>], vector<16xf32>,
      %add3A_161 = arith.addf %add3A_155, %gather3A_160 : vector<16xf32>
      %add3A_162 = arith.constant 22 : i32
      %add3A_163 = vector.broadcast %add3A_162 : i32 to vector<16xi32>
      %add3A_164 = arith.addi %add3A_29, %add3A_163 : vector<16xi32>
      %gather3A_165 = tpu.vector_load_idx %arg6[%add3A_164] : memref<15360xi32, #tpu.memory_space<vmem>>[vector<16xi32>], vector<16xi32>,
      %gather3A_166 = tpu.vector_load_idx %arg5[%gather3A_165] : memref<102400xf32, #tpu.memory_space<vmem>>[vector<16xi32>], vector<16xf32>,
      %add3A_167 = arith.addf %add3A_161, %gather3A_166 : vector<16xf32>
      %add3A_168 = arith.constant 23 : i32
      %add3A_169 = vector.broadcast %add3A_168 : i32 to vector<16xi32>
      %add3A_170 = arith.addi %add3A_29, %add3A_169 : vector<16xi32>
      %gather3A_171 = tpu.vector_load_idx %arg6[%add3A_170] : memref<15360xi32, #tpu.memory_space<vmem>>[vector<16xi32>], vector<16xi32>,
      %gather3A_172 = tpu.vector_load_idx %arg5[%gather3A_171] : memref<102400xf32, #tpu.memory_space<vmem>>[vector<16xi32>], vector<16xf32>,
      %add3A_173 = arith.addf %add3A_167, %gather3A_172 : vector<16xf32>
      %add3A_174 = arith.constant 24 : i32
      %add3A_175 = vector.broadcast %add3A_174 : i32 to vector<16xi32>
      %add3A_176 = arith.addi %add3A_29, %add3A_175 : vector<16xi32>
      %gather3A_177 = tpu.vector_load_idx %arg6[%add3A_176] : memref<15360xi32, #tpu.memory_space<vmem>>[vector<16xi32>], vector<16xi32>,
      %gather3A_178 = tpu.vector_load_idx %arg5[%gather3A_177] : memref<102400xf32, #tpu.memory_space<vmem>>[vector<16xi32>], vector<16xf32>,
      %add3A_179 = arith.addf %add3A_173, %gather3A_178 : vector<16xf32>
      %add3A_180 = arith.constant 25 : i32
      %add3A_181 = vector.broadcast %add3A_180 : i32 to vector<16xi32>
      %add3A_182 = arith.addi %add3A_29, %add3A_181 : vector<16xi32>
      %gather3A_183 = tpu.vector_load_idx %arg6[%add3A_182] : memref<15360xi32, #tpu.memory_space<vmem>>[vector<16xi32>], vector<16xi32>,
      %gather3A_184 = tpu.vector_load_idx %arg5[%gather3A_183] : memref<102400xf32, #tpu.memory_space<vmem>>[vector<16xi32>], vector<16xf32>,
      %add3A_185 = arith.addf %add3A_179, %gather3A_184 : vector<16xf32>
      %add3A_186 = arith.constant 26 : i32
      %add3A_187 = vector.broadcast %add3A_186 : i32 to vector<16xi32>
      %add3A_188 = arith.addi %add3A_29, %add3A_187 : vector<16xi32>
      %gather3A_189 = tpu.vector_load_idx %arg6[%add3A_188] : memref<15360xi32, #tpu.memory_space<vmem>>[vector<16xi32>], vector<16xi32>,
      %gather3A_190 = tpu.vector_load_idx %arg5[%gather3A_189] : memref<102400xf32, #tpu.memory_space<vmem>>[vector<16xi32>], vector<16xf32>,
      %add3A_191 = arith.addf %add3A_185, %gather3A_190 : vector<16xf32>
      %add3A_192 = arith.constant 27 : i32
      %add3A_193 = vector.broadcast %add3A_192 : i32 to vector<16xi32>
      %add3A_194 = arith.addi %add3A_29, %add3A_193 : vector<16xi32>
      %gather3A_195 = tpu.vector_load_idx %arg6[%add3A_194] : memref<15360xi32, #tpu.memory_space<vmem>>[vector<16xi32>], vector<16xi32>,
      %gather3A_196 = tpu.vector_load_idx %arg5[%gather3A_195] : memref<102400xf32, #tpu.memory_space<vmem>>[vector<16xi32>], vector<16xf32>,
      %add3A_197 = arith.addf %add3A_191, %gather3A_196 : vector<16xf32>
      %add3A_198 = arith.constant 28 : i32
      %add3A_199 = vector.broadcast %add3A_198 : i32 to vector<16xi32>
      %add3A_200 = arith.addi %add3A_29, %add3A_199 : vector<16xi32>
      %gather3A_201 = tpu.vector_load_idx %arg6[%add3A_200] : memref<15360xi32, #tpu.memory_space<vmem>>[vector<16xi32>], vector<16xi32>,
      %gather3A_202 = tpu.vector_load_idx %arg5[%gather3A_201] : memref<102400xf32, #tpu.memory_space<vmem>>[vector<16xi32>], vector<16xf32>,
      %add3A_203 = arith.addf %add3A_197, %gather3A_202 : vector<16xf32>
      %add3A_204 = arith.constant 29 : i32
      %add3A_205 = vector.broadcast %add3A_204 : i32 to vector<16xi32>
      %add3A_206 = arith.addi %add3A_29, %add3A_205 : vector<16xi32>
      %gather3A_207 = tpu.vector_load_idx %arg6[%add3A_206] : memref<15360xi32, #tpu.memory_space<vmem>>[vector<16xi32>], vector<16xi32>,
      %gather3A_208 = tpu.vector_load_idx %arg5[%gather3A_207] : memref<102400xf32, #tpu.memory_space<vmem>>[vector<16xi32>], vector<16xf32>,
      %add3A_209 = arith.addf %add3A_203, %gather3A_208 : vector<16xf32>
      %add3A_210 = arith.constant 30 : i32
      %add3A_211 = vector.broadcast %add3A_210 : i32 to vector<16xi32>
      %add3A_212 = arith.addi %add3A_29, %add3A_211 : vector<16xi32>
      %gather3A_213 = tpu.vector_load_idx %arg6[%add3A_212] : memref<15360xi32, #tpu.memory_space<vmem>>[vector<16xi32>], vector<16xi32>,
      %gather3A_214 = tpu.vector_load_idx %arg5[%gather3A_213] : memref<102400xf32, #tpu.memory_space<vmem>>[vector<16xi32>], vector<16xf32>,
      %add3A_215 = arith.addf %add3A_209, %gather3A_214 : vector<16xf32>
      %add3A_216 = arith.constant 31 : i32
      %add3A_217 = vector.broadcast %add3A_216 : i32 to vector<16xi32>
      %add3A_218 = arith.addi %add3A_29, %add3A_217 : vector<16xi32>
      %gather3A_219 = tpu.vector_load_idx %arg6[%add3A_218] : memref<15360xi32, #tpu.memory_space<vmem>>[vector<16xi32>], vector<16xi32>,
      %gather3A_220 = tpu.vector_load_idx %arg5[%gather3A_219] : memref<102400xf32, #tpu.memory_space<vmem>>[vector<16xi32>], vector<16xf32>,
      %add3A_221 = arith.addf %add3A_215, %gather3A_220 : vector<16xf32>
      %add3A_222 = arith.constant 32 : i32
      %add3A_223 = vector.broadcast %add3A_222 : i32 to vector<16xi32>
      %add3A_224 = arith.addi %add3A_29, %add3A_223 : vector<16xi32>
      %gather3A_225 = tpu.vector_load_idx %arg6[%add3A_224] : memref<15360xi32, #tpu.memory_space<vmem>>[vector<16xi32>], vector<16xi32>,
      %gather3A_226 = tpu.vector_load_idx %arg5[%gather3A_225] : memref<102400xf32, #tpu.memory_space<vmem>>[vector<16xi32>], vector<16xf32>,
      %add3A_227 = arith.addf %add3A_221, %gather3A_226 : vector<16xf32>
      %add3A_228 = arith.constant 33 : i32
      %add3A_229 = vector.broadcast %add3A_228 : i32 to vector<16xi32>
      %add3A_230 = arith.addi %add3A_29, %add3A_229 : vector<16xi32>
      %gather3A_231 = tpu.vector_load_idx %arg6[%add3A_230] : memref<15360xi32, #tpu.memory_space<vmem>>[vector<16xi32>], vector<16xi32>,
      %gather3A_232 = tpu.vector_load_idx %arg5[%gather3A_231] : memref<102400xf32, #tpu.memory_space<vmem>>[vector<16xi32>], vector<16xf32>,
      %add3A_233 = arith.addf %add3A_227, %gather3A_232 : vector<16xf32>
      %add3A_234 = arith.constant 34 : i32
      %add3A_235 = vector.broadcast %add3A_234 : i32 to vector<16xi32>
      %add3A_236 = arith.addi %add3A_29, %add3A_235 : vector<16xi32>
      %gather3A_237 = tpu.vector_load_idx %arg6[%add3A_236] : memref<15360xi32, #tpu.memory_space<vmem>>[vector<16xi32>], vector<16xi32>,
      %gather3A_238 = tpu.vector_load_idx %arg5[%gather3A_237] : memref<102400xf32, #tpu.memory_space<vmem>>[vector<16xi32>], vector<16xf32>,
      %add3A_239 = arith.addf %add3A_233, %gather3A_238 : vector<16xf32>
      %add3A_240 = arith.constant 35 : i32
      %add3A_241 = vector.broadcast %add3A_240 : i32 to vector<16xi32>
      %add3A_242 = arith.addi %add3A_29, %add3A_241 : vector<16xi32>
      %gather3A_243 = tpu.vector_load_idx %arg6[%add3A_242] : memref<15360xi32, #tpu.memory_space<vmem>>[vector<16xi32>], vector<16xi32>,
      %gather3A_244 = tpu.vector_load_idx %arg5[%gather3A_243] : memref<102400xf32, #tpu.memory_space<vmem>>[vector<16xi32>], vector<16xf32>,
      %add3A_245 = arith.addf %add3A_239, %gather3A_244 : vector<16xf32>
      %add3A_246 = arith.constant 36 : i32
      %add3A_247 = vector.broadcast %add3A_246 : i32 to vector<16xi32>
      %add3A_248 = arith.addi %add3A_29, %add3A_247 : vector<16xi32>
      %gather3A_249 = tpu.vector_load_idx %arg6[%add3A_248] : memref<15360xi32, #tpu.memory_space<vmem>>[vector<16xi32>], vector<16xi32>,
      %gather3A_250 = tpu.vector_load_idx %arg5[%gather3A_249] : memref<102400xf32, #tpu.memory_space<vmem>>[vector<16xi32>], vector<16xf32>,
      %add3A_251 = arith.addf %add3A_245, %gather3A_250 : vector<16xf32>
      %add3A_252 = arith.constant 37 : i32
      %add3A_253 = vector.broadcast %add3A_252 : i32 to vector<16xi32>
      %add3A_254 = arith.addi %add3A_29, %add3A_253 : vector<16xi32>
      %gather3A_255 = tpu.vector_load_idx %arg6[%add3A_254] : memref<15360xi32, #tpu.memory_space<vmem>>[vector<16xi32>], vector<16xi32>,
      %gather3A_256 = tpu.vector_load_idx %arg5[%gather3A_255] : memref<102400xf32, #tpu.memory_space<vmem>>[vector<16xi32>], vector<16xf32>,
      %add3A_257 = arith.addf %add3A_251, %gather3A_256 : vector<16xf32>
      %add3A_258 = arith.constant 38 : i32
      %add3A_259 = vector.broadcast %add3A_258 : i32 to vector<16xi32>
      %add3A_260 = arith.addi %add3A_29, %add3A_259 : vector<16xi32>
      %gather3A_261 = tpu.vector_load_idx %arg6[%add3A_260] : memref<15360xi32, #tpu.memory_space<vmem>>[vector<16xi32>], vector<16xi32>,
      %gather3A_262 = tpu.vector_load_idx %arg5[%gather3A_261] : memref<102400xf32, #tpu.memory_space<vmem>>[vector<16xi32>], vector<16xf32>,
      %add3A_263 = arith.addf %add3A_257, %gather3A_262 : vector<16xf32>
      %add3A_264 = arith.constant 39 : i32
      %add3A_265 = vector.broadcast %add3A_264 : i32 to vector<16xi32>
      %add3A_266 = arith.addi %add3A_29, %add3A_265 : vector<16xi32>
      %gather3A_267 = tpu.vector_load_idx %arg6[%add3A_266] : memref<15360xi32, #tpu.memory_space<vmem>>[vector<16xi32>], vector<16xi32>,
      %gather3A_268 = tpu.vector_load_idx %arg5[%gather3A_267] : memref<102400xf32, #tpu.memory_space<vmem>>[vector<16xi32>], vector<16xf32>,
      %add3A_269 = arith.addf %add3A_263, %gather3A_268 : vector<16xf32>
      %add3A_270 = arith.constant 40 : i32
      %add3A_271 = vector.broadcast %add3A_270 : i32 to vector<16xi32>
      %add3A_272 = arith.addi %add3A_29, %add3A_271 : vector<16xi32>
      %gather3A_273 = tpu.vector_load_idx %arg6[%add3A_272] : memref<15360xi32, #tpu.memory_space<vmem>>[vector<16xi32>], vector<16xi32>,
      %gather3A_274 = tpu.vector_load_idx %arg5[%gather3A_273] : memref<102400xf32, #tpu.memory_space<vmem>>[vector<16xi32>], vector<16xf32>,
      %add3A_275 = arith.addf %add3A_269, %gather3A_274 : vector<16xf32>
      %add3A_276 = arith.constant 41 : i32
      %add3A_277 = vector.broadcast %add3A_276 : i32 to vector<16xi32>
      %add3A_278 = arith.addi %add3A_29, %add3A_277 : vector<16xi32>
      %gather3A_279 = tpu.vector_load_idx %arg6[%add3A_278] : memref<15360xi32, #tpu.memory_space<vmem>>[vector<16xi32>], vector<16xi32>,
      %gather3A_280 = tpu.vector_load_idx %arg5[%gather3A_279] : memref<102400xf32, #tpu.memory_space<vmem>>[vector<16xi32>], vector<16xf32>,
      %add3A_281 = arith.addf %add3A_275, %gather3A_280 : vector<16xf32>
      %add3A_282 = arith.constant 42 : i32
      %add3A_283 = vector.broadcast %add3A_282 : i32 to vector<16xi32>
      %add3A_284 = arith.addi %add3A_29, %add3A_283 : vector<16xi32>
      %gather3A_285 = tpu.vector_load_idx %arg6[%add3A_284] : memref<15360xi32, #tpu.memory_space<vmem>>[vector<16xi32>], vector<16xi32>,
      %gather3A_286 = tpu.vector_load_idx %arg5[%gather3A_285] : memref<102400xf32, #tpu.memory_space<vmem>>[vector<16xi32>], vector<16xf32>,
      %add3A_287 = arith.addf %add3A_281, %gather3A_286 : vector<16xf32>
      %add3A_288 = arith.constant 43 : i32
      %add3A_289 = vector.broadcast %add3A_288 : i32 to vector<16xi32>
      %add3A_290 = arith.addi %add3A_29, %add3A_289 : vector<16xi32>
      %gather3A_291 = tpu.vector_load_idx %arg6[%add3A_290] : memref<15360xi32, #tpu.memory_space<vmem>>[vector<16xi32>], vector<16xi32>,
      %gather3A_292 = tpu.vector_load_idx %arg5[%gather3A_291] : memref<102400xf32, #tpu.memory_space<vmem>>[vector<16xi32>], vector<16xf32>,
      %add3A_293 = arith.addf %add3A_287, %gather3A_292 : vector<16xf32>
      %add3A_294 = arith.constant 44 : i32
      %add3A_295 = vector.broadcast %add3A_294 : i32 to vector<16xi32>
      %add3A_296 = arith.addi %add3A_29, %add3A_295 : vector<16xi32>
      %gather3A_297 = tpu.vector_load_idx %arg6[%add3A_296] : memref<15360xi32, #tpu.memory_space<vmem>>[vector<16xi32>], vector<16xi32>,
      %gather3A_298 = tpu.vector_load_idx %arg5[%gather3A_297] : memref<102400xf32, #tpu.memory_space<vmem>>[vector<16xi32>], vector<16xf32>,
      %add3A_299 = arith.addf %add3A_293, %gather3A_298 : vector<16xf32>
      %add3A_300 = arith.constant 45 : i32
      %add3A_301 = vector.broadcast %add3A_300 : i32 to vector<16xi32>
      %add3A_302 = arith.addi %add3A_29, %add3A_301 : vector<16xi32>
      %gather3A_303 = tpu.vector_load_idx %arg6[%add3A_302] : memref<15360xi32, #tpu.memory_space<vmem>>[vector<16xi32>], vector<16xi32>,
      %gather3A_304 = tpu.vector_load_idx %arg5[%gather3A_303] : memref<102400xf32, #tpu.memory_space<vmem>>[vector<16xi32>], vector<16xf32>,
      %add3A_305 = arith.addf %add3A_299, %gather3A_304 : vector<16xf32>
      %add3A_306 = arith.constant 46 : i32
      %add3A_307 = vector.broadcast %add3A_306 : i32 to vector<16xi32>
      %add3A_308 = arith.addi %add3A_29, %add3A_307 : vector<16xi32>
      %gather3A_309 = tpu.vector_load_idx %arg6[%add3A_308] : memref<15360xi32, #tpu.memory_space<vmem>>[vector<16xi32>], vector<16xi32>,
      %gather3A_310 = tpu.vector_load_idx %arg5[%gather3A_309] : memref<102400xf32, #tpu.memory_space<vmem>>[vector<16xi32>], vector<16xf32>,
      %add3A_311 = arith.addf %add3A_305, %gather3A_310 : vector<16xf32>
      %add3A_312 = arith.constant 47 : i32
      %add3A_313 = vector.broadcast %add3A_312 : i32 to vector<16xi32>
      %add3A_314 = arith.addi %add3A_29, %add3A_313 : vector<16xi32>
      %gather3A_315 = tpu.vector_load_idx %arg6[%add3A_314] : memref<15360xi32, #tpu.memory_space<vmem>>[vector<16xi32>], vector<16xi32>,
      %gather3A_316 = tpu.vector_load_idx %arg5[%gather3A_315] : memref<102400xf32, #tpu.memory_space<vmem>>[vector<16xi32>], vector<16xf32>,
      %add3A_317 = arith.addf %add3A_311, %gather3A_316 : vector<16xf32>
      %add3A_318 = arith.constant 48 : i32
      %add3A_319 = vector.broadcast %add3A_318 : i32 to vector<16xi32>
      %add3A_320 = arith.addi %add3A_29, %add3A_319 : vector<16xi32>
      %gather3A_321 = tpu.vector_load_idx %arg6[%add3A_320] : memref<15360xi32, #tpu.memory_space<vmem>>[vector<16xi32>], vector<16xi32>,
      %gather3A_322 = tpu.vector_load_idx %arg5[%gather3A_321] : memref<102400xf32, #tpu.memory_space<vmem>>[vector<16xi32>], vector<16xf32>,
      %add3A_323 = arith.addf %add3A_317, %gather3A_322 : vector<16xf32>
      %add3A_324 = arith.constant 49 : i32
      %add3A_325 = vector.broadcast %add3A_324 : i32 to vector<16xi32>
      %add3A_326 = arith.addi %add3A_29, %add3A_325 : vector<16xi32>
      %gather3A_327 = tpu.vector_load_idx %arg6[%add3A_326] : memref<15360xi32, #tpu.memory_space<vmem>>[vector<16xi32>], vector<16xi32>,
      %gather3A_328 = tpu.vector_load_idx %arg5[%gather3A_327] : memref<102400xf32, #tpu.memory_space<vmem>>[vector<16xi32>], vector<16xf32>,
      %add3A_329 = arith.addf %add3A_323, %gather3A_328 : vector<16xf32>
      %add3A_330 = arith.constant 50 : i32
      %add3A_331 = vector.broadcast %add3A_330 : i32 to vector<16xi32>
      %add3A_332 = arith.addi %add3A_29, %add3A_331 : vector<16xi32>
      %gather3A_333 = tpu.vector_load_idx %arg6[%add3A_332] : memref<15360xi32, #tpu.memory_space<vmem>>[vector<16xi32>], vector<16xi32>,
      %gather3A_334 = tpu.vector_load_idx %arg5[%gather3A_333] : memref<102400xf32, #tpu.memory_space<vmem>>[vector<16xi32>], vector<16xf32>,
      %add3A_335 = arith.addf %add3A_329, %gather3A_334 : vector<16xf32>
      %add3A_336 = arith.constant 51 : i32
      %add3A_337 = vector.broadcast %add3A_336 : i32 to vector<16xi32>
      %add3A_338 = arith.addi %add3A_29, %add3A_337 : vector<16xi32>
      %gather3A_339 = tpu.vector_load_idx %arg6[%add3A_338] : memref<15360xi32, #tpu.memory_space<vmem>>[vector<16xi32>], vector<16xi32>,
      %gather3A_340 = tpu.vector_load_idx %arg5[%gather3A_339] : memref<102400xf32, #tpu.memory_space<vmem>>[vector<16xi32>], vector<16xf32>,
      %add3A_341 = arith.addf %add3A_335, %gather3A_340 : vector<16xf32>
      %add3A_342 = arith.constant 52 : i32
      %add3A_343 = vector.broadcast %add3A_342 : i32 to vector<16xi32>
      %add3A_344 = arith.addi %add3A_29, %add3A_343 : vector<16xi32>
      %gather3A_345 = tpu.vector_load_idx %arg6[%add3A_344] : memref<15360xi32, #tpu.memory_space<vmem>>[vector<16xi32>], vector<16xi32>,
      %gather3A_346 = tpu.vector_load_idx %arg5[%gather3A_345] : memref<102400xf32, #tpu.memory_space<vmem>>[vector<16xi32>], vector<16xf32>,
      %add3A_347 = arith.addf %add3A_341, %gather3A_346 : vector<16xf32>
      %add3A_348 = arith.constant 53 : i32
      %add3A_349 = vector.broadcast %add3A_348 : i32 to vector<16xi32>
      %add3A_350 = arith.addi %add3A_29, %add3A_349 : vector<16xi32>
      %gather3A_351 = tpu.vector_load_idx %arg6[%add3A_350] : memref<15360xi32, #tpu.memory_space<vmem>>[vector<16xi32>], vector<16xi32>,
      %gather3A_352 = tpu.vector_load_idx %arg5[%gather3A_351] : memref<102400xf32, #tpu.memory_space<vmem>>[vector<16xi32>], vector<16xf32>,
      %add3A_353 = arith.addf %add3A_347, %gather3A_352 : vector<16xf32>
      %add3A_354 = arith.constant 54 : i32
      %add3A_355 = vector.broadcast %add3A_354 : i32 to vector<16xi32>
      %add3A_356 = arith.addi %add3A_29, %add3A_355 : vector<16xi32>
      %gather3A_357 = tpu.vector_load_idx %arg6[%add3A_356] : memref<15360xi32, #tpu.memory_space<vmem>>[vector<16xi32>], vector<16xi32>,
      %gather3A_358 = tpu.vector_load_idx %arg5[%gather3A_357] : memref<102400xf32, #tpu.memory_space<vmem>>[vector<16xi32>], vector<16xf32>,
      %add3A_359 = arith.addf %add3A_353, %gather3A_358 : vector<16xf32>
      %add3A_360 = arith.constant 55 : i32
      %add3A_361 = vector.broadcast %add3A_360 : i32 to vector<16xi32>
      %add3A_362 = arith.addi %add3A_29, %add3A_361 : vector<16xi32>
      %gather3A_363 = tpu.vector_load_idx %arg6[%add3A_362] : memref<15360xi32, #tpu.memory_space<vmem>>[vector<16xi32>], vector<16xi32>,
      %gather3A_364 = tpu.vector_load_idx %arg5[%gather3A_363] : memref<102400xf32, #tpu.memory_space<vmem>>[vector<16xi32>], vector<16xf32>,
      %add3A_365 = arith.addf %add3A_359, %gather3A_364 : vector<16xf32>
      %add3A_366 = arith.constant 56 : i32
      %add3A_367 = vector.broadcast %add3A_366 : i32 to vector<16xi32>
      %add3A_368 = arith.addi %add3A_29, %add3A_367 : vector<16xi32>
      %gather3A_369 = tpu.vector_load_idx %arg6[%add3A_368] : memref<15360xi32, #tpu.memory_space<vmem>>[vector<16xi32>], vector<16xi32>,
      %gather3A_370 = tpu.vector_load_idx %arg5[%gather3A_369] : memref<102400xf32, #tpu.memory_space<vmem>>[vector<16xi32>], vector<16xf32>,
      %add3A_371 = arith.addf %add3A_365, %gather3A_370 : vector<16xf32>
      %add3A_372 = arith.constant 57 : i32
      %add3A_373 = vector.broadcast %add3A_372 : i32 to vector<16xi32>
      %add3A_374 = arith.addi %add3A_29, %add3A_373 : vector<16xi32>
      %gather3A_375 = tpu.vector_load_idx %arg6[%add3A_374] : memref<15360xi32, #tpu.memory_space<vmem>>[vector<16xi32>], vector<16xi32>,
      %gather3A_376 = tpu.vector_load_idx %arg5[%gather3A_375] : memref<102400xf32, #tpu.memory_space<vmem>>[vector<16xi32>], vector<16xf32>,
      %add3A_377 = arith.addf %add3A_371, %gather3A_376 : vector<16xf32>
      %add3A_378 = arith.constant 58 : i32
      %add3A_379 = vector.broadcast %add3A_378 : i32 to vector<16xi32>
      %add3A_380 = arith.addi %add3A_29, %add3A_379 : vector<16xi32>
      %gather3A_381 = tpu.vector_load_idx %arg6[%add3A_380] : memref<15360xi32, #tpu.memory_space<vmem>>[vector<16xi32>], vector<16xi32>,
      %gather3A_382 = tpu.vector_load_idx %arg5[%gather3A_381] : memref<102400xf32, #tpu.memory_space<vmem>>[vector<16xi32>], vector<16xf32>,
      %add3A_383 = arith.addf %add3A_377, %gather3A_382 : vector<16xf32>
      %add3A_384 = arith.constant 59 : i32
      %add3A_385 = vector.broadcast %add3A_384 : i32 to vector<16xi32>
      %add3A_386 = arith.addi %add3A_29, %add3A_385 : vector<16xi32>
      %gather3A_387 = tpu.vector_load_idx %arg6[%add3A_386] : memref<15360xi32, #tpu.memory_space<vmem>>[vector<16xi32>], vector<16xi32>,
      %gather3A_388 = tpu.vector_load_idx %arg5[%gather3A_387] : memref<102400xf32, #tpu.memory_space<vmem>>[vector<16xi32>], vector<16xf32>,
      %add3A_389 = arith.addf %add3A_383, %gather3A_388 : vector<16xf32>
      %mul3A_390 = arith.constant 0.0166666675 : f32
      %mul3A_391 = vector.broadcast %mul3A_390 : f32 to vector<16xf32>
      %mul3A_392 = arith.mulf %add3A_389, %mul3A_391 : vector<16xf32>
      %mul3A_393 = arith.constant 16 : i32
      %mul3A_394 = arith.muli %scan3A_25, %mul3A_393 : i32
      %add3A_395 = arith.constant 256 : i32
      %add3A_396 = arith.addi %add3A_395, %mul3A_394 : i32
      %swap3A = arith.index_cast %add3A_396 : i32 to index
      %swap3A_397 = tpu.vector_load %arg7[%swap3A] {strides = array<i32>} : memref<512xf32, #tpu.memory_space<vmem>>, vector<16xf32>,
      tpu.vector_store %arg7[%swap3A], %mul3A_392 {strides = array<i32>} : memref<512xf32, #tpu.memory_space<vmem>>, vector<16xf32>,
    }
    %scan3A_24 = arith.constant 16 : i32
    "tpu.region"() ({
      %run_scoped3A = tpu.sem_alloc : memref<!tpu.dma_semaphore, #tpu.memory_space<semaphore_mem>>
      %dma_start3A = tpu.memref_slice %arg4[%mul3A_2] : memref<16384xf32, #tpu.memory_space<hbm>> -> memref<512xf32, #tpu.memory_space<hbm>>
      %dma_start3A_25 = tpu.memref_slice %arg4[%mul3A_2] : memref<16384xf32, #tpu.memory_space<hbm>> -> memref<512xf32, #tpu.memory_space<hbm>>
      tpu.enqueue_dma source(%arg7 : memref<512xf32, #tpu.memory_space<vmem>>) target(%dma_start3A_25 : memref<512xf32, #tpu.memory_space<hbm>>) target_semaphore(%run_scoped3A : memref<!tpu.dma_semaphore, #tpu.memory_space<semaphore_mem>>)
      %dma_wait3A = tpu.memref_slice %arg4[%mul3A_2] : memref<16384xf32, #tpu.memory_space<hbm>> -> memref<512xf32, #tpu.memory_space<hbm>>
      %dma_wait3A_26 = tpu.memref_slice %arg4[%mul3A_2] : memref<16384xf32, #tpu.memory_space<hbm>> -> memref<512xf32, #tpu.memory_space<hbm>>
      tpu.wait_dma2 semaphore(%run_scoped3A : memref<!tpu.dma_semaphore, #tpu.memory_space<semaphore_mem>>) src(%arg7 : memref<512xf32, #tpu.memory_space<vmem>>) dst(%dma_wait3A_26 : memref<512xf32, #tpu.memory_space<hbm>>)
      tpu.yield
    }) : () -> ()
    return
  }
}

module attributes {stable_mosaic.version = 14 : i64} {
  func.func @_table_body(%arg0: i32, %arg1: memref<4096x128xf32, #tpu.memory_space<vmem>>, %arg2: memref<128x64xf32, #tpu.memory_space<vmem>>, %arg3: memref<1x64xf32, #tpu.memory_space<vmem>>, %arg4: memref<1x64xf32, #tpu.memory_space<vmem>>, %arg5: memref<1x1xf32, #tpu.memory_space<vmem>>, %arg6: memref<4096xf32, #tpu.memory_space<vmem>>) attributes {dimension_semantics = [#tpu.dimension_semantics<arbitrary>], iteration_bounds = array<i64: 25>, scalar_prefetch = 0 : i64, scratch_operands = 0 : i64, tpu.core_type = #tpu.core_type<tc>, window_params = [{transform_indices = @transform_0, window_bounds = array<i64: 4096, 128>}, {pipeline_mode = #tpu.pipeline_mode<synchronous>, transform_indices = @transform_1, window_bounds = array<i64: 128, 64>}, {pipeline_mode = #tpu.pipeline_mode<synchronous>, transform_indices = @transform_2, window_bounds = array<i64: 1, 64>}, {pipeline_mode = #tpu.pipeline_mode<synchronous>, transform_indices = @transform_3, window_bounds = array<i64: 1, 64>}, {pipeline_mode = #tpu.pipeline_mode<synchronous>, transform_indices = @transform_4, window_bounds = array<i64: 1, 1>}, {transform_indices = @transform_5, window_bounds = array<i64: 4096>}]} {
    %get3A = arith.constant 0 : index
    %get3A_0 = arith.constant 0 : index
    %get3A_1 = vector.load %arg4[%get3A, %get3A_0] : memref<1x64xf32, #tpu.memory_space<vmem>>, vector<1x64xf32>
    %get3A_2 = arith.constant 0 : index
    %get3A_3 = arith.constant 0 : index
    %get3A_4 = vector.load %arg2[%get3A_2, %get3A_3] : memref<128x64xf32, #tpu.memory_space<vmem>>, vector<128x64xf32>
    %dot_general3A = arith.constant dense<0.000000e+00> : vector<1x128xf32>
    %dot_general3A_5 = tpu.matmul %get3A_1, %get3A_4, %dot_general3A {dimension_numbers = #tpu.dot_dimension_numbers<[1], [1], [0], [0], [0, 0, 1, 0], [], []>, transpose_lhs_hint = false} : vector<1x64xf32>, vector<128x64xf32>, vector<1x128xf32> -> vector<1x128xf32>
    %get3A_6 = arith.constant 0 : index
    %get3A_7 = arith.constant 0 : index
    %get3A_8 = vector.load %arg3[%get3A_6, %get3A_7] : memref<1x64xf32, #tpu.memory_space<vmem>>, vector<1x64xf32>
    %get3A_9 = arith.constant 0 : index
    %get3A_10 = arith.constant 0 : index
    %get3A_11 = vector.load %arg4[%get3A_9, %get3A_10] : memref<1x64xf32, #tpu.memory_space<vmem>>, vector<1x64xf32>
    %mul3A = arith.mulf %get3A_8, %get3A_11 : vector<1x64xf32>
    %reduce_sum3A = vector.shape_cast %mul3A : vector<1x64xf32> to vector<1x1x64xf32>
    %reduce_sum3A_12 = arith.constant dense<0.000000e+00> : vector<1xf32>
    %reduce_sum3A_13 = vector.multi_reduction <add>, %reduce_sum3A, %reduce_sum3A_12 [1, 2] : vector<1x1x64xf32> to vector<1xf32>
    %reduce_sum3A_14 = vector.shape_cast %reduce_sum3A_13 : vector<1xf32> to vector<1x1x1xf32>
    %reduce_sum3A_15 = vector.extract %reduce_sum3A_14[0, 0, 0] : f32 from vector<1x1x1xf32>
    %get3A_16 = arith.constant 0 : index
    %get3A_17 = arith.constant 0 : index
    %get3A_18 = vector.load %arg5[%get3A_16, %get3A_17] : memref<1x1xf32, #tpu.memory_space<vmem>>, vector<1x1xf32>
    %get3A_19 = vector.extract %get3A_18[0, 0] : f32 from vector<1x1xf32>
    %add3A = arith.addf %reduce_sum3A_15, %get3A_19 : f32
    %get3A_20 = arith.constant 0 : index
    %get3A_21 = arith.constant 0 : index
    %get3A_22 = vector.load %arg1[%get3A_20, %get3A_21] : memref<4096x128xf32, #tpu.memory_space<vmem>>, vector<4096x128xf32>
    %dot_general3A_23 = arith.constant dense<0.000000e+00> : vector<1x4096xf32>
    %dot_general3A_24 = tpu.matmul %dot_general3A_5, %get3A_22, %dot_general3A_23 {dimension_numbers = #tpu.dot_dimension_numbers<[1], [1], [0], [0], [0, 0, 1, 0], [], []>, transpose_lhs_hint = false} : vector<1x128xf32>, vector<4096x128xf32>, vector<1x4096xf32> -> vector<1x4096xf32>
    %squeeze3A = vector.shape_cast %dot_general3A_24 : vector<1x4096xf32> to vector<4096xf32>
    %add3A_25 = vector.broadcast %add3A : f32 to vector<4096xf32>
    %add3A_26 = arith.addf %squeeze3A, %add3A_25 : vector<4096xf32>
    %swap3A = arith.constant 0 : index
    %swap3A_27 = vector.load %arg6[%swap3A] : memref<4096xf32, #tpu.memory_space<vmem>>, vector<4096xf32>
    tpu.vector_store %arg6[%swap3A], %add3A_26 {strides = array<i32>} : memref<4096xf32, #tpu.memory_space<vmem>>, vector<4096xf32>,
    return
  }
  func.func @transform_0(%arg0: i32) -> (i32, i32) {
    %c0_i32 = arith.constant 0 : i32
    %c0_i32_0 = arith.constant 0 : i32
    return %arg0, %c0_i32 : i32, i32
  }
  func.func @transform_1(%arg0: i32) -> (i32, i32) {
    %c0_i32 = arith.constant 0 : i32
    %c0_i32_0 = arith.constant 0 : i32
    %c0_i32_1 = arith.constant 0 : i32
    return %c0_i32, %c0_i32_0 : i32, i32
  }
  func.func @transform_2(%arg0: i32) -> (i32, i32) {
    %c0_i32 = arith.constant 0 : i32
    %c0_i32_0 = arith.constant 0 : i32
    %c0_i32_1 = arith.constant 0 : i32
    return %c0_i32, %c0_i32_0 : i32, i32
  }
  func.func @transform_3(%arg0: i32) -> (i32, i32) {
    %c0_i32 = arith.constant 0 : i32
    %c0_i32_0 = arith.constant 0 : i32
    %c0_i32_1 = arith.constant 0 : i32
    return %c0_i32, %c0_i32_0 : i32, i32
  }
  func.func @transform_4(%arg0: i32) -> (i32, i32) {
    %c0_i32 = arith.constant 0 : i32
    %c0_i32_0 = arith.constant 0 : i32
    %c0_i32_1 = arith.constant 0 : i32
    return %c0_i32, %c0_i32_0 : i32, i32
  }
  func.func @transform_5(%arg0: i32) -> i32 {
    %c0_i32 = arith.constant 0 : i32
    return %arg0 : i32
  }
}

</mosaic_0001>

<sc_bundles>
// kernel: kernel.4.cloned.1.call-start
scs
__scs_entry_jumppad:
0x0: {  	(pc) =	sbr.rel $0x88, $3  }
0x1: {  	(tag) =	ssettag $0x0;
	lr =	simm.s32 $0x1  }
0x2: {  	[smem:$0x3F9B] =	sst lr;
	_ =	strace $0xD0000000  }
0x3: {  	_ = 	snop  }
0x4: {  	_ = 	snop  }
0x5: {  	_ = 	snop  }
0x6: {  	_ = 	snop  }
0x7: {  	_ = 	snop  }
__scs_overlays_trampoline_lowered:
0x8: {  	[smem:$0x3FAA] =	sst s0  }
0x9: {  	[smem:$0x3FAB] =	sst s1  }
0xa: {  	[smem:$0x3FAC] =	sst s2  }
0xb: {  	[smem:$0x3FAD] =	sst s3  }
0xc: {  	[smem:$0x3FAE] =	sst s4  }
0xd: {  	[smem:$0x3FAF] =	sst s5  }
0xe: {  	[smem:$0x3FB0] =	sst s6  }
0xf: {  	[smem:$0x3FB1] =	sst s7  }
0x10: {  	[smem:$0x3FB2] =	sst s8  }
0x11: {  	[smem:$0x3FB3] =	sst s9;
	s0 =	simm.s32 @!p0 $0x0  }
0x12: {  	s1 =	sld [smem:$0x3F99];
	s0 =	simm.s32 @p0 $0x1  }
0x13: {  	[smem:$0x3FB4] =	sst s0;
	s0 =	simm.s32 @!p1 $0x0  }
0x14: {  	s2 =	sld [smem:$0x3F98];
	s0 =	simm.s32 @p1 $0x1  }
0x15: {  	[smem:$0x3FB5] =	sst s0;
	s0 =	simm.s32 @!p2 $0x0  }
0x16: {  	s3 =	sld [smem:$0x3FDB];
	s0 =	simm.s32 @p2 $0x1  }
0x17: {  	s4 =	simm.s32 $0x1BF5;
	[smem:$0x3FB7] =	sst s0  }
0x18: {  	s0 =	sld [smem:$0x3F9A];
	_ =	swait.ge [sflag:s4], $0x0  }
0x19: {  	s7 =	sld [smem:$0x3F9B]  }
0x1a: {  	s8 =	sadd.s32 $0xFFFFE003, lr  }
0x1b: {  	s9 =	sadd.s32 $0xFFFFFEF7, lr;
	s5 =	simm.s32 $0xFFFFFFFF;
	p2 =	slt.u32 s8, $0xFFFFF086  }
0x1c: {  	p1 =	slt.u32 s9, $0xF7A;
	s5 =	simm.s32 @!p2 $0x0  }
0x1d: {  	s5 =	simm.s32 @p1 $0x1;
	p0 =	seq.s32 s7, s2  }
0x1e: {  	s7 =	smul.u32 @!p0 $0xF7A, s2;
	p2 =	seq.s32 @!p0 s5, $0x0  }
0x1f: {  	s9 =	smul.u32 $0xF7A, s1;
	s8 =	simm.s32 @!p0 $0x1BF5;
	p2 =	por !p2, p0  }
0x20: {  	[sflag:s8] =	ssyncset.s32 @!p0 $0xFFFFF086;
	s6 =	sadd.s32 @!p0 s3, s7;
	s7 =	simm.s32 @!p0 $0x108  }
0x21: {  	s3 =	sadd.s32 s3, s9;
	s6 =	sadd.s32 @!p0 $0x88, s6;
	s7 =	simm.s32 @p2 $0x1082  }
0x22: {  	[simem:s7], [sflag:s8] =	dma.local @!p0 [hbm:s6], $0xF7A  }
0x23: {  	s9 =	sor.u32 $0xD0000000, s2;
	s6 =	simm.s32 $0x108;
	_ =	swait.ge @!p0 [sflag:s8], $0x0  }
0x24: {  	s3 =	sadd.s32 $0x88, s3;
	s6 =	simm.s32 @!p1 $0x1082;
	[sflag:s4] =	ssyncset.s32 $0xFFFFF086  }
0x25: {  	[simem:s6], [sflag:s4] =	dma.local [hbm:s3], $0xF7A  }
0x26: {  	[smem:$0x3F9B] =	sst s1;
	(tag) =	ssettag s2;
	_ =	strace s9  }
0x27: {  	s1 =	sld [smem:$0x3FAB]  }
0x28: {  	s2 =	sld [smem:$0x3FAC]  }
0x29: {  	s4 =	sld [smem:$0x3FAE]  }
0x2a: {  	p0 =	seq.s32 s5, $0x0;
	s5 =	sld [smem:$0x3FAF]  }
0x2b: {  	s6 =	sld [smem:$0x3FB0]  }
0x2c: {  	s7 =	sld [smem:$0x3FB1]  }
0x2d: {  	s3 =	simm.s32 $0x108;
	s8 =	sld [smem:$0x3FB2]  }
0x2e: {  	s3 =	simm.s32 @!p0 $0x1082;
	s9 =	sld [smem:$0x3FB3]  }
0x2f: {  	lr =	sadd.s32 s0, s3;
	s0 =	sld [smem:$0x3FAA]  }
0x30: {  	s3 =	sld [smem:$0x3FAD]  }
0x31: {  	[smem:$0x3FB6] =	sst s10  }
0x32: {  	s10 =	sld [smem:$0x3FB4];
	_ =	sdelay $0x3  }
0x33: {  	p0 =	seq.s32 s10, $0x1;
	s10 =	sld [smem:$0x3FB6];
	_ =	sdelay $0x3  }
0x34: {  	[smem:$0x3FB6] =	sst s10  }
0x35: {  	s10 =	sld [smem:$0x3FB5];
	_ =	sdelay $0x3  }
0x36: {  	p1 =	seq.s32 s10, $0x1;
	s10 =	sld [smem:$0x3FB6];
	_ =	sdelay $0x3  }
0x37: {  	[smem:$0x3FB6] =	sst s10  }
0x38: {  	s10 =	sld [smem:$0x3FB7]  }
0x39: {  	_ = 	snop;
	(pc) =	sbr.ind lr, $3  }
0x3a: {  	_ = 	snop  }
0x3b: {  	_ = 	snop  }
0x3c: {  	p2 =	seq.s32 s10, $0x1;
	s10 =	sld [smem:$0x3FB6]  }
0x3d: {  	_ =	shalt  }
0x3e: {  	_ =	shalt  }
0x3f: {  	_ =	shalt  }
0x40: {  	_ =	shalt  }
0x41: {  	_ =	shalt  }
0x42: {  	_ =	shalt  }
0x43: {  	_ =	shalt  }
0x44: {  	_ =	shalt  }
0x45: {  	_ =	shalt  }
0x46: {  	_ =	shalt  }
0x47: {  	_ =	shalt  }
0x48: {  	_ =	shalt  }
0x49: {  	_ =	shalt  }
0x4a: {  	_ =	shalt  }
0x4b: {  	_ =	shalt  }
0x4c: {  	_ =	shalt  }
0x4d: {  	_ =	shalt  }
0x4e: {  	_ =	shalt  }
0x4f: {  	_ =	shalt  }
0x50: {  	_ =	shalt  }
0x51: {  	_ =	shalt  }
0x52: {  	_ =	shalt  }
0x53: {  	_ =	shalt  }
0x54: {  	_ =	shalt  }
0x55: {  	_ =	shalt  }
0x56: {  	_ =	shalt  }
0x57: {  	_ =	shalt  }
0x58: {  	_ =	shalt  }
0x59: {  	_ =	shalt  }
0x5a: {  	_ =	shalt  }
0x5b: {  	_ =	shalt  }
0x5c: {  	_ =	shalt  }
0x5d: {  	_ =	shalt  }
0x5e: {  	_ =	shalt  }
0x5f: {  	_ =	shalt  }
0x60: {  	_ =	shalt  }
0x61: {  	_ =	shalt  }
0x62: {  	_ =	shalt  }
0x63: {  	_ =	shalt  }
0x64: {  	_ =	shalt  }
0x65: {  	_ =	shalt  }
0x66: {  	_ =	shalt  }
0x67: {  	_ =	shalt  }
0x68: {  	_ =	shalt  }
0x69: {  	_ =	shalt  }
0x6a: {  	_ =	shalt  }
0x6b: {  	_ =	shalt  }
0x6c: {  	_ =	shalt  }
0x6d: {  	_ =	shalt  }
0x6e: {  	_ =	shalt  }
0x6f: {  	_ =	shalt  }
0x70: {  	_ =	shalt  }
0x71: {  	_ =	shalt  }
0x72: {  	_ =	shalt  }
0x73: {  	_ =	shalt  }
0x74: {  	_ =	shalt  }
0x75: {  	_ =	shalt  }
0x76: {  	_ =	shalt  }
0x77: {  	_ =	shalt  }
0x78: {  	_ =	shalt  }
0x79: {  	_ =	shalt  }
0x7a: {  	_ =	shalt  }
0x7b: {  	_ =	shalt  }
0x7c: {  	_ =	shalt  }
0x7d: {  	_ =	shalt  }
0x7e: {  	_ =	shalt  }
0x7f: {  	_ =	shalt  }
0x80: {  	_ =	shalt  }
0x81: {  	_ =	shalt  }
0x82: {  	_ =	shalt  }
0x83: {  	_ =	shalt  }
0x84: {  	_ =	shalt  }
0x85: {  	_ =	shalt  }
0x86: {  	_ =	shalt  }
0x87: {  	_ =	shalt  }
.Lfunc_end0:
.L_simem_size_0:
called_computation_lowered:
.L_overlay_start_0:
0x88: {  	s2 =	sld [smem:$0x3FD9]  }
0x89: {  	s3 =	sld [smem:$0x3FFE];
	_ =	sdelay $0x1  }
0x8a: {  	s1 =	srdreg.scid  }
0x8b: {  	s0 =	sand.u32 $0x1, s1  }
0x8c: {  	s17 =	sshll.u32 s0, $0xA;
	s2 =	sadd.s32 s3, s2  }
0x8d: {  	s2 =	sadd.s32 s2, s17  }
0x8e: {  	[smem:$0x3FC2] =	sst s2  }
0x8f: {  	_ = 	snop  }
0x90: {  	s2 =	sld [smem:$0x3FD0];
	(tm) =	ssettm $0x1  }
0x91: {  	s18 =	sld [smem:$0x3FFB];
	_ =	sdelay $0x3  }
0x92: {  	_ =	strace s18  }
0x93: {  	s3 =	sld [smem:$0x3FFC];
	_ =	sdelay $0x3  }
0x94: {  	_ =	strace s3  }
0x95: {  	s3 =	sld [smem:$0x3FFD];
	_ =	sdelay $0x3  }
0x96: {  	_ =	strace s3  }
0x97: {  	_ =	strace $0x8FFFFFFF  }
0x98: {  	s19 =	sld [smem:$0x3FDB];
	_ =	sdelay $0x1  }
0x99: {  	s4 =	simm.s32 $_scs_section_size  }
0x9a: {  	s5 =	simm.s32 $_size__tile_overlayer_lowered;
	s6 =	simm.s32 $_tile_overlayer_lowered  }
0x9b: {  	s22 =	simm.s32 $0x1BFF;
	s21 =	sshll.u32 s6, $0x1;
	s3 =	sadd.s32 s4, s19  }
0x9c: {  	s7 =	simm.s32 $0x0;
	s20 =	sshll.u32 s5, $0x1;
	s5 =	sadd.s32 s21, s3  }
0x9d: {  	[timem:s7], [sflag:s22] =	dma.local [hbm:s5], s20  }
0x9e: {  	_ =	swait.ge [sflag:s22], s20  }
0x9f: {  	s4 =	ssub.s32 $0x0, s20;
	[sflag:s22] =	ssyncset.done $0x0  }
0xa0: {  	[sflag:s22] =	ssyncadd.s32 s4;
	_ =	sdelay $0x1  }
0xa1: {  	s23 =	simm.s32 $0x1B8B  }
0xa2: {  	_ =	swait.ge [sflag:s23], $0x1  }
0xa3: {  	[sflag:s23] =	ssyncset.done $0x0  }
0xa4: {  	s25 =	simm.s32 $0x1B8E;
	s24 =	sld [smem:$0x3FFE];
	[sflag:s23] =	ssyncadd.s32 $0xFFFFFFFF  }
0xa5: {  	s26 =	simm.s32 $execute0_lowered;
	[smem:$0x3FD2] =	sst s25  }
0xa6: {  	s5 =	sshll.u32 s26, $0x1;
	_ =	strace $0x80000046;
	[dreg:$0x1] =	wrdreg $0xFFFFFFFF  }
0xa7: {  	s28 =	simm.s32 $_size_execute0_lowered;
	s3 =	sadd.s32 s3, s5;
	[dreg:$0x0] =	wrdreg $0x0  }
0xa8: {  	s5 =	sshll.u32 s28, $0x1;
	[dreg:$0x2] =	wrdreg s3  }
0xa9: {  	[dreg:$0x3] =	wrdreg s5  }
0xaa: {  	[dreg:$0x4] =	wrdreg $0xC0  }
0xab: {  	_ =	task [dreg:s7], $0x5FFFF  }
0xac: {  	[dreg:$0x1] =	wrdreg $0xFFFFFFFF  }
0xad: {  	[dreg:$0x0] =	wrdreg $0x60  }
0xae: {  	[dreg:$0x2] =	wrdreg s24  }
0xaf: {  	[dreg:$0x3] =	wrdreg s2  }
0xb0: {  	[dreg:$0x4] =	wrdreg $0x9  }
0xb1: {  	_ =	task.clear_ibuf [dreg:s7], $0x5FFFF;
	_ =	strace $0x90000046  }
0xb2: {  	s29 =	simm.s32 $0x9;
	_ =	strace $0x80000048  }
0xb3: {  	_ =	swait.ge [sflag:s29], $0x1  }
0xb4: {  	[sflag:s29] =	ssyncadd.s32 $0xFFFFFFFF  }
0xb5: {  	_ =	strace $0x90000048  }
0xb6: {  	_ =	sfence  }
0xb7: {  	s30 =	sld [smem:$0x0];
	_ =	sdelay $0x2  }
0xb8: {  	s31 =	sshll.u32 s1, $0xD;
	s1 =	sshrl.u32 s1, $0x2  }
0xb9: {  	s3 =	sand.u32 $0x4000, s31;
	s1 =	sadd.s32 s1, s30  }
0xba: {  	s0 =	sor.u32 s3, s0;
	s1 =	sshll.u32 s1, $0x11  }
0xbb: {  	s0 =	sor.u32 s1, s0  }
0xbc: {  	s0 =	sadd.s32 $0x8F2B, s0  }
0xbd: {  	[sflag:s0] =	ssyncadd.remote.s32 $0x1  }
0xbe: {  	_ =	sfence.sel $0xFFFF  }
0xbf: {  	[dreg:$0x0] =	wrdreg $0xFFFFFFFF;
	(pc) =	sbr.abs _section_cstart, $3  }
0xc0: {  	[dreg:$0x1] =	wrdreg $0xFFFFFFFF  }
0xc1: {  	_ =	task.clear_ibuf [dreg:s7], $0x2FFFF;
	_ =	strace $0x9FFFFFFF  }
0xc2: {  	(tm) =	ssettm $0x7FFFFFFF  }
0xc3: {  	_ =	shalt  }
tec
execute0_lowered:
.L_overlay_start_1:
0x0: {  	(tag) =	ssettag $0x1  }
0x1: {  	v0 =	vlaneseq.u32  }
0x2: {  	v7 =	vmul.u32 $0x3C, v0;
	_ =	sdelay $0x1  }
0x3: {  	v0 =	vor.u32 $0x1, v7  }
0x4: {  	v58 =	vor.u32 $0x2, v7;
	[tilespmem:$0x1FE60] =	vst v0  }
0x5: {  	v59 =	vor.u32 $0x3, v7;
	[tilespmem:$0x1FE70] =	vst v58  }
0x6: {  	v60 =	vadd.s32 $0x4, v7;
	[tilespmem:$0x1FE80] =	vst v59  }
0x7: {  	v61 =	vadd.s32 $0x5, v7;
	[tilespmem:$0x1FE90] =	vst v60  }
0x8: {  	s3 =	rddreg [dreg:$0x0];
	v62 =	vadd.s32 $0x6, v7;
	[tilespmem:$0x1FEA0] =	vst v61  }
0x9: {  	s6 =	rddreg [dreg:$0x1];
	s2 =	simm.s32 $0x0;
	v63 =	vadd.s32 $0x7, v7;
	[tilespmem:$0x1FEB0] =	vst v62  }
0xa: {  	s1 =	srdreg.scid;
	[smem:$0x7FF] =	sst s2;
	v15 =	vadd.s32 $0x8, v7;
	[tilespmem:$0x1FEC0] =	vst v63  }
0xb: {  	s4 =	sand.u32 $0x1, s1;
	s1 =	rddreg [dreg:$0x2];
	v16 =	vadd.s32 $0x9, v7;
	_ =	strace $0x80000047;
	[tilespmem:$0x1FED0] =	vst v15  }
0xc: {  	v17 =	vadd.s32 $0xA, v7;
	[tilespmem:$0x1FEE0] =	vst v16  }
0xd: {  	v18 =	vadd.s32 $0xB, v7;
	[tilespmem:$0x1FEF0] =	vst v17  }
0xe: {  	v19 =	vadd.s32 $0xC, v7;
	v20 =	vadd.s32 $0xD, v7;
	v21 =	vadd.s32 $0xE, v7;
	[tilespmem:$0x1FF00] =	vst v18  }
0xf: {  	v8 =	vadd.s32 $0xF, v7;
	v9 =	vadd.s32 $0x10, v7;
	v22 =	vadd.s32 $0x11, v7;
	[tilespmem:$0x1FF10] =	vst v19  }
0x10: {  	v10 =	vadd.s32 $0x12, v7;
	v23 =	vadd.s32 $0x13, v7;
	v11 =	vadd.s32 $0x14, v7;
	[tilespmem:$0x1FF20] =	vst v20  }
0x11: {  	v24 =	vadd.s32 $0x15, v7;
	v12 =	vadd.s32 $0x16, v7;
	v25 =	vadd.s32 $0x17, v7;
	[tilespmem:$0x1FF30] =	vst v21  }
0x12: {  	v13 =	vadd.s32 $0x18, v7;
	v26 =	vadd.s32 $0x19, v7;
	v14 =	vadd.s32 $0x1A, v7;
	[tilespmem:$0x1FF40] =	vst v8  }
0x13: {  	v27 =	vadd.s32 $0x1B, v7;
	v28 =	vadd.s32 $0x1C, v7;
	v29 =	vadd.s32 $0x1D, v7;
	[tilespmem:$0x1FF50] =	vst v9  }
0x14: {  	v30 =	vadd.s32 $0x1E, v7;
	v31 =	vadd.s32 $0x1F, v7;
	v32 =	vadd.s32 $0x20, v7;
	[tilespmem:$0x1FF60] =	vst v22  }
0x15: {  	s0 =	stileid.u32;
	v33 =	vadd.s32 $0x21, v7;
	v34 =	vadd.s32 $0x22, v7;
	v35 =	vadd.s32 $0x23, v7;
	[tilespmem:$0x1FF70] =	vst v10  }
0x16: {  	s5 =	sshll.u32 s0, $0x1;
	v36 =	vadd.s32 $0x24, v7;
	v37 =	vadd.s32 $0x25, v7;
	v38 =	vadd.s32 $0x26, v7;
	[tilespmem:$0x1FF80] =	vst v23  }
0x17: {  	s7 =	sor.u32 s4, s5;
	v39 =	vadd.s32 $0x27, v7;
	v40 =	vadd.s32 $0x28, v7;
	v41 =	vadd.s32 $0x29, v7;
	[tilespmem:$0x1FF90] =	vst v11  }
0x18: {  	s11 =	simm.s32 $0x0;
	s4 =	ssub.s32 $0x2, s4;
	s5 =	smul.u32 $0x7800, s7;
	v42 =	vadd.s32 $0x2A, v7;
	v43 =	vadd.s32 $0x2B, v7;
	v44 =	vadd.s32 $0x2C, v7;
	[tilespmem:$0x1FFA0] =	vst v24  }
0x19: {  	s8 =	sadd.s32 $0xC00, s3;
	s9 =	sshrl.u32 s4, $0x1;
	s10 =	smul.u32 $0xF00, s7;
	v45 =	vadd.s32 $0x2D, v7;
	v46 =	vadd.s32 $0x2E, v7;
	v47 =	vadd.s32 $0x2F, v7;
	[tilespmem:$0x1FFB0] =	vst v12  }
0x1a: {  	s3 =	sadd.s32 $0x1EC00, s3;
	v48 =	vadd.s32 $0x30, v7;
	v49 =	vadd.s32 $0x31, v7;
	v50 =	vadd.s32 $0x32, v7;
	s7 =	sshll.u32 s7, $0x6;
	s9 =	ssub.s32 s4, s9;
	[tilespmem:$0x1FFC0] =	vst v25  }
0x1b: {  	v51 =	vadd.s32 $0x33, v7;
	v52 =	vadd.s32 $0x34, v7;
	v53 =	vadd.s32 $0x35, v7;
	s6 =	sadd.s32 s6, s7;
	s5 =	sshrl.u32 s5, $0x3;
	s4 =	sadd.s32 s8, s10;
	[tilespmem:$0x1FFD0] =	vst v13  }
0x1c: {  	v54 =	vadd.s32 $0x36, v7;
	v55 =	vadd.s32 $0x37, v7;
	v56 =	vadd.s32 $0x38, v7;
	s7 =	smax.u32 s9, $0x1;
	s9 =	simm.s32 $0x19000;
	[tilespmem:$0x1FFE0] =	vst v26;
	s5 =	sadd.s32 s8, s5  }
0x1d: {  	v57 =	vadd.s32 $0x39, v7;
	v58 =	vadd.s32 $0x3A, v7;
	v59 =	vadd.s32 $0x3B, v7;
	s10 =	simm.s32 $0x1CC00;
	[tilespmem:$0x1FFF0] =	vst v14;
	s8 =	simm.s32 $0x1;
	s5 =	sadd.s32 $0x780, s5  }
.LBB2_1:
0x1e: {  	[tilespmem:s2], [sflag:$0x1] =	stream.linear.gather [hbm4b:s3+s2], $0x19000, $0x38;
	[tilespmem:$0x1CE00] =	vst v63  }
0x1f: {  	_ =	swait.ge [sflag:s8], $0x19000  }
0x20: {  	[sflag:s8] =	ssyncset.done $0x0  }
0x21: {  	[sflag:s8] =	ssyncadd.s32 $0xFFFE7000  }
0x22: {  	[tilespmem:s9], [sflag:$0x1] =	stream.linear.gather [hbm4b:s4+s2], $0x3C00, $0x38;
	[tilespmem:$0x1CE00] =	vst v63  }
0x23: {  	_ =	swait.ge [sflag:s8], $0x3C00  }
0x24: {  	v0 =	vld [tilespmem:$0x1FE60];
	_ =	sdelay $0x2  }
0x25: {  	v1 =	vld [tilespmem:$0x1FE70]  }
0x26: {  	v2 =	vld [tilespmem:$0x1FE80]  }
0x27: {  	v4 =	vld [tilespmem:$0x1FEA0];
	v61 =	vadd.s32 s2, v0  }
0x28: {  	v60 =	vadd.s32 s2, v7;
	_ =	sdelay $0x1  }
0x29: {  	[sflag:s8] =	ssyncset.done $0x0;
	v3 =	vld [tilespmem:$0x1FE90];
	v62 =	vadd.s32 s2, v1  }
0x2a: {  	[sflag:s8] =	ssyncadd.s32 $0xFFFFC400;
	v63 =	vadd.s32 s2, v2  }
0x2b: {  	v0 =	vld.idx.msk [tilespmem:v61+s9+$0x0], $0xffff;
	v61 =	vadd.s32 s2, v4  }
0x2c: {  	v6 =	vld.idx.msk [tilespmem:v60+s9+$0x0], $0xffff  }
0x2d: {  	v5 =	vld [tilespmem:$0x1FEB0]  }
0x2e: {  	v60 =	vadd.s32 s2, v3;
	v62 =	vld.idx.msk [tilespmem:v62+s9+$0x0], $0xffff  }
0x2f: {  	v63 =	vld.idx.msk [tilespmem:v63+s9+$0x0], $0xffff  }
0x30: {  	v61 =	vld.idx.msk [tilespmem:v61+s9+$0x0], $0xffff;
	_ =	sdelay $0x1  }
0x31: {  	[tilespmem:$0x1F4B0] =	vst v0  }
0x32: {  	v60 =	vld.idx.msk [tilespmem:v60+s9+$0x0], $0xffff;
	[tilespmem:$0x1F4C0] =	vst v62  }
0x33: {  	[tilespmem:$0x1F4D0] =	vst v63;
	v63 =	vld.idx.msk [tilespmem:v6+s2+$0x0], $0xffff  }
0x34: {  	v62 =	vadd.s32 s2, v5;
	[tilespmem:$0x1F510] =	vst v61;
	v61 =	vld [tilespmem:$0x1F4B0]  }
0x35: {  	v6 =	vld [tilespmem:$0x1FEC0];
	_ =	sdelay $0x3  }
0x36: {  	v62 =	vld.idx.msk [tilespmem:v62+s9+$0x0], $0xffff  }
0x37: {  	[tilespmem:$0x1F4F0] =	vst v60;
	v60 =	vadd.s32 s2, v6;
	_ =	sdelay $0x1  }
0x38: {  	v0 =	vld.idx.msk [tilespmem:v61+s2+$0x0], $0xffff;
	v61 =	vadd.s32 s2, v15;
	_ =	sdelay $0x1  }
0x39: {  	[tilespmem:$0x1F530] =	vst v62;
	v62 =	vld [tilespmem:$0x1F4C0]  }
0x3a: {  	v60 =	vld.idx.msk [tilespmem:v60+s9+$0x0], $0xffff;
	_ =	sdelay $0x1  }
0x3b: {  	v61 =	vld.idx.msk [tilespmem:v61+s9+$0x0], $0xffff;
	_ =	sdelay $0x2  }
0x3c: {  	[tilespmem:$0x1F550] =	vst v60  }
0x3d: {  	v60 =	vld [tilespmem:$0x1F4D0];
	[tilespmem:$0x1F4E0] =	vst v0  }
0x3e: {  	[tilespmem:$0x1F570] =	vst v61;
	v61 =	vld [tilespmem:$0x1F4E0]  }
0x3f: {  	v0 =	vld.idx.msk [tilespmem:v62+s2+$0x0], $0xffff;
	v62 =	vadd.s32 s2, v16;
	_ =	sdelay $0x1  }
0x40: {  	v63 =	vadd.f32 $0.0e+00, v63;
	_ =	sdelay $0x1  }
0x41: {  	v63 =	vadd.f32 v61, v63;
	v61 =	vld [tilespmem:$0x1F4F0]  }
0x42: {  	v62 =	vld.idx.msk [tilespmem:v62+s9+$0x0], $0xffff  }
0x43: {  	[tilespmem:$0x1F500] =	vst v0;
	v0 =	vld.idx.msk [tilespmem:v60+s2+$0x0], $0xffff;
	v60 =	vadd.s32 s2, v17;
	_ =	sdelay $0x3  }
0x44: {  	[tilespmem:$0x1F590] =	vst v62;
	v62 =	vld [tilespmem:$0x1F500]  }
0x45: {  	v60 =	vld.idx.msk [tilespmem:v60+s9+$0x0], $0xffff  }
0x46: {  	[tilespmem:$0x1F520] =	vst v0;
	v0 =	vld.idx.msk [tilespmem:v61+s2+$0x0], $0xffff;
	v61 =	vadd.s32 s2, v18;
	_ =	sdelay $0x2  }
0x47: {  	v63 =	vadd.f32 v62, v63;
	v62 =	vld [tilespmem:$0x1F510]  }
0x48: {  	[tilespmem:$0x1F5B0] =	vst v60;
	v60 =	vld [tilespmem:$0x1F520]  }
0x49: {  	v61 =	vld.idx.msk [tilespmem:v61+s9+$0x0], $0xffff;
	_ =	sdelay $0x3  }
0x4a: {  	v63 =	vadd.f32 v60, v63;
	v60 =	vld [tilespmem:$0x1F530];
	[tilespmem:$0x1F540] =	vst v0  }
0x4b: {  	[tilespmem:$0x1F5D0] =	vst v61;
	v61 =	vld [tilespmem:$0x1F540]  }
0x4c: {  	v0 =	vld.idx.msk [tilespmem:v62+s2+$0x0], $0xffff;
	v62 =	vadd.s32 s2, v19;
	_ =	sdelay $0x3  }
0x4d: {  	v63 =	vadd.f32 v61, v63;
	v61 =	vld [tilespmem:$0x1F550]  }
0x4e: {  	v62 =	vld.idx.msk [tilespmem:v62+s9+$0x0], $0xffff  }
0x4f: {  	[tilespmem:$0x1F560] =	vst v0;
	v0 =	vld.idx.msk [tilespmem:v60+s2+$0x0], $0xffff;
	v60 =	vadd.s32 s2, v20;
	_ =	sdelay $0x3  }
0x50: {  	[tilespmem:$0x1F5F0] =	vst v62;
	v62 =	vld [tilespmem:$0x1F560]  }
0x51: {  	v60 =	vld.idx.msk [tilespmem:v60+s9+$0x0], $0xffff  }
0x52: {  	[tilespmem:$0x1F580] =	vst v0;
	v0 =	vld.idx.msk [tilespmem:v61+s2+$0x0], $0xffff;
	v61 =	vadd.s32 s2, v21;
	_ =	sdelay $0x2  }
0x53: {  	v63 =	vadd.f32 v62, v63;
	v62 =	vld [tilespmem:$0x1F570]  }
0x54: {  	[tilespmem:$0x1F610] =	vst v60;
	v60 =	vld [tilespmem:$0x1F580]  }
0x55: {  	v61 =	vld.idx.msk [tilespmem:v61+s9+$0x0], $0xffff;
	_ =	sdelay $0x3  }
0x56: {  	v63 =	vadd.f32 v60, v63;
	v60 =	vld [tilespmem:$0x1F590];
	[tilespmem:$0x1F5A0] =	vst v0  }
0x57: {  	[tilespmem:$0x1F630] =	vst v61;
	v61 =	vld [tilespmem:$0x1F5A0];
	_ =	sdelay $0x2  }
0x58: {  	v0 =	vld.idx.msk [tilespmem:v62+s2+$0x0], $0xffff  }
0x59: {  	v62 =	vadd.s32 s2, v8  }
0x5a: {  	v63 =	vadd.f32 v61, v63;
	v61 =	vld [tilespmem:$0x1F5B0];
	_ =	sdelay $0x2  }
0x5b: {  	[tilespmem:$0x1F5C0] =	vst v0;
	v0 =	vld.idx.msk [tilespmem:v60+s2+$0x0], $0xffff  }
0x5c: {  	v62 =	vld.idx.msk [tilespmem:v62+s9+$0x0], $0xffff;
	_ =	sdelay $0x3  }
0x5d: {  	[tilespmem:$0x1F5E0] =	vst v0;
	v0 =	vld.idx.msk [tilespmem:v61+s2+$0x0], $0xffff  }
0x5e: {  	[tilespmem:$0x1F650] =	vst v62;
	v62 =	vld [tilespmem:$0x1F5C0]  }
0x5f: {  	v60 =	vadd.s32 s2, v9;
	_ =	sdelay $0x2  }
0x60: {  	[tilespmem:$0x1F600] =	vst v0  }
0x61: {  	v63 =	vadd.f32 v62, v63;
	v62 =	vld [tilespmem:$0x1F5D0]  }
0x62: {  	v60 =	vld.idx.msk [tilespmem:v60+s9+$0x0], $0xffff  }
0x63: {  	v61 =	vadd.s32 s2, v22;
	_ =	sdelay $0x3  }
0x64: {  	[tilespmem:$0x1F670] =	vst v60;
	v60 =	vld [tilespmem:$0x1F5E0]  }
0x65: {  	v61 =	vld.idx.msk [tilespmem:v61+s9+$0x0], $0xffff;
	_ =	sdelay $0x3  }
0x66: {  	v63 =	vadd.f32 v60, v63;
	v60 =	vld [tilespmem:$0x1F5F0]  }
0x67: {  	[tilespmem:$0x1F690] =	vst v61;
	v61 =	vld [tilespmem:$0x1F600]  }
0x68: {  	v0 =	vld.idx.msk [tilespmem:v62+s2+$0x0], $0xffff;
	v62 =	vadd.s32 s2, v10;
	_ =	sdelay $0x3  }
0x69: {  	v63 =	vadd.f32 v61, v63;
	v61 =	vld [tilespmem:$0x1F610]  }
0x6a: {  	v62 =	vld.idx.msk [tilespmem:v62+s9+$0x0], $0xffff  }
0x6b: {  	[tilespmem:$0x1F620] =	vst v0;
	v0 =	vld.idx.msk [tilespmem:v60+s2+$0x0], $0xffff;
	v60 =	vadd.s32 s2, v23;
	_ =	sdelay $0x3  }
0x6c: {  	[tilespmem:$0x1F6B0] =	vst v62;
	v62 =	vld [tilespmem:$0x1F620]  }
0x6d: {  	v60 =	vld.idx.msk [tilespmem:v60+s9+$0x0], $0xffff  }
0x6e: {  	[tilespmem:$0x1F640] =	vst v0;
	v0 =	vld.idx.msk [tilespmem:v61+s2+$0x0], $0xffff;
	v61 =	vadd.s32 s2, v11;
	_ =	sdelay $0x2  }
0x6f: {  	v63 =	vadd.f32 v62, v63;
	v62 =	vld [tilespmem:$0x1F630]  }
0x70: {  	[tilespmem:$0x1F6D0] =	vst v60;
	v60 =	vld [tilespmem:$0x1F640]  }
0x71: {  	v61 =	vld.idx.msk [tilespmem:v61+s9+$0x0], $0xffff;
	_ =	sdelay $0x3  }
0x72: {  	[tilespmem:$0x1F660] =	vst v0;
	v63 =	vadd.f32 v60, v63;
	v60 =	vld [tilespmem:$0x1F650]  }
0x73: {  	[tilespmem:$0x1F6F0] =	vst v61;
	v61 =	vld [tilespmem:$0x1F660]  }
0x74: {  	v0 =	vld.idx.msk [tilespmem:v62+s2+$0x0], $0xffff;
	v62 =	vadd.s32 s2, v24;
	_ =	sdelay $0x3  }
0x75: {  	v63 =	vadd.f32 v61, v63;
	v61 =	vld [tilespmem:$0x1F670]  }
0x76: {  	v62 =	vld.idx.msk [tilespmem:v62+s9+$0x0], $0xffff  }
0x77: {  	[tilespmem:$0x1F680] =	vst v0;
	v0 =	vld.idx.msk [tilespmem:v60+s2+$0x0], $0xffff;
	v60 =	vadd.s32 s2, v12;
	_ =	sdelay $0x3  }
0x78: {  	[tilespmem:$0x1F710] =	vst v62;
	v62 =	vld [tilespmem:$0x1F680]  }
0x79: {  	v60 =	vld.idx.msk [tilespmem:v60+s9+$0x0], $0xffff  }
0x7a: {  	[tilespmem:$0x1F6A0] =	vst v0;
	v0 =	vld.idx.msk [tilespmem:v61+s2+$0x0], $0xffff;
	v61 =	vadd.s32 s2, v25;
	_ =	sdelay $0x2  }
0x7b: {  	v63 =	vadd.f32 v62, v63;
	v62 =	vld [tilespmem:$0x1F690]  }
0x7c: {  	[tilespmem:$0x1F730] =	vst v60;
	v60 =	vld [tilespmem:$0x1F6A0]  }
0x7d: {  	v61 =	vld.idx.msk [tilespmem:v61+s9+$0x0], $0xffff;
	_ =	sdelay $0x3  }
0x7e: {  	[tilespmem:$0x1F6C0] =	vst v0;
	v63 =	vadd.f32 v60, v63;
	v60 =	vld [tilespmem:$0x1F6B0]  }
0x7f: {  	[tilespmem:$0x1F750] =	vst v61;
	v61 =	vld [tilespmem:$0x1F6C0];
	_ =	sdelay $0x2  }
0x80: {  	v0 =	vld.idx.msk [tilespmem:v62+s2+$0x0], $0xffff;
	_ =	sdelay $0x1  }
0x81: {  	v63 =	vadd.f32 v61, v63;
	v61 =	vld [tilespmem:$0x1F6D0];
	_ =	sdelay $0x2  }
0x82: {  	[tilespmem:$0x1F6E0] =	vst v0;
	v0 =	vld.idx.msk [tilespmem:v60+s2+$0x0], $0xffff;
	_ =	sdelay $0x4  }
0x83: {  	[tilespmem:$0x1F700] =	vst v0;
	v0 =	vld.idx.msk [tilespmem:v61+s2+$0x0], $0xffff;
	_ =	sdelay $0x4  }
0x84: {  	[tilespmem:$0x1F720] =	vst v0;
	v0 =	vld [tilespmem:$0x1F6E0];
	_ =	sdelay $0x2  }
0x85: {  	v62 =	vadd.s32 s2, v13;
	_ =	sdelay $0x1  }
0x86: {  	v63 =	vadd.f32 v0, v63;
	v0 =	vld [tilespmem:$0x1F6F0];
	_ =	sdelay $0x2  }
0x87: {  	v62 =	vld.idx.msk [tilespmem:v62+s9+$0x0], $0xffff;
	_ =	sdelay $0x4  }
0x88: {  	[tilespmem:$0x1F770] =	vst v62;
	v62 =	vld.idx.msk [tilespmem:v0+s2+$0x0], $0xffff  }
0x89: {  	v0 =	vld [tilespmem:$0x1F700];
	_ =	sdelay $0x2  }
0x8a: {  	v60 =	vadd.s32 s2, v26;
	_ =	sdelay $0x1  }
0x8b: {  	v63 =	vadd.f32 v0, v63;
	v0 =	vld [tilespmem:$0x1F710];
	_ =	sdelay $0x2  }
0x8c: {  	v60 =	vld.idx.msk [tilespmem:v60+s9+$0x0], $0xffff;
	_ =	sdelay $0x4  }
0x8d: {  	[tilespmem:$0x1F790] =	vst v60;
	v60 =	vld.idx.msk [tilespmem:v0+s2+$0x0], $0xffff  }
0x8e: {  	v0 =	vld [tilespmem:$0x1F720];
	_ =	sdelay $0x1  }
0x8f: {  	v61 =	vadd.s32 s2, v14;
	_ =	sdelay $0x2  }
0x90: {  	v63 =	vadd.f32 v0, v63;
	v0 =	vld [tilespmem:$0x1F730];
	_ =	sdelay $0x1  }
0x91: {  	v61 =	vld.idx.msk [tilespmem:v61+s9+$0x0], $0xffff;
	_ =	sdelay $0x4  }
0x92: {  	[tilespmem:$0x1F7B0] =	vst v61  }
0x93: {  	[tilespmem:$0x1F740] =	vst v62;
	v61 =	vld.idx.msk [tilespmem:v0+s2+$0x0], $0xffff  }
0x94: {  	v0 =	vld [tilespmem:$0x1F740];
	_ =	sdelay $0x1  }
0x95: {  	v62 =	vadd.s32 s2, v27;
	_ =	sdelay $0x2  }
0x96: {  	v63 =	vadd.f32 v0, v63;
	v0 =	vld [tilespmem:$0x1F750];
	_ =	sdelay $0x1  }
0x97: {  	v62 =	vld.idx.msk [tilespmem:v62+s9+$0x0], $0xffff;
	_ =	sdelay $0x4  }
0x98: {  	[tilespmem:$0x1F7D0] =	vst v62  }
0x99: {  	[tilespmem:$0x1F760] =	vst v60;
	v62 =	vld.idx.msk [tilespmem:v0+s2+$0x0], $0xffff  }
0x9a: {  	v0 =	vld [tilespmem:$0x1F760];
	_ =	sdelay $0x1  }
0x9b: {  	v60 =	vadd.s32 s2, v28;
	_ =	sdelay $0x2  }
0x9c: {  	v63 =	vadd.f32 v0, v63;
	v0 =	vld [tilespmem:$0x1F770];
	_ =	sdelay $0x1  }
0x9d: {  	v60 =	vld.idx.msk [tilespmem:v60+s9+$0x0], $0xffff;
	_ =	sdelay $0x4  }
0x9e: {  	[tilespmem:$0x1F7F0] =	vst v60  }
0x9f: {  	[tilespmem:$0x1F780] =	vst v61;
	v60 =	vld.idx.msk [tilespmem:v0+s2+$0x0], $0xffff  }
0xa0: {  	v0 =	vld [tilespmem:$0x1F780];
	_ =	sdelay $0x1  }
0xa1: {  	v61 =	vadd.s32 s2, v29;
	_ =	sdelay $0x2  }
0xa2: {  	v63 =	vadd.f32 v0, v63;
	v0 =	vld [tilespmem:$0x1F790];
	_ =	sdelay $0x1  }
0xa3: {  	v61 =	vld.idx.msk [tilespmem:v61+s9+$0x0], $0xffff;
	_ =	sdelay $0x4  }
0xa4: {  	[tilespmem:$0x1F810] =	vst v61  }
0xa5: {  	[tilespmem:$0x1F7A0] =	vst v62;
	v61 =	vld.idx.msk [tilespmem:v0+s2+$0x0], $0xffff  }
0xa6: {  	v0 =	vld [tilespmem:$0x1F7A0];
	_ =	sdelay $0x1  }
0xa7: {  	v62 =	vadd.s32 s2, v30;
	_ =	sdelay $0x2  }
0xa8: {  	v63 =	vadd.f32 v0, v63;
	v0 =	vld [tilespmem:$0x1F7B0];
	_ =	sdelay $0x1  }
0xa9: {  	v62 =	vld.idx.msk [tilespmem:v62+s9+$0x0], $0xffff;
	_ =	sdelay $0x4  }
0xaa: {  	[tilespmem:$0x1F830] =	vst v62  }
0xab: {  	[tilespmem:$0x1F7C0] =	vst v60;
	v62 =	vld.idx.msk [tilespmem:v0+s2+$0x0], $0xffff  }
0xac: {  	v0 =	vld [tilespmem:$0x1F7C0];
	_ =	sdelay $0x1  }
0xad: {  	v60 =	vadd.s32 s2, v31;
	_ =	sdelay $0x2  }
0xae: {  	v63 =	vadd.f32 v0, v63;
	v0 =	vld [tilespmem:$0x1F7D0];
	_ =	sdelay $0x1  }
0xaf: {  	v60 =	vld.idx.msk [tilespmem:v60+s9+$0x0], $0xffff;
	_ =	sdelay $0x4  }
0xb0: {  	[tilespmem:$0x1F850] =	vst v60  }
0xb1: {  	[tilespmem:$0x1F7E0] =	vst v61;
	v60 =	vld.idx.msk [tilespmem:v0+s2+$0x0], $0xffff  }
0xb2: {  	v0 =	vld [tilespmem:$0x1F7E0];
	_ =	sdelay $0x1  }
0xb3: {  	v61 =	vadd.s32 s2, v32;
	_ =	sdelay $0x2  }
0xb4: {  	v63 =	vadd.f32 v0, v63;
	v0 =	vld [tilespmem:$0x1F7F0];
	_ =	sdelay $0x1  }
0xb5: {  	v61 =	vld.idx.msk [tilespmem:v61+s9+$0x0], $0xffff;
	_ =	sdelay $0x4  }
0xb6: {  	[tilespmem:$0x1F870] =	vst v61  }
0xb7: {  	[tilespmem:$0x1F800] =	vst v62;
	v61 =	vld.idx.msk [tilespmem:v0+s2+$0x0], $0xffff  }
0xb8: {  	v0 =	vld [tilespmem:$0x1F800];
	_ =	sdelay $0x1  }
0xb9: {  	v62 =	vadd.s32 s2, v33;
	_ =	sdelay $0x2  }
0xba: {  	v63 =	vadd.f32 v0, v63;
	v0 =	vld [tilespmem:$0x1F810];
	_ =	sdelay $0x1  }
0xbb: {  	v62 =	vld.idx.msk [tilespmem:v62+s9+$0x0], $0xffff;
	_ =	sdelay $0x4  }
0xbc: {  	[tilespmem:$0x1F890] =	vst v62  }
0xbd: {  	[tilespmem:$0x1F820] =	vst v60;
	v62 =	vld.idx.msk [tilespmem:v0+s2+$0x0], $0xffff  }
0xbe: {  	v0 =	vld [tilespmem:$0x1F820];
	_ =	sdelay $0x1  }
0xbf: {  	v60 =	vadd.s32 s2, v34;
	_ =	sdelay $0x2  }
0xc0: {  	v63 =	vadd.f32 v0, v63;
	v0 =	vld [tilespmem:$0x1F830];
	_ =	sdelay $0x1  }
0xc1: {  	v60 =	vld.idx.msk [tilespmem:v60+s9+$0x0], $0xffff;
	_ =	sdelay $0x4  }
0xc2: {  	[tilespmem:$0x1F8B0] =	vst v60  }
0xc3: {  	[tilespmem:$0x1F840] =	vst v61;
	v60 =	vld.idx.msk [tilespmem:v0+s2+$0x0], $0xffff  }
0xc4: {  	v0 =	vld [tilespmem:$0x1F840];
	_ =	sdelay $0x1  }
0xc5: {  	v61 =	vadd.s32 s2, v35;
	_ =	sdelay $0x2  }
0xc6: {  	v63 =	vadd.f32 v0, v63;
	v0 =	vld [tilespmem:$0x1F850];
	_ =	sdelay $0x1  }
0xc7: {  	v61 =	vld.idx.msk [tilespmem:v61+s9+$0x0], $0xffff;
	_ =	sdelay $0x4  }
0xc8: {  	[tilespmem:$0x1F8D0] =	vst v61  }
0xc9: {  	[tilespmem:$0x1F860] =	vst v62;
	v61 =	vld.idx.msk [tilespmem:v0+s2+$0x0], $0xffff  }
0xca: {  	v0 =	vld [tilespmem:$0x1F860];
	_ =	sdelay $0x1  }
0xcb: {  	v62 =	vadd.s32 s2, v36;
	_ =	sdelay $0x2  }
0xcc: {  	v63 =	vadd.f32 v0, v63;
	v0 =	vld [tilespmem:$0x1F870];
	_ =	sdelay $0x1  }
0xcd: {  	v62 =	vld.idx.msk [tilespmem:v62+s9+$0x0], $0xffff;
	_ =	sdelay $0x4  }
0xce: {  	[tilespmem:$0x1F8F0] =	vst v62  }
0xcf: {  	[tilespmem:$0x1F880] =	vst v60;
	v62 =	vld.idx.msk [tilespmem:v0+s2+$0x0], $0xffff  }
0xd0: {  	v0 =	vld [tilespmem:$0x1F880];
	_ =	sdelay $0x1  }
0xd1: {  	v60 =	vadd.s32 s2, v37;
	_ =	sdelay $0x2  }
0xd2: {  	v63 =	vadd.f32 v0, v63;
	v0 =	vld [tilespmem:$0x1F890];
	_ =	sdelay $0x1  }
0xd3: {  	v60 =	vld.idx.msk [tilespmem:v60+s9+$0x0], $0xffff;
	_ =	sdelay $0x4  }
0xd4: {  	[tilespmem:$0x1F910] =	vst v60  }
0xd5: {  	[tilespmem:$0x1F8A0] =	vst v61;
	v60 =	vld.idx.msk [tilespmem:v0+s2+$0x0], $0xffff  }
0xd6: {  	v0 =	vld [tilespmem:$0x1F8A0];
	_ =	sdelay $0x1  }
0xd7: {  	v61 =	vadd.s32 s2, v38;
	_ =	sdelay $0x2  }
0xd8: {  	v63 =	vadd.f32 v0, v63;
	v0 =	vld [tilespmem:$0x1F8B0];
	_ =	sdelay $0x1  }
0xd9: {  	v61 =	vld.idx.msk [tilespmem:v61+s9+$0x0], $0xffff;
	_ =	sdelay $0x4  }
0xda: {  	[tilespmem:$0x1F930] =	vst v61  }
0xdb: {  	[tilespmem:$0x1F8C0] =	vst v62;
	v61 =	vld.idx.msk [tilespmem:v0+s2+$0x0], $0xffff  }
0xdc: {  	v0 =	vld [tilespmem:$0x1F8C0];
	_ =	sdelay $0x1  }
0xdd: {  	v62 =	vadd.s32 s2, v39;
	_ =	sdelay $0x2  }
0xde: {  	v63 =	vadd.f32 v0, v63;
	v0 =	vld [tilespmem:$0x1F8D0];
	_ =	sdelay $0x1  }
0xdf: {  	v62 =	vld.idx.msk [tilespmem:v62+s9+$0x0], $0xffff;
	_ =	sdelay $0x4  }
0xe0: {  	[tilespmem:$0x1F950] =	vst v62  }
0xe1: {  	[tilespmem:$0x1F8E0] =	vst v60;
	v62 =	vld.idx.msk [tilespmem:v0+s2+$0x0], $0xffff  }
0xe2: {  	v0 =	vld [tilespmem:$0x1F8E0];
	_ =	sdelay $0x1  }
0xe3: {  	v60 =	vadd.s32 s2, v40;
	_ =	sdelay $0x2  }
0xe4: {  	v63 =	vadd.f32 v0, v63;
	v0 =	vld [tilespmem:$0x1F8F0];
	_ =	sdelay $0x1  }
0xe5: {  	v60 =	vld.idx.msk [tilespmem:v60+s9+$0x0], $0xffff;
	_ =	sdelay $0x4  }
0xe6: {  	[tilespmem:$0x1F970] =	vst v60  }
0xe7: {  	[tilespmem:$0x1F900] =	vst v61;
	v60 =	vld.idx.msk [tilespmem:v0+s2+$0x0], $0xffff  }
0xe8: {  	v0 =	vld [tilespmem:$0x1F900];
	_ =	sdelay $0x1  }
0xe9: {  	v61 =	vadd.s32 s2, v41;
	_ =	sdelay $0x2  }
0xea: {  	v63 =	vadd.f32 v0, v63;
	v0 =	vld [tilespmem:$0x1F910];
	_ =	sdelay $0x1  }
0xeb: {  	v61 =	vld.idx.msk [tilespmem:v61+s9+$0x0], $0xffff;
	_ =	sdelay $0x4  }
0xec: {  	[tilespmem:$0x1F990] =	vst v61  }
0xed: {  	[tilespmem:$0x1F920] =	vst v62;
	v61 =	vld.idx.msk [tilespmem:v0+s2+$0x0], $0xffff  }
0xee: {  	v0 =	vld [tilespmem:$0x1F920];
	_ =	sdelay $0x1  }
0xef: {  	v62 =	vadd.s32 s2, v42;
	_ =	sdelay $0x2  }
0xf0: {  	v63 =	vadd.f32 v0, v63;
	v0 =	vld [tilespmem:$0x1F930];
	_ =	sdelay $0x1  }
0xf1: {  	v62 =	vld.idx.msk [tilespmem:v62+s9+$0x0], $0xffff;
	_ =	sdelay $0x4  }
0xf2: {  	[tilespmem:$0x1F9B0] =	vst v62  }
0xf3: {  	[tilespmem:$0x1F940] =	vst v60;
	v62 =	vld.idx.msk [tilespmem:v0+s2+$0x0], $0xffff  }
0xf4: {  	v0 =	vld [tilespmem:$0x1F940];
	_ =	sdelay $0x1  }
0xf5: {  	v60 =	vadd.s32 s2, v43;
	_ =	sdelay $0x2  }
0xf6: {  	v63 =	vadd.f32 v0, v63;
	v0 =	vld [tilespmem:$0x1F950];
	_ =	sdelay $0x1  }
0xf7: {  	v60 =	vld.idx.msk [tilespmem:v60+s9+$0x0], $0xffff;
	_ =	sdelay $0x4  }
0xf8: {  	[tilespmem:$0x1F9D0] =	vst v60  }
0xf9: {  	[tilespmem:$0x1F960] =	vst v61;
	v60 =	vld.idx.msk [tilespmem:v0+s2+$0x0], $0xffff  }
0xfa: {  	v0 =	vld [tilespmem:$0x1F960];
	_ =	sdelay $0x1  }
0xfb: {  	v61 =	vadd.s32 s2, v44;
	_ =	sdelay $0x2  }
0xfc: {  	v63 =	vadd.f32 v0, v63;
	v0 =	vld [tilespmem:$0x1F970];
	_ =	sdelay $0x1  }
0xfd: {  	v61 =	vld.idx.msk [tilespmem:v61+s9+$0x0], $0xffff;
	_ =	sdelay $0x4  }
0xfe: {  	[tilespmem:$0x1F9F0] =	vst v61  }
0xff: {  	[tilespmem:$0x1F980] =	vst v62;
	v61 =	vld.idx.msk [tilespmem:v0+s2+$0x0], $0xffff  }
0x100: {  	v0 =	vld [tilespmem:$0x1F980];
	_ =	sdelay $0x1  }
0x101: {  	v62 =	vadd.s32 s2, v45;
	_ =	sdelay $0x2  }
0x102: {  	v63 =	vadd.f32 v0, v63;
	v0 =	vld [tilespmem:$0x1F990];
	_ =	sdelay $0x1  }
0x103: {  	v62 =	vld.idx.msk [tilespmem:v62+s9+$0x0], $0xffff;
	_ =	sdelay $0x4  }
0x104: {  	[tilespmem:$0x1FA10] =	vst v62  }
0x105: {  	[tilespmem:$0x1F9A0] =	vst v60;
	v62 =	vld.idx.msk [tilespmem:v0+s2+$0x0], $0xffff  }
0x106: {  	v0 =	vld [tilespmem:$0x1F9A0];
	_ =	sdelay $0x1  }
0x107: {  	v60 =	vadd.s32 s2, v46;
	_ =	sdelay $0x2  }
0x108: {  	v63 =	vadd.f32 v0, v63;
	v0 =	vld [tilespmem:$0x1F9B0];
	_ =	sdelay $0x1  }
0x109: {  	v60 =	vld.idx.msk [tilespmem:v60+s9+$0x0], $0xffff;
	_ =	sdelay $0x4  }
0x10a: {  	[tilespmem:$0x1FA30] =	vst v60  }
0x10b: {  	[tilespmem:$0x1F9C0] =	vst v61;
	v60 =	vld.idx.msk [tilespmem:v0+s2+$0x0], $0xffff  }
0x10c: {  	v0 =	vld [tilespmem:$0x1F9C0];
	_ =	sdelay $0x1  }
0x10d: {  	v61 =	vadd.s32 s2, v47;
	_ =	sdelay $0x2  }
0x10e: {  	v63 =	vadd.f32 v0, v63;
	v0 =	vld [tilespmem:$0x1F9D0];
	_ =	sdelay $0x1  }
0x10f: {  	v61 =	vld.idx.msk [tilespmem:v61+s9+$0x0], $0xffff;
	_ =	sdelay $0x4  }
0x110: {  	[tilespmem:$0x1FA50] =	vst v61  }
0x111: {  	[tilespmem:$0x1F9E0] =	vst v62;
	v61 =	vld.idx.msk [tilespmem:v0+s2+$0x0], $0xffff  }
0x112: {  	v0 =	vld [tilespmem:$0x1F9E0];
	_ =	sdelay $0x1  }
0x113: {  	v62 =	vadd.s32 s2, v48;
	_ =	sdelay $0x2  }
0x114: {  	v63 =	vadd.f32 v0, v63;
	v0 =	vld [tilespmem:$0x1F9F0];
	_ =	sdelay $0x1  }
0x115: {  	v62 =	vld.idx.msk [tilespmem:v62+s9+$0x0], $0xffff;
	_ =	sdelay $0x4  }
0x116: {  	[tilespmem:$0x1FA70] =	vst v62  }
0x117: {  	[tilespmem:$0x1FA00] =	vst v60;
	v62 =	vld.idx.msk [tilespmem:v0+s2+$0x0], $0xffff  }
0x118: {  	v0 =	vld [tilespmem:$0x1FA00];
	_ =	sdelay $0x1  }
0x119: {  	v60 =	vadd.s32 s2, v49;
	_ =	sdelay $0x2  }
0x11a: {  	v63 =	vadd.f32 v0, v63;
	v0 =	vld [tilespmem:$0x1FA10];
	_ =	sdelay $0x1  }
0x11b: {  	v60 =	vld.idx.msk [tilespmem:v60+s9+$0x0], $0xffff;
	_ =	sdelay $0x4  }
0x11c: {  	[tilespmem:$0x1FA90] =	vst v60  }
0x11d: {  	[tilespmem:$0x1FA20] =	vst v61;
	v60 =	vld.idx.msk [tilespmem:v0+s2+$0x0], $0xffff  }
0x11e: {  	v0 =	vld [tilespmem:$0x1FA20];
	_ =	sdelay $0x1  }
0x11f: {  	v61 =	vadd.s32 s2, v50;
	_ =	sdelay $0x2  }
0x120: {  	v63 =	vadd.f32 v0, v63;
	v0 =	vld [tilespmem:$0x1FA30];
	_ =	sdelay $0x1  }
0x121: {  	v61 =	vld.idx.msk [tilespmem:v61+s9+$0x0], $0xffff;
	_ =	sdelay $0x4  }
0x122: {  	[tilespmem:$0x1FAB0] =	vst v61  }
0x123: {  	[tilespmem:$0x1FA40] =	vst v62;
	v61 =	vld.idx.msk [tilespmem:v0+s2+$0x0], $0xffff  }
0x124: {  	v0 =	vld [tilespmem:$0x1FA40];
	_ =	sdelay $0x1  }
0x125: {  	v62 =	vadd.s32 s2, v51;
	_ =	sdelay $0x2  }
0x126: {  	v63 =	vadd.f32 v0, v63;
	v0 =	vld [tilespmem:$0x1FA50];
	_ =	sdelay $0x1  }
0x127: {  	v62 =	vld.idx.msk [tilespmem:v62+s9+$0x0], $0xffff;
	_ =	sdelay $0x4  }
0x128: {  	[tilespmem:$0x1FAD0] =	vst v62  }
0x129: {  	[tilespmem:$0x1FA60] =	vst v60;
	v62 =	vld.idx.msk [tilespmem:v0+s2+$0x0], $0xffff  }
0x12a: {  	v0 =	vld [tilespmem:$0x1FA60];
	_ =	sdelay $0x1  }
0x12b: {  	v60 =	vadd.s32 s2, v52;
	_ =	sdelay $0x2  }
0x12c: {  	v63 =	vadd.f32 v0, v63;
	v0 =	vld [tilespmem:$0x1FA70];
	_ =	sdelay $0x1  }
0x12d: {  	v60 =	vld.idx.msk [tilespmem:v60+s9+$0x0], $0xffff;
	_ =	sdelay $0x4  }
0x12e: {  	[tilespmem:$0x1FB00] =	vst v60  }
0x12f: {  	[tilespmem:$0x1FA80] =	vst v61;
	v60 =	vld.idx.msk [tilespmem:v0+s2+$0x0], $0xffff  }
0x130: {  	v0 =	vld [tilespmem:$0x1FA80];
	_ =	sdelay $0x2  }
0x131: {  	v61 =	vadd.s32 s2, v53;
	_ =	sdelay $0x1  }
0x132: {  	v63 =	vadd.f32 v0, v63;
	v0 =	vld [tilespmem:$0x1FA90];
	_ =	sdelay $0x2  }
0x133: {  	v61 =	vld.idx.msk [tilespmem:v61+s9+$0x0], $0xffff  }
0x134: {  	[tilespmem:$0x1FAA0] =	vst v62;
	v62 =	vadd.s32 s2, v54;
	_ =	sdelay $0x3  }
0x135: {  	[tilespmem:$0x1FB20] =	vst v61;
	v61 =	vld.idx.msk [tilespmem:v0+s2+$0x0], $0xffff;
	v0 =	vadd.s32 s2, v56  }
0x136: {  	[tilespmem:$0x1FAE0] =	vst v0;
	v0 =	vld.idx.msk [tilespmem:v62+s9+$0x0], $0xffff;
	_ =	sdelay $0x4  }
0x137: {  	[tilespmem:$0x1FB40] =	vst v0;
	v0 =	vld [tilespmem:$0x1FAA0];
	_ =	sdelay $0x4  }
0x138: {  	v63 =	vadd.f32 v0, v63;
	v0 =	vld [tilespmem:$0x1FAB0];
	_ =	sdelay $0x6  }
0x139: {  	[tilespmem:$0x1FAC0] =	vst v60  }
0x13a: {  	[tilespmem:$0x1FAF0] =	vst v61;
	v61 =	vld.idx.msk [tilespmem:v0+s2+$0x0], $0xffff  }
0x13b: {  	v0 =	vld [tilespmem:$0x1FAC0];
	_ =	sdelay $0x2  }
0x13c: {  	v60 =	vadd.s32 s2, v55;
	_ =	sdelay $0x1  }
0x13d: {  	v63 =	vadd.f32 v0, v63;
	v0 =	vld [tilespmem:$0x1FAD0];
	_ =	sdelay $0x2  }
0x13e: {  	v60 =	vld.idx.msk [tilespmem:v60+s9+$0x0], $0xffff;
	_ =	sdelay $0x4  }
0x13f: {  	[tilespmem:$0x1FB60] =	vst v60;
	v60 =	vld.idx.msk [tilespmem:v0+s2+$0x0], $0xffff  }
0x140: {  	v0 =	vld [tilespmem:$0x1FAE0];
	_ =	sdelay $0x7  }
0x141: {  	[tilespmem:$0x1FB10] =	vst v61;
	v61 =	vld.idx.msk [tilespmem:v0+s9+$0x0], $0xffff  }
0x142: {  	v0 =	vld [tilespmem:$0x1FAF0];
	_ =	sdelay $0x4  }
0x143: {  	v63 =	vadd.f32 v0, v63;
	v0 =	vld [tilespmem:$0x1FB00];
	_ =	sdelay $0x7  }
0x144: {  	[tilespmem:$0x1FB80] =	vst v61;
	v61 =	vld.idx.msk [tilespmem:v0+s2+$0x0], $0xffff  }
0x145: {  	v0 =	vld [tilespmem:$0x1FB10];
	_ =	sdelay $0x1  }
0x146: {  	v62 =	vadd.s32 s2, v57;
	_ =	sdelay $0x2  }
0x147: {  	v63 =	vadd.f32 v0, v63;
	v0 =	vld [tilespmem:$0x1FB20];
	_ =	sdelay $0x1  }
0x148: {  	v62 =	vld.idx.msk [tilespmem:v62+s9+$0x0], $0xffff;
	_ =	sdelay $0x4  }
0x149: {  	[tilespmem:$0x1FB90] =	vst v62  }
0x14a: {  	[tilespmem:$0x1FB30] =	vst v60;
	v62 =	vld.idx.msk [tilespmem:v0+s2+$0x0], $0xffff  }
0x14b: {  	v0 =	vld [tilespmem:$0x1FB30];
	_ =	sdelay $0x4  }
0x14c: {  	v63 =	vadd.f32 v0, v63;
	v0 =	vld [tilespmem:$0x1FB40];
	_ =	sdelay $0x3  }
0x14d: {  	[tilespmem:$0x1FB50] =	vst v61;
	v61 =	vadd.s32 s2, v59;
	_ =	sdelay $0x3  }
0x14e: {  	[tilespmem:$0x1FB70] =	vst v62;
	v62 =	vld.idx.msk [tilespmem:v0+s2+$0x0], $0xffff  }
0x14f: {  	v0 =	vld.idx.msk [tilespmem:v61+s9+$0x0], $0xffff;
	_ =	sdelay $0x4  }
0x150: {  	[tilespmem:$0x1FBB0] =	vst v0;
	v0 =	vld [tilespmem:$0x1FB50];
	_ =	sdelay $0x2  }
0x151: {  	v60 =	vadd.s32 s2, v58;
	_ =	sdelay $0x1  }
0x152: {  	v63 =	vadd.f32 v0, v63;
	v0 =	vld [tilespmem:$0x1FB60];
	_ =	sdelay $0x2  }
0x153: {  	v60 =	vld.idx.msk [tilespmem:v60+s9+$0x0], $0xffff;
	_ =	sdelay $0x4  }
0x154: {  	[tilespmem:$0x1FBA0] =	vst v60;
	v60 =	vld.idx.msk [tilespmem:v0+s2+$0x0], $0xffff  }
0x155: {  	v0 =	vld [tilespmem:$0x1FB70];
	_ =	sdelay $0x4  }
0x156: {  	v63 =	vadd.f32 v0, v63;
	v0 =	vld [tilespmem:$0x1FB80];
	_ =	sdelay $0x7  }
0x157: {  	v61 =	vld.idx.msk [tilespmem:v0+s2+$0x0], $0xffff  }
0x158: {  	v0 =	vld [tilespmem:$0x1FB90];
	_ =	sdelay $0x7  }
0x159: {  	v62 =	vadd.f32 v62, v63;
	v63 =	vld.idx.msk [tilespmem:v0+s2+$0x0], $0xffff  }
0x15a: {  	v0 =	vld [tilespmem:$0x1FBA0];
	_ =	sdelay $0x7  }
0x15b: {  	v60 =	vadd.f32 v60, v62;
	v62 =	vld.idx.msk [tilespmem:v0+s2+$0x0], $0xffff  }
0x15c: {  	v0 =	vld [tilespmem:$0x1FBB0];
	_ =	sdelay $0x6  }
0x15d: {  	v60 =	vadd.f32 v61, v60  }
0x15e: {  	v61 =	vld.idx.msk [tilespmem:v0+s2+$0x0], $0xffff  }
0x15f: {  	v60 =	vadd.f32 v63, v60;
	_ =	sdelay $0x1  }
0x160: {  	v60 =	vadd.f32 v62, v60  }
0x161: {  	s12 =	simm.s32 $0x3C0  }
0x162: {  	v62 =	vadd.s32 s12, v7;
	v60 =	vadd.f32 v61, v60;
	_ =	sdelay $0x1  }
0x163: {  	v60 =	vmul.f32 $1.666666750e-02, v60;
	_ =	sdelay $0x1  }
0x164: {  	v0 =	vld [tilespmem:$0x1FE60];
	[tilespmem:s10+$0x0] =	vst v60  }
0x165: {  	v60 =	vld.idx.msk [tilespmem:v62+s9+$0x0], $0xffff;
	v62 =	vadd.s32 s12, v2;
	_ =	sdelay $0x3  }
0x166: {  	v61 =	vadd.s32 s12, v0  }
0x167: {  	v63 =	vadd.s32 s12, v1;
	[tilespmem:$0x1FBC0] =	vst v60;
	v60 =	vadd.s32 s12, v3;
	v3 =	vld.idx.msk [tilespmem:v62+s9+$0x0], $0xffff  }
0x168: {  	v62 =	vadd.s32 s12, v5;
	v5 =	vld [tilespmem:$0x1FBC0];
	_ =	sdelay $0x2  }
0x169: {  	v1 =	vld.idx.msk [tilespmem:v61+s9+$0x0], $0xffff  }
0x16a: {  	v2 =	vld.idx.msk [tilespmem:v63+s9+$0x0], $0xffff;
	v61 =	vadd.s32 s12, v4;
	_ =	sdelay $0x2  }
0x16b: {  	v4 =	vld.idx.msk [tilespmem:v60+s9+$0x0], $0xffff  }
0x16c: {  	v63 =	vld.idx.msk [tilespmem:v5+s2+$0x0], $0xffff  }
0x16d: {  	v5 =	vld.idx.msk [tilespmem:v61+s9+$0x0], $0xffff  }
0x16e: {  	v61 =	vld [tilespmem:$0x1FED0]  }
0x16f: {  	v60 =	vadd.s32 s12, v6;
	v6 =	vld.idx.msk [tilespmem:v62+s9+$0x0], $0xffff  }
0x170: {  	v62 =	vld.idx.msk [tilespmem:v2+s2+$0x0], $0xffff;
	_ =	sdelay $0x2  }
0x171: {  	v1 =	vld.idx.msk [tilespmem:v1+s2+$0x0], $0xffff;
	v61 =	vadd.s32 s12, v61;
	_ =	sdelay $0x1  }
0x172: {  	[tilespmem:$0x1FBE0] =	vst v62;
	v62 =	vld [tilespmem:$0x1FEE0]  }
0x173: {  	v2 =	vld.idx.msk [tilespmem:v60+s9+$0x0], $0xffff  }
0x174: {  	v60 =	vld.idx.msk [tilespmem:v3+s2+$0x0], $0xffff  }
0x175: {  	[tilespmem:$0x1FBD0] =	vst v1;
	v3 =	vld.idx.msk [tilespmem:v61+s9+$0x0], $0xffff  }
0x176: {  	v61 =	vld [tilespmem:$0x1FBD0]  }
0x177: {  	v62 =	vadd.s32 s12, v62;
	_ =	sdelay $0x1  }
0x178: {  	v63 =	vadd.f32 $0.0e+00, v63;
	[tilespmem:$0x1FBF0] =	vst v60;
	v60 =	vld [tilespmem:$0x1FEF0];
	_ =	sdelay $0x1  }
0x179: {  	v63 =	vadd.f32 v61, v63;
	v61 =	vld.idx.msk [tilespmem:v4+s2+$0x0], $0xffff  }
0x17a: {  	v4 =	vld.idx.msk [tilespmem:v62+s9+$0x0], $0xffff  }
0x17b: {  	v62 =	vld [tilespmem:$0x1FBE0]  }
0x17c: {  	v60 =	vadd.s32 s12, v60;
	_ =	sdelay $0x1  }
0x17d: {  	[tilespmem:$0x1FC00] =	vst v61;
	v61 =	vld [tilespmem:$0x1FF00];
	_ =	sdelay $0x1  }
0x17e: {  	v63 =	vadd.f32 v62, v63;
	v62 =	vld.idx.msk [tilespmem:v5+s2+$0x0], $0xffff  }
0x17f: {  	v5 =	vld.idx.msk [tilespmem:v60+s9+$0x0], $0xffff  }
0x180: {  	v60 =	vld [tilespmem:$0x1FBF0]  }
0x181: {  	v61 =	vadd.s32 s12, v61;
	_ =	sdelay $0x1  }
0x182: {  	[tilespmem:$0x1FC10] =	vst v62;
	v62 =	vld [tilespmem:$0x1FF10];
	_ =	sdelay $0x1  }
0x183: {  	v63 =	vadd.f32 v60, v63;
	v60 =	vld.idx.msk [tilespmem:v6+s2+$0x0], $0xffff  }
0x184: {  	v6 =	vld.idx.msk [tilespmem:v61+s9+$0x0], $0xffff  }
0x185: {  	v61 =	vld [tilespmem:$0x1FC00]  }
0x186: {  	v62 =	vadd.s32 s12, v62;
	_ =	sdelay $0x1  }
0x187: {  	[tilespmem:$0x1FC20] =	vst v60;
	v60 =	vld [tilespmem:$0x1FF20];
	_ =	sdelay $0x1  }
0x188: {  	v63 =	vadd.f32 v61, v63;
	v61 =	vld.idx.msk [tilespmem:v2+s2+$0x0], $0xffff  }
0x189: {  	v2 =	vld.idx.msk [tilespmem:v62+s9+$0x0], $0xffff  }
0x18a: {  	v62 =	vld [tilespmem:$0x1FC10]  }
0x18b: {  	v60 =	vadd.s32 s12, v60;
	_ =	sdelay $0x1  }
0x18c: {  	[tilespmem:$0x1FC30] =	vst v61;
	v61 =	vld [tilespmem:$0x1FF30];
	_ =	sdelay $0x1  }
0x18d: {  	v63 =	vadd.f32 v62, v63;
	v62 =	vld.idx.msk [tilespmem:v3+s2+$0x0], $0xffff  }
0x18e: {  	v3 =	vld.idx.msk [tilespmem:v60+s9+$0x0], $0xffff  }
0x18f: {  	v60 =	vld [tilespmem:$0x1FC20]  }
0x190: {  	v61 =	vadd.s32 s12, v61;
	_ =	sdelay $0x1  }
0x191: {  	[tilespmem:$0x1FC40] =	vst v62;
	v62 =	vld [tilespmem:$0x1FF40];
	_ =	sdelay $0x1  }
0x192: {  	v63 =	vadd.f32 v60, v63;
	v60 =	vld.idx.msk [tilespmem:v4+s2+$0x0], $0xffff  }
0x193: {  	v4 =	vld.idx.msk [tilespmem:v61+s9+$0x0], $0xffff  }
0x194: {  	v61 =	vld [tilespmem:$0x1FC30]  }
0x195: {  	v62 =	vadd.s32 s12, v62;
	_ =	sdelay $0x1  }
0x196: {  	[tilespmem:$0x1FC50] =	vst v60;
	v60 =	vld [tilespmem:$0x1FF50];
	_ =	sdelay $0x1  }
0x197: {  	v63 =	vadd.f32 v61, v63;
	v61 =	vld.idx.msk [tilespmem:v5+s2+$0x0], $0xffff  }
0x198: {  	v5 =	vld.idx.msk [tilespmem:v62+s9+$0x0], $0xffff  }
0x199: {  	v62 =	vld [tilespmem:$0x1FC40]  }
0x19a: {  	v60 =	vadd.s32 s12, v60;
	_ =	sdelay $0x1  }
0x19b: {  	[tilespmem:$0x1FC60] =	vst v61;
	v61 =	vld [tilespmem:$0x1FF60];
	_ =	sdelay $0x1  }
0x19c: {  	v63 =	vadd.f32 v62, v63;
	v62 =	vld.idx.msk [tilespmem:v6+s2+$0x0], $0xffff  }
0x19d: {  	v6 =	vld.idx.msk [tilespmem:v60+s9+$0x0], $0xffff  }
0x19e: {  	v60 =	vld [tilespmem:$0x1FC50]  }
0x19f: {  	v61 =	vadd.s32 s12, v61;
	_ =	sdelay $0x1  }
0x1a0: {  	[tilespmem:$0x1FC70] =	vst v62;
	v62 =	vld [tilespmem:$0x1FF70];
	_ =	sdelay $0x1  }
0x1a1: {  	v63 =	vadd.f32 v60, v63;
	v60 =	vld.idx.msk [tilespmem:v2+s2+$0x0], $0xffff  }
0x1a2: {  	v2 =	vld.idx.msk [tilespmem:v61+s9+$0x0], $0xffff  }
0x1a3: {  	v61 =	vld [tilespmem:$0x1FC60]  }
0x1a4: {  	v62 =	vadd.s32 s12, v62;
	_ =	sdelay $0x1  }
0x1a5: {  	[tilespmem:$0x1FC80] =	vst v60;
	v60 =	vld [tilespmem:$0x1FF80];
	_ =	sdelay $0x1  }
0x1a6: {  	v63 =	vadd.f32 v61, v63;
	v61 =	vld.idx.msk [tilespmem:v3+s2+$0x0], $0xffff  }
0x1a7: {  	v3 =	vld.idx.msk [tilespmem:v62+s9+$0x0], $0xffff  }
0x1a8: {  	v62 =	vld [tilespmem:$0x1FC70]  }
0x1a9: {  	v60 =	vadd.s32 s12, v60;
	_ =	sdelay $0x1  }
0x1aa: {  	[tilespmem:$0x1FC90] =	vst v61;
	v61 =	vld [tilespmem:$0x1FF90];
	_ =	sdelay $0x1  }
0x1ab: {  	v63 =	vadd.f32 v62, v63;
	v62 =	vld.idx.msk [tilespmem:v4+s2+$0x0], $0xffff  }
0x1ac: {  	v4 =	vld.idx.msk [tilespmem:v60+s9+$0x0], $0xffff  }
0x1ad: {  	v60 =	vld [tilespmem:$0x1FC80]  }
0x1ae: {  	v61 =	vadd.s32 s12, v61;
	_ =	sdelay $0x1  }
0x1af: {  	[tilespmem:$0x1FCA0] =	vst v62;
	v62 =	vld [tilespmem:$0x1FFA0];
	_ =	sdelay $0x1  }
0x1b0: {  	v63 =	vadd.f32 v60, v63;
	v60 =	vld.idx.msk [tilespmem:v5+s2+$0x0], $0xffff  }
0x1b1: {  	v5 =	vld.idx.msk [tilespmem:v61+s9+$0x0], $0xffff  }
0x1b2: {  	v61 =	vld [tilespmem:$0x1FC90]  }
0x1b3: {  	v62 =	vadd.s32 s12, v62;
	_ =	sdelay $0x3  }
0x1b4: {  	v63 =	vadd.f32 v61, v63;
	v61 =	vld.idx.msk [tilespmem:v6+s2+$0x0], $0xffff  }
0x1b5: {  	v6 =	vld.idx.msk [tilespmem:v62+s9+$0x0], $0xffff  }
0x1b6: {  	v62 =	vld [tilespmem:$0x1FCA0]  }
0x1b7: {  	[tilespmem:$0x1FCB0] =	vst v60;
	v60 =	vld [tilespmem:$0x1FFB0];
	_ =	sdelay $0x1  }
0x1b8: {  	[tilespmem:$0x1FCC0] =	vst v61;
	v61 =	vld [tilespmem:$0x1FFC0];
	_ =	sdelay $0x1  }
0x1b9: {  	v63 =	vadd.f32 v62, v63;
	v62 =	vld.idx.msk [tilespmem:v2+s2+$0x0], $0xffff  }
0x1ba: {  	v60 =	vadd.s32 s12, v60;
	_ =	sdelay $0x1  }
0x1bb: {  	v61 =	vadd.s32 s12, v61;
	_ =	sdelay $0x1  }
0x1bc: {  	[tilespmem:$0x1FCD0] =	vst v62;
	v62 =	vld [tilespmem:$0x1FFD0]  }
0x1bd: {  	v2 =	vld.idx.msk [tilespmem:v60+s9+$0x0], $0xffff  }
0x1be: {  	v60 =	vld [tilespmem:$0x1FCB0]  }
0x1bf: {  	v1 =	vld.idx.msk [tilespmem:v61+s9+$0x0], $0xffff  }
0x1c0: {  	v61 =	vld [tilespmem:$0x1FCC0]  }
0x1c1: {  	v62 =	vadd.s32 s12, v62;
	_ =	sdelay $0x1  }
0x1c2: {  	v63 =	vadd.f32 v60, v63  }
0x1c3: {  	v60 =	vld.idx.msk [tilespmem:v3+s2+$0x0], $0xffff  }
0x1c4: {  	v63 =	vadd.f32 v61, v63;
	v61 =	vld.idx.msk [tilespmem:v4+s2+$0x0], $0xffff  }
0x1c5: {  	v0 =	vld.idx.msk [tilespmem:v62+s9+$0x0], $0xffff  }
0x1c6: {  	v62 =	vld [tilespmem:$0x1FCD0];
	_ =	sdelay $0x1  }
0x1c7: {  	[tilespmem:$0x1FCE0] =	vst v60;
	v60 =	vld [tilespmem:$0x1FFE0];
	_ =	sdelay $0x1  }
0x1c8: {  	v4 =	vld [tilespmem:$0x1FCE0]  }
0x1c9: {  	[tilespmem:$0x1FCF0] =	vst v61;
	v63 =	vadd.f32 v62, v63;
	v62 =	vld.idx.msk [tilespmem:v5+s2+$0x0], $0xffff  }
0x1ca: {  	v5 =	vld [tilespmem:$0x1FCF0]  }
0x1cb: {  	v60 =	vadd.s32 s12, v60;
	_ =	sdelay $0x1  }
0x1cc: {  	v63 =	vadd.f32 v4, v63  }
0x1cd: {  	v2 =	vld.idx.msk [tilespmem:v2+s2+$0x0], $0xffff;
	[tilespmem:$0x1FD00] =	vst v62  }
0x1ce: {  	v63 =	vadd.f32 v5, v63;
	v5 =	vld [tilespmem:$0x1FD00]  }
0x1cf: {  	v61 =	vadd.s32 s12, v14;
	v3 =	vld.idx.msk [tilespmem:v60+s9+$0x0], $0xffff;
	_ =	sdelay $0x1  }
0x1d0: {  	v6 =	vld.idx.msk [tilespmem:v6+s2+$0x0], $0xffff  }
0x1d1: {  	[tilespmem:$0x1FD10] =	vst v2;
	v1 =	vld.idx.msk [tilespmem:v1+s2+$0x0], $0xffff  }
0x1d2: {  	v63 =	vadd.f32 v5, v63;
	v5 =	vld [tilespmem:$0x1FD10]  }
0x1d3: {  	v60 =	vadd.s32 s12, v28;
	v4 =	vld.idx.msk [tilespmem:v61+s9+$0x0], $0xffff  }
0x1d4: {  	v62 =	vadd.s32 s12, v27  }
0x1d5: {  	v63 =	vadd.f32 v6, v63  }
0x1d6: {  	[tilespmem:$0x1FD20] =	vst v1;
	v3 =	vld.idx.msk [tilespmem:v3+s2+$0x0], $0xffff  }
0x1d7: {  	v63 =	vadd.f32 v5, v63;
	v5 =	vld [tilespmem:$0x1FD20]  }
0x1d8: {  	v61 =	vadd.s32 s12, v29;
	v1 =	vld.idx.msk [tilespmem:v60+s9+$0x0], $0xffff  }
0x1d9: {  	v2 =	vld.idx.msk [tilespmem:v62+s9+$0x0], $0xffff  }
0x1da: {  	v6 =	vld.idx.msk [tilespmem:v0+s2+$0x0], $0xffff  }
0x1db: {  	[tilespmem:$0x1FD30] =	vst v3;
	v4 =	vld.idx.msk [tilespmem:v4+s2+$0x0], $0xffff  }
0x1dc: {  	v63 =	vadd.f32 v5, v63;
	v5 =	vld [tilespmem:$0x1FD30]  }
0x1dd: {  	v60 =	vadd.s32 s12, v31;
	v0 =	vld.idx.msk [tilespmem:v61+s9+$0x0], $0xffff  }
0x1de: {  	v62 =	vadd.s32 s12, v30  }
0x1df: {  	v63 =	vadd.f32 v6, v63  }
0x1e0: {  	v1 =	vld.idx.msk [tilespmem:v1+s2+$0x0], $0xffff;
	[tilespmem:$0x1FD40] =	vst v4  }
0x1e1: {  	v63 =	vadd.f32 v5, v63;
	v5 =	vld [tilespmem:$0x1FD40]  }
0x1e2: {  	v61 =	vadd.s32 s12, v32;
	v4 =	vld.idx.msk [tilespmem:v60+s9+$0x0], $0xffff  }
0x1e3: {  	v3 =	vld.idx.msk [tilespmem:v62+s9+$0x0], $0xffff  }
0x1e4: {  	v6 =	vld.idx.msk [tilespmem:v2+s2+$0x0], $0xffff  }
0x1e5: {  	[tilespmem:$0x1FD50] =	vst v1;
	v0 =	vld.idx.msk [tilespmem:v0+s2+$0x0], $0xffff  }
0x1e6: {  	v63 =	vadd.f32 v5, v63;
	v5 =	vld [tilespmem:$0x1FD50]  }
0x1e7: {  	v60 =	vadd.s32 s12, v34;
	v2 =	vld.idx.msk [tilespmem:v61+s9+$0x0], $0xffff  }
0x1e8: {  	v62 =	vadd.s32 s12, v33  }
0x1e9: {  	v63 =	vadd.f32 v6, v63  }
0x1ea: {  	[tilespmem:$0x1FD60] =	vst v0;
	v4 =	vld.idx.msk [tilespmem:v4+s2+$0x0], $0xffff  }
0x1eb: {  	v63 =	vadd.f32 v5, v63;
	v5 =	vld [tilespmem:$0x1FD60]  }
0x1ec: {  	v61 =	vadd.s32 s12, v35;
	v0 =	vld.idx.msk [tilespmem:v60+s9+$0x0], $0xffff  }
0x1ed: {  	v1 =	vld.idx.msk [tilespmem:v62+s9+$0x0], $0xffff  }
0x1ee: {  	v6 =	vld.idx.msk [tilespmem:v3+s2+$0x0], $0xffff  }
0x1ef: {  	[tilespmem:$0x1FD70] =	vst v4;
	v2 =	vld.idx.msk [tilespmem:v2+s2+$0x0], $0xffff  }
0x1f0: {  	v63 =	vadd.f32 v5, v63;
	v5 =	vld [tilespmem:$0x1FD70]  }
0x1f1: {  	v60 =	vadd.s32 s12, v37;
	v3 =	vld.idx.msk [tilespmem:v61+s9+$0x0], $0xffff  }
0x1f2: {  	v62 =	vadd.s32 s12, v36  }
0x1f3: {  	v63 =	vadd.f32 v6, v63  }
0x1f4: {  	v0 =	vld.idx.msk [tilespmem:v0+s2+$0x0], $0xffff;
	[tilespmem:$0x1FD80] =	vst v2  }
0x1f5: {  	v63 =	vadd.f32 v5, v63;
	v5 =	vld [tilespmem:$0x1FD80]  }
0x1f6: {  	v61 =	vadd.s32 s12, v38;
	v2 =	vld.idx.msk [tilespmem:v60+s9+$0x0], $0xffff  }
0x1f7: {  	v4 =	vld.idx.msk [tilespmem:v62+s9+$0x0], $0xffff  }
0x1f8: {  	v6 =	vld.idx.msk [tilespmem:v1+s2+$0x0], $0xffff  }
0x1f9: {  	[tilespmem:$0x1FD90] =	vst v0;
	v3 =	vld.idx.msk [tilespmem:v3+s2+$0x0], $0xffff  }
0x1fa: {  	v63 =	vadd.f32 v5, v63;
	v5 =	vld [tilespmem:$0x1FD90]  }
0x1fb: {  	v60 =	vadd.s32 s12, v40;
	v1 =	vld.idx.msk [tilespmem:v61+s9+$0x0], $0xffff  }
0x1fc: {  	v62 =	vadd.s32 s12, v39  }
0x1fd: {  	v63 =	vadd.f32 v6, v63  }
0x1fe: {  	v2 =	vld.idx.msk [tilespmem:v2+s2+$0x0], $0xffff;
	[tilespmem:$0x1FDA0] =	vst v3  }
0x1ff: {  	v63 =	vadd.f32 v5, v63;
	v5 =	vld [tilespmem:$0x1FDA0]  }
0x200: {  	v61 =	vadd.s32 s12, v41;
	v3 =	vld.idx.msk [tilespmem:v60+s9+$0x0], $0xffff  }
0x201: {  	v0 =	vld.idx.msk [tilespmem:v62+s9+$0x0], $0xffff  }
0x202: {  	v6 =	vld.idx.msk [tilespmem:v4+s2+$0x0], $0xffff  }
0x203: {  	[tilespmem:$0x1FDB0] =	vst v2;
	v1 =	vld.idx.msk [tilespmem:v1+s2+$0x0], $0xffff  }
0x204: {  	v63 =	vadd.f32 v5, v63;
	v5 =	vld [tilespmem:$0x1FDB0]  }
0x205: {  	v60 =	vadd.s32 s12, v43;
	v4 =	vld.idx.msk [tilespmem:v61+s9+$0x0], $0xffff  }
0x206: {  	v62 =	vadd.s32 s12, v42  }
0x207: {  	v63 =	vadd.f32 v6, v63  }
0x208: {  	v3 =	vld.idx.msk [tilespmem:v3+s2+$0x0], $0xffff;
	[tilespmem:$0x1FDC0] =	vst v1  }
0x209: {  	v63 =	vadd.f32 v5, v63;
	v5 =	vld [tilespmem:$0x1FDC0]  }
0x20a: {  	v61 =	vadd.s32 s12, v44;
	v1 =	vld.idx.msk [tilespmem:v60+s9+$0x0], $0xffff  }
0x20b: {  	v2 =	vld.idx.msk [tilespmem:v62+s9+$0x0], $0xffff  }
0x20c: {  	v6 =	vld.idx.msk [tilespmem:v0+s2+$0x0], $0xffff  }
0x20d: {  	[tilespmem:$0x1FDD0] =	vst v3;
	v4 =	vld.idx.msk [tilespmem:v4+s2+$0x0], $0xffff  }
0x20e: {  	v63 =	vadd.f32 v5, v63;
	v5 =	vld [tilespmem:$0x1FDD0]  }
0x20f: {  	v60 =	vadd.s32 s12, v46;
	v0 =	vld.idx.msk [tilespmem:v61+s9+$0x0], $0xffff  }
0x210: {  	v62 =	vadd.s32 s12, v45  }
0x211: {  	v63 =	vadd.f32 v6, v63  }
0x212: {  	v1 =	vld.idx.msk [tilespmem:v1+s2+$0x0], $0xffff;
	[tilespmem:$0x1FDE0] =	vst v4  }
0x213: {  	v63 =	vadd.f32 v5, v63;
	v5 =	vld [tilespmem:$0x1FDE0]  }
0x214: {  	v61 =	vadd.s32 s12, v47;
	v4 =	vld.idx.msk [tilespmem:v60+s9+$0x0], $0xffff  }
0x215: {  	v3 =	vld.idx.msk [tilespmem:v62+s9+$0x0], $0xffff  }
0x216: {  	v62 =	vadd.s32 s12, v48;
	v6 =	vld.idx.msk [tilespmem:v2+s2+$0x0], $0xffff  }
0x217: {  	[tilespmem:$0x1FDF0] =	vst v1;
	v0 =	vld.idx.msk [tilespmem:v0+s2+$0x0], $0xffff  }
0x218: {  	v63 =	vadd.f32 v5, v63;
	v5 =	vld [tilespmem:$0x1FDF0]  }
0x219: {  	v60 =	vadd.s32 s12, v49;
	v2 =	vld.idx.msk [tilespmem:v61+s9+$0x0], $0xffff;
	_ =	sdelay $0x1  }
0x21a: {  	v1 =	vld.idx.msk [tilespmem:v62+s9+$0x0], $0xffff;
	v61 =	vadd.s32 s12, v50;
	v63 =	vadd.f32 v6, v63  }
0x21b: {  	v4 =	vld.idx.msk [tilespmem:v4+s2+$0x0], $0xffff;
	[tilespmem:$0x1FE00] =	vst v0  }
0x21c: {  	v63 =	vadd.f32 v5, v63;
	v5 =	vld [tilespmem:$0x1FE00]  }
0x21d: {  	v0 =	vld.idx.msk [tilespmem:v60+s9+$0x0], $0xffff  }
0x21e: {  	v6 =	vld.idx.msk [tilespmem:v3+s2+$0x0], $0xffff  }
0x21f: {  	v62 =	vadd.s32 s12, v51;
	v3 =	vld.idx.msk [tilespmem:v61+s9+$0x0], $0xffff  }
0x220: {  	[tilespmem:$0x1FE10] =	vst v4;
	v2 =	vld.idx.msk [tilespmem:v2+s2+$0x0], $0xffff  }
0x221: {  	v63 =	vadd.f32 v5, v63;
	v5 =	vld [tilespmem:$0x1FE10];
	_ =	sdelay $0x2  }
0x222: {  	v4 =	vld.idx.msk [tilespmem:v62+s9+$0x0], $0xffff;
	v61 =	vadd.s32 s12, v53;
	v63 =	vadd.f32 v6, v63  }
0x223: {  	v0 =	vld.idx.msk [tilespmem:v0+s2+$0x0], $0xffff;
	[tilespmem:$0x1FE20] =	vst v2  }
0x224: {  	v63 =	vadd.f32 v5, v63;
	v5 =	vld [tilespmem:$0x1FE20]  }
0x225: {  	v3 =	vld.idx.msk [tilespmem:v3+s2+$0x0], $0xffff  }
0x226: {  	v6 =	vld.idx.msk [tilespmem:v1+s2+$0x0], $0xffff  }
0x227: {  	v1 =	vld.idx.msk [tilespmem:v61+s9+$0x0], $0xffff;
	v61 =	vadd.s32 s12, v56;
	_ =	sdelay $0x1  }
0x228: {  	[tilespmem:$0x1FE30] =	vst v0;
	v63 =	vadd.f32 v5, v63  }
0x229: {  	v5 =	vld [tilespmem:$0x1FE30]  }
0x22a: {  	v62 =	vadd.s32 s12, v54;
	v63 =	vadd.f32 v6, v63;
	v6 =	vld.idx.msk [tilespmem:v4+s2+$0x0], $0xffff  }
0x22b: {  	v60 =	vadd.s32 s12, v52;
	[tilespmem:$0x1FE40] =	vst v3;
	v4 =	vld.idx.msk [tilespmem:v61+s9+$0x0], $0xffff  }
0x22c: {  	v61 =	vld [tilespmem:$0x1FE40];
	_ =	sdelay $0x2  }
0x22d: {  	v0 =	vld.idx.msk [tilespmem:v62+s9+$0x0], $0xffff;
	v62 =	vadd.s32 s12, v57;
	v63 =	vadd.f32 v5, v63  }
0x22e: {  	v2 =	vld.idx.msk [tilespmem:v60+s9+$0x0], $0xffff;
	[tilespmem:$0x1FE50] =	vst v62  }
0x22f: {  	v60 =	vadd.s32 s12, v55;
	v63 =	vadd.f32 v61, v63;
	v61 =	vld [tilespmem:$0x1FE50];
	_ =	sdelay $0x4  }
0x230: {  	v3 =	vld.idx.msk [tilespmem:v60+s9+$0x0], $0xffff  }
0x231: {  	v60 =	vadd.s32 s12, v58  }
0x232: {  	v62 =	vld.idx.msk [tilespmem:v2+s2+$0x0], $0xffff;
	v5 =	vadd.s32 s12, v59  }
0x233: {  	v2 =	vld.idx.msk [tilespmem:v61+s9+$0x0], $0xffff  }
0x234: {  	v61 =	vld.idx.msk [tilespmem:v1+s2+$0x0], $0xffff  }
0x235: {  	v63 =	vadd.f32 v6, v63;
	v6 =	vld.idx.msk [tilespmem:v0+s2+$0x0], $0xffff  }
0x236: {  	v1 =	vld.idx.msk [tilespmem:v60+s9+$0x0], $0xffff  }
0x237: {  	v0 =	vld.idx.msk [tilespmem:v5+s9+$0x0], $0xffff;
	v62 =	vadd.f32 v62, v63  }
0x238: {  	v60 =	vld.idx.msk [tilespmem:v3+s2+$0x0], $0xffff  }
0x239: {  	v62 =	vadd.f32 v61, v62  }
0x23a: {  	v3 =	vld.idx.msk [tilespmem:v4+s2+$0x0], $0xffff  }
0x23b: {  	v62 =	vadd.f32 v6, v62  }
0x23c: {  	v63 =	vld.idx.msk [tilespmem:v2+s2+$0x0], $0xffff  }
0x23d: {  	v60 =	vadd.f32 v60, v62  }
0x23e: {  	v2 =	vld.idx.msk [tilespmem:v1+s2+$0x0], $0xffff  }
0x23f: {  	v60 =	vadd.f32 v3, v60  }
0x240: {  	v3 =	vld.idx.msk [tilespmem:v0+s2+$0x0], $0xffff  }
0x241: {  	v60 =	vadd.f32 v63, v60;
	_ =	sdelay $0x1  }
0x242: {  	v60 =	vadd.f32 v2, v60  }
0x243: {  	s12 =	simm.s32 $0x780  }
0x244: {  	s14 =	simm.s32 $0xB40;
	s13 =	simm.s32 $0x1CC00;
	v61 =	vadd.f32 v3, v60;
	v60 =	vadd.s32 s12, v7  }
.LBB2_2:
0x245: {  	v0 =	vld [tilespmem:$0x1FE60];
	_ =	sdelay $0x4  }
0x246: {  	v62 =	vadd.s32 s12, v0;
	v0 =	vld [tilespmem:$0x1FE90]  }
0x247: {  	v63 =	vld [tilespmem:$0x1FE70]  }
0x248: {  	v61 =	vmul.f32 $1.666666750e-02, v61  }
0x249: {  	s13 =	sadd.s32 $0x10, s13  }
0x24a: {  	[tilespmem:s13+$0x0] =	vst v61;
	v61 =	vld [tilespmem:$0x1FE80]  }
0x24b: {  	v1 =	vadd.s32 s12, v0;
	v0 =	vld [tilespmem:$0x1FEA0]  }
0x24c: {  	v63 =	vadd.s32 s12, v63  }
0x24d: {  	v60 =	vld.idx.msk [tilespmem:v60+s9+$0x0], $0xffff  }
0x24e: {  	v3 =	vld [tilespmem:$0x1FEC0]  }
0x24f: {  	v61 =	vadd.s32 s12, v61;
	v62 =	vld.idx.msk [tilespmem:v62+s9+$0x0], $0xffff  }
0x250: {  	v2 =	vadd.s32 s12, v0;
	v0 =	vld [tilespmem:$0x1FEB0]  }
0x251: {  	v63 =	vld.idx.msk [tilespmem:v63+s9+$0x0], $0xffff;
	_ =	sdelay $0x2  }
0x252: {  	v61 =	vld.idx.msk [tilespmem:v61+s9+$0x0], $0xffff  }
0x253: {  	v60 =	vld.idx.msk [tilespmem:v60+s2+$0x0], $0xffff;
	v0 =	vadd.s32 s12, v0  }
0x254: {  	v3 =	vadd.s32 s12, v3;
	v1 =	vld.idx.msk [tilespmem:v1+s9+$0x0], $0xffff  }
0x255: {  	v62 =	vld.idx.msk [tilespmem:v62+s2+$0x0], $0xffff  }
0x256: {  	v4 =	vadd.s32 s12, v15;
	v2 =	vld.idx.msk [tilespmem:v2+s9+$0x0], $0xffff  }
0x257: {  	v63 =	vld.idx.msk [tilespmem:v63+s2+$0x0], $0xffff  }
0x258: {  	v5 =	vadd.s32 s12, v16;
	v0 =	vld.idx.msk [tilespmem:v0+s9+$0x0], $0xffff  }
0x259: {  	v3 =	vld.idx.msk [tilespmem:v3+s9+$0x0], $0xffff;
	v60 =	vadd.f32 $0.0e+00, v60  }
0x25a: {  	v6 =	vadd.s32 s12, v17;
	v61 =	vld.idx.msk [tilespmem:v61+s2+$0x0], $0xffff  }
0x25b: {  	v4 =	vld.idx.msk [tilespmem:v4+s9+$0x0], $0xffff;
	v60 =	vadd.f32 v62, v60  }
0x25c: {  	v1 =	vld.idx.msk [tilespmem:v1+s2+$0x0], $0xffff  }
0x25d: {  	v5 =	vld.idx.msk [tilespmem:v5+s9+$0x0], $0xffff;
	v62 =	vadd.s32 s12, v18;
	v60 =	vadd.f32 v63, v60  }
0x25e: {  	v63 =	vadd.s32 s12, v19;
	v2 =	vld.idx.msk [tilespmem:v2+s2+$0x0], $0xffff  }
0x25f: {  	v6 =	vld.idx.msk [tilespmem:v6+s9+$0x0], $0xffff;
	v60 =	vadd.f32 v61, v60  }
0x260: {  	v61 =	vadd.s32 s12, v20;
	v0 =	vld.idx.msk [tilespmem:v0+s2+$0x0], $0xffff  }
0x261: {  	v3 =	vld.idx.msk [tilespmem:v3+s2+$0x0], $0xffff;
	v1 =	vadd.f32 v1, v60  }
0x262: {  	v62 =	vld.idx.msk [tilespmem:v62+s9+$0x0], $0xffff;
	v60 =	vadd.s32 s12, v21  }
0x263: {  	v63 =	vld.idx.msk [tilespmem:v63+s9+$0x0], $0xffff;
	v1 =	vadd.f32 v2, v1  }
0x264: {  	v2 =	vld.idx.msk [tilespmem:v4+s2+$0x0], $0xffff;
	v4 =	vadd.s32 s12, v8  }
0x265: {  	v61 =	vld.idx.msk [tilespmem:v61+s9+$0x0], $0xffff;
	v0 =	vadd.f32 v0, v1  }
0x266: {  	v1 =	vld.idx.msk [tilespmem:v5+s2+$0x0], $0xffff;
	v5 =	vadd.s32 s12, v9  }
0x267: {  	v60 =	vld.idx.msk [tilespmem:v60+s9+$0x0], $0xffff;
	v0 =	vadd.f32 v3, v0  }
0x268: {  	v3 =	vld.idx.msk [tilespmem:v6+s2+$0x0], $0xffff;
	v6 =	vadd.s32 s12, v22  }
0x269: {  	v4 =	vld.idx.msk [tilespmem:v4+s9+$0x0], $0xffff;
	v0 =	vadd.f32 v2, v0  }
0x26a: {  	v2 =	vld.idx.msk [tilespmem:v62+s2+$0x0], $0xffff;
	v62 =	vadd.s32 s12, v10  }
0x26b: {  	v5 =	vld.idx.msk [tilespmem:v5+s9+$0x0], $0xffff;
	v0 =	vadd.f32 v1, v0  }
0x26c: {  	v1 =	vld.idx.msk [tilespmem:v63+s2+$0x0], $0xffff;
	v63 =	vadd.s32 s12, v23  }
0x26d: {  	v6 =	vld.idx.msk [tilespmem:v6+s9+$0x0], $0xffff;
	v0 =	vadd.f32 v3, v0  }
0x26e: {  	v3 =	vld.idx.msk [tilespmem:v61+s2+$0x0], $0xffff;
	v61 =	vadd.s32 s12, v11  }
0x26f: {  	v62 =	vld.idx.msk [tilespmem:v62+s9+$0x0], $0xffff;
	v0 =	vadd.f32 v2, v0  }
0x270: {  	v2 =	vld.idx.msk [tilespmem:v60+s2+$0x0], $0xffff;
	v60 =	vadd.s32 s12, v24  }
0x271: {  	v63 =	vld.idx.msk [tilespmem:v63+s9+$0x0], $0xffff;
	v0 =	vadd.f32 v1, v0  }
0x272: {  	v1 =	vld.idx.msk [tilespmem:v4+s2+$0x0], $0xffff;
	v4 =	vadd.s32 s12, v12  }
0x273: {  	v61 =	vld.idx.msk [tilespmem:v61+s9+$0x0], $0xffff;
	v0 =	vadd.f32 v3, v0  }
0x274: {  	v3 =	vld.idx.msk [tilespmem:v5+s2+$0x0], $0xffff;
	v5 =	vadd.s32 s12, v25  }
0x275: {  	v60 =	vld.idx.msk [tilespmem:v60+s9+$0x0], $0xffff;
	v0 =	vadd.f32 v2, v0  }
0x276: {  	v2 =	vld.idx.msk [tilespmem:v6+s2+$0x0], $0xffff;
	v6 =	vadd.s32 s12, v13  }
0x277: {  	v4 =	vld.idx.msk [tilespmem:v4+s9+$0x0], $0xffff;
	v0 =	vadd.f32 v1, v0  }
0x278: {  	v1 =	vld.idx.msk [tilespmem:v62+s2+$0x0], $0xffff;
	v62 =	vadd.s32 s12, v26  }
0x279: {  	v5 =	vld.idx.msk [tilespmem:v5+s9+$0x0], $0xffff;
	v0 =	vadd.f32 v3, v0  }
0x27a: {  	v3 =	vld.idx.msk [tilespmem:v63+s2+$0x0], $0xffff;
	v63 =	vadd.s32 s12, v14  }
0x27b: {  	v6 =	vld.idx.msk [tilespmem:v6+s9+$0x0], $0xffff;
	v0 =	vadd.f32 v2, v0  }
0x27c: {  	v2 =	vld.idx.msk [tilespmem:v61+s2+$0x0], $0xffff;
	v61 =	vadd.s32 s12, v27  }
0x27d: {  	v62 =	vld.idx.msk [tilespmem:v62+s9+$0x0], $0xffff;
	v0 =	vadd.f32 v1, v0  }
0x27e: {  	v1 =	vld.idx.msk [tilespmem:v60+s2+$0x0], $0xffff;
	v60 =	vadd.s32 s12, v28  }
0x27f: {  	v63 =	vld.idx.msk [tilespmem:v63+s9+$0x0], $0xffff;
	v0 =	vadd.f32 v3, v0  }
0x280: {  	v3 =	vld.idx.msk [tilespmem:v4+s2+$0x0], $0xffff;
	v4 =	vadd.s32 s12, v29  }
0x281: {  	v61 =	vld.idx.msk [tilespmem:v61+s9+$0x0], $0xffff;
	v0 =	vadd.f32 v2, v0  }
0x282: {  	v2 =	vld.idx.msk [tilespmem:v5+s2+$0x0], $0xffff;
	v5 =	vadd.s32 s12, v30  }
0x283: {  	v60 =	vld.idx.msk [tilespmem:v60+s9+$0x0], $0xffff;
	v0 =	vadd.f32 v1, v0  }
0x284: {  	v1 =	vld.idx.msk [tilespmem:v6+s2+$0x0], $0xffff;
	v6 =	vadd.s32 s12, v31  }
0x285: {  	v4 =	vld.idx.msk [tilespmem:v4+s9+$0x0], $0xffff;
	v0 =	vadd.f32 v3, v0  }
0x286: {  	v3 =	vld.idx.msk [tilespmem:v62+s2+$0x0], $0xffff;
	v62 =	vadd.s32 s12, v32  }
0x287: {  	v5 =	vld.idx.msk [tilespmem:v5+s9+$0x0], $0xffff;
	v0 =	vadd.f32 v2, v0  }
0x288: {  	v2 =	vld.idx.msk [tilespmem:v63+s2+$0x0], $0xffff;
	v63 =	vadd.s32 s12, v33  }
0x289: {  	v6 =	vld.idx.msk [tilespmem:v6+s9+$0x0], $0xffff;
	v0 =	vadd.f32 v1, v0  }
0x28a: {  	v1 =	vld.idx.msk [tilespmem:v61+s2+$0x0], $0xffff;
	v61 =	vadd.s32 s12, v34  }
0x28b: {  	v62 =	vld.idx.msk [tilespmem:v62+s9+$0x0], $0xffff;
	v0 =	vadd.f32 v3, v0  }
0x28c: {  	v3 =	vld.idx.msk [tilespmem:v60+s2+$0x0], $0xffff;
	v60 =	vadd.s32 s12, v35  }
0x28d: {  	v63 =	vld.idx.msk [tilespmem:v63+s9+$0x0], $0xffff;
	v0 =	vadd.f32 v2, v0  }
0x28e: {  	v2 =	vld.idx.msk [tilespmem:v4+s2+$0x0], $0xffff;
	v4 =	vadd.s32 s12, v36  }
0x28f: {  	v61 =	vld.idx.msk [tilespmem:v61+s9+$0x0], $0xffff;
	v0 =	vadd.f32 v1, v0  }
0x290: {  	v1 =	vld.idx.msk [tilespmem:v5+s2+$0x0], $0xffff;
	v5 =	vadd.s32 s12, v37  }
0x291: {  	v60 =	vld.idx.msk [tilespmem:v60+s9+$0x0], $0xffff;
	v0 =	vadd.f32 v3, v0  }
0x292: {  	v3 =	vld.idx.msk [tilespmem:v6+s2+$0x0], $0xffff;
	v6 =	vadd.s32 s12, v38  }
0x293: {  	v4 =	vld.idx.msk [tilespmem:v4+s9+$0x0], $0xffff;
	v0 =	vadd.f32 v2, v0  }
0x294: {  	v2 =	vld.idx.msk [tilespmem:v62+s2+$0x0], $0xffff;
	v62 =	vadd.s32 s12, v39  }
0x295: {  	v5 =	vld.idx.msk [tilespmem:v5+s9+$0x0], $0xffff;
	v0 =	vadd.f32 v1, v0  }
0x296: {  	v1 =	vld.idx.msk [tilespmem:v63+s2+$0x0], $0xffff;
	v63 =	vadd.s32 s12, v40  }
0x297: {  	v6 =	vld.idx.msk [tilespmem:v6+s9+$0x0], $0xffff;
	v0 =	vadd.f32 v3, v0  }
0x298: {  	v3 =	vld.idx.msk [tilespmem:v61+s2+$0x0], $0xffff;
	v61 =	vadd.s32 s12, v41  }
0x299: {  	v62 =	vld.idx.msk [tilespmem:v62+s9+$0x0], $0xffff;
	v0 =	vadd.f32 v2, v0  }
0x29a: {  	v2 =	vld.idx.msk [tilespmem:v60+s2+$0x0], $0xffff;
	v60 =	vadd.s32 s12, v42  }
0x29b: {  	v63 =	vld.idx.msk [tilespmem:v63+s9+$0x0], $0xffff;
	v0 =	vadd.f32 v1, v0  }
0x29c: {  	v1 =	vld.idx.msk [tilespmem:v4+s2+$0x0], $0xffff;
	v4 =	vadd.s32 s12, v43  }
0x29d: {  	v61 =	vld.idx.msk [tilespmem:v61+s9+$0x0], $0xffff;
	v0 =	vadd.f32 v3, v0  }
0x29e: {  	v3 =	vld.idx.msk [tilespmem:v5+s2+$0x0], $0xffff;
	v5 =	vadd.s32 s12, v44  }
0x29f: {  	v60 =	vld.idx.msk [tilespmem:v60+s9+$0x0], $0xffff;
	v0 =	vadd.f32 v2, v0  }
0x2a0: {  	v2 =	vld.idx.msk [tilespmem:v6+s2+$0x0], $0xffff;
	v6 =	vadd.s32 s12, v45  }
0x2a1: {  	v4 =	vld.idx.msk [tilespmem:v4+s9+$0x0], $0xffff;
	v0 =	vadd.f32 v1, v0  }
0x2a2: {  	v1 =	vld.idx.msk [tilespmem:v62+s2+$0x0], $0xffff;
	v62 =	vadd.s32 s12, v46  }
0x2a3: {  	v5 =	vld.idx.msk [tilespmem:v5+s9+$0x0], $0xffff;
	v0 =	vadd.f32 v3, v0  }
0x2a4: {  	v3 =	vld.idx.msk [tilespmem:v63+s2+$0x0], $0xffff;
	v63 =	vadd.s32 s12, v47  }
0x2a5: {  	v6 =	vld.idx.msk [tilespmem:v6+s9+$0x0], $0xffff;
	v0 =	vadd.f32 v2, v0  }
0x2a6: {  	v2 =	vld.idx.msk [tilespmem:v61+s2+$0x0], $0xffff;
	v61 =	vadd.s32 s12, v48  }
0x2a7: {  	v62 =	vld.idx.msk [tilespmem:v62+s9+$0x0], $0xffff;
	v0 =	vadd.f32 v1, v0  }
0x2a8: {  	v1 =	vld.idx.msk [tilespmem:v60+s2+$0x0], $0xffff;
	v60 =	vadd.s32 s12, v49  }
0x2a9: {  	v63 =	vld.idx.msk [tilespmem:v63+s9+$0x0], $0xffff;
	v0 =	vadd.f32 v3, v0  }
0x2aa: {  	v3 =	vld.idx.msk [tilespmem:v4+s2+$0x0], $0xffff;
	v4 =	vadd.s32 s12, v50  }
0x2ab: {  	v61 =	vld.idx.msk [tilespmem:v61+s9+$0x0], $0xffff;
	v0 =	vadd.f32 v2, v0  }
0x2ac: {  	v2 =	vld.idx.msk [tilespmem:v5+s2+$0x0], $0xffff;
	v5 =	vadd.s32 s12, v51  }
0x2ad: {  	v60 =	vld.idx.msk [tilespmem:v60+s9+$0x0], $0xffff;
	v0 =	vadd.f32 v1, v0  }
0x2ae: {  	v1 =	vld.idx.msk [tilespmem:v6+s2+$0x0], $0xffff;
	v6 =	vadd.s32 s12, v52  }
0x2af: {  	v4 =	vld.idx.msk [tilespmem:v4+s9+$0x0], $0xffff;
	v0 =	vadd.f32 v3, v0  }
0x2b0: {  	v3 =	vld.idx.msk [tilespmem:v62+s2+$0x0], $0xffff;
	v62 =	vadd.s32 s12, v53  }
0x2b1: {  	v5 =	vld.idx.msk [tilespmem:v5+s9+$0x0], $0xffff;
	v0 =	vadd.f32 v2, v0  }
0x2b2: {  	v2 =	vld.idx.msk [tilespmem:v63+s2+$0x0], $0xffff;
	v63 =	vadd.s32 s12, v54  }
0x2b3: {  	v6 =	vld.idx.msk [tilespmem:v6+s9+$0x0], $0xffff;
	v0 =	vadd.f32 v1, v0  }
0x2b4: {  	v1 =	vld.idx.msk [tilespmem:v61+s2+$0x0], $0xffff;
	v61 =	vadd.s32 s12, v55  }
0x2b5: {  	v62 =	vld.idx.msk [tilespmem:v62+s9+$0x0], $0xffff;
	v0 =	vadd.f32 v3, v0  }
0x2b6: {  	v3 =	vld.idx.msk [tilespmem:v60+s2+$0x0], $0xffff;
	v60 =	vadd.s32 s12, v56  }
0x2b7: {  	v63 =	vld.idx.msk [tilespmem:v63+s9+$0x0], $0xffff;
	v0 =	vadd.f32 v2, v0  }
0x2b8: {  	v2 =	vld.idx.msk [tilespmem:v4+s2+$0x0], $0xffff;
	v4 =	vadd.s32 s12, v57  }
0x2b9: {  	v61 =	vld.idx.msk [tilespmem:v61+s9+$0x0], $0xffff;
	v0 =	vadd.f32 v1, v0  }
0x2ba: {  	v1 =	vld.idx.msk [tilespmem:v5+s2+$0x0], $0xffff;
	v5 =	vadd.s32 s12, v58  }
0x2bb: {  	v60 =	vld.idx.msk [tilespmem:v60+s9+$0x0], $0xffff;
	v0 =	vadd.f32 v3, v0  }
0x2bc: {  	v3 =	vld.idx.msk [tilespmem:v6+s2+$0x0], $0xffff;
	v6 =	vadd.s32 s12, v59  }
0x2bd: {  	v4 =	vld.idx.msk [tilespmem:v4+s9+$0x0], $0xffff;
	v0 =	vadd.f32 v2, v0  }
0x2be: {  	v2 =	vld.idx.msk [tilespmem:v62+s2+$0x0], $0xffff  }
0x2bf: {  	v5 =	vld.idx.msk [tilespmem:v5+s9+$0x0], $0xffff;
	v0 =	vadd.f32 v1, v0  }
0x2c0: {  	v62 =	vld.idx.msk [tilespmem:v63+s2+$0x0], $0xffff  }
0x2c1: {  	v6 =	vld.idx.msk [tilespmem:v6+s9+$0x0], $0xffff;
	v0 =	vadd.f32 v3, v0  }
0x2c2: {  	v63 =	vld.idx.msk [tilespmem:v61+s2+$0x0], $0xffff  }
0x2c3: {  	v0 =	vadd.f32 v2, v0  }
0x2c4: {  	v61 =	vld.idx.msk [tilespmem:v60+s2+$0x0], $0xffff  }
0x2c5: {  	v0 =	vadd.f32 v62, v0  }
0x2c6: {  	v62 =	vld.idx.msk [tilespmem:v4+s2+$0x0], $0xffff  }
0x2c7: {  	v0 =	vadd.f32 v63, v0  }
0x2c8: {  	v63 =	vld.idx.msk [tilespmem:v5+s2+$0x0], $0xffff  }
0x2c9: {  	v0 =	vadd.f32 v61, v0  }
0x2ca: {  	p0 =	sne.s32 s14, $0x3840;
	v2 =	vld.idx.msk [tilespmem:v6+s2+$0x0], $0xffff  }
.Ltmp0:
0x2cb: {  	v0 =	vadd.f32 v62, v0;
	(pc) =	sbr.rel @p0 .LBB2_2-.Ltmp0, $4  }
0x2cc: {  	_ = 	snop  }
0x2cd: {  	v0 =	vadd.f32 v63, v0  }
0x2ce: {  	s12 =	smov.u32 s14  }
0x2cf: {  	s14 =	sadd.s32 $0x3C0, s14;
	v60 =	vadd.s32 s12, v7;
	v61 =	vadd.f32 v2, v0  }
0x2d0: {  	v0 =	vld [tilespmem:$0x1FE60];
	_ =	sdelay $0x1  }
0x2d1: {  	v2 =	vld [tilespmem:$0x1FE70];
	_ =	sdelay $0x2  }
0x2d2: {  	v1 =	vmul.f32 $1.666666750e-02, v61;
	v0 =	vadd.s32 s12, v0  }
0x2d3: {  	s13 =	sadd.s32 $0x10, s13  }
0x2d4: {  	v3 =	vld [tilespmem:$0x1FE80];
	[tilespmem:s13+$0x0] =	vst v1;
	v2 =	vadd.s32 s12, v2  }
0x2d5: {  	v1 =	vld.idx.msk [tilespmem:v60+s9+$0x0], $0xffff  }
0x2d6: {  	v62 =	vld [tilespmem:$0x1FEA0]  }
0x2d7: {  	v0 =	vld.idx.msk [tilespmem:v0+s9+$0x0], $0xffff  }
0x2d8: {  	v4 =	vld [tilespmem:$0x1FE90]  }
0x2d9: {  	v3 =	vadd.s32 s12, v3;
	v63 =	vld.idx.msk [tilespmem:v2+s9+$0x0], $0xffff;
	_ =	sdelay $0x1  }
0x2da: {  	v61 =	vld [tilespmem:$0x1FEC0];
	v5 =	vadd.s32 s12, v62  }
0x2db: {  	v60 =	vld [tilespmem:$0x1FEB0]  }
0x2dc: {  	v4 =	vadd.s32 s12, v4;
	v1 =	vld.idx.msk [tilespmem:v1+s2+$0x0], $0xffff  }
0x2dd: {  	v3 =	vld.idx.msk [tilespmem:v3+s9+$0x0], $0xffff  }
0x2de: {  	v2 =	vld.idx.msk [tilespmem:v0+s2+$0x0], $0xffff  }
0x2df: {  	v62 =	vld.idx.msk [tilespmem:v5+s9+$0x0], $0xffff  }
0x2e0: {  	v5 =	vld.idx.msk [tilespmem:v63+s2+$0x0], $0xffff  }
0x2e1: {  	v4 =	vld.idx.msk [tilespmem:v4+s9+$0x0], $0xffff;
	v1 =	vadd.f32 $0.0e+00, v1  }
0x2e2: {  	v6 =	vadd.s32 s12, v60;
	v60 =	vadd.s32 s12, v61  }
0x2e3: {  	v0 =	vadd.f32 v2, v1  }
0x2e4: {  	[tilespmem:$0x1F440] =	vst v62  }
0x2e5: {  	v1 =	vadd.f32 v5, v0;
	v0 =	vld [tilespmem:$0x1F440];
	_ =	sdelay $0x1  }
0x2e6: {  	v63 =	vld.idx.msk [tilespmem:v60+s9+$0x0], $0xffff  }
0x2e7: {  	v3 =	vld.idx.msk [tilespmem:v3+s2+$0x0], $0xffff  }
0x2e8: {  	v60 =	vld.idx.msk [tilespmem:v4+s2+$0x0], $0xffff;
	v4 =	vadd.s32 s12, v18;
	_ =	sdelay $0x3  }
0x2e9: {  	v61 =	vadd.s32 s12, v15;
	v2 =	vld.idx.msk [tilespmem:v0+s2+$0x0], $0xffff  }
0x2ea: {  	v0 =	vadd.f32 v3, v1;
	v1 =	vld.idx.msk [tilespmem:v4+s9+$0x0], $0xffff  }
0x2eb: {  	v6 =	vld.idx.msk [tilespmem:v6+s9+$0x0], $0xffff;
	v62 =	vadd.s32 s12, v16;
	_ =	sdelay $0x2  }
0x2ec: {  	v61 =	vld.idx.msk [tilespmem:v61+s9+$0x0], $0xffff;
	[tilespmem:$0x1F450] =	vst v63  }
0x2ed: {  	[tilespmem:$0x1F460] =	vst v1;
	v1 =	vadd.f32 v60, v0;
	v60 =	vld [tilespmem:$0x1F450]  }
0x2ee: {  	v62 =	vld.idx.msk [tilespmem:v62+s9+$0x0], $0xffff;
	_ =	sdelay $0x2  }
0x2ef: {  	v3 =	vld.idx.msk [tilespmem:v6+s2+$0x0], $0xffff  }
0x2f0: {  	v6 =	vadd.s32 s12, v20;
	_ =	sdelay $0x1  }
0x2f1: {  	v0 =	vadd.f32 v2, v1;
	v2 =	vld.idx.msk [tilespmem:v61+s2+$0x0], $0xffff  }
0x2f2: {  	v63 =	vadd.s32 s12, v17;
	v4 =	vld.idx.msk [tilespmem:v60+s2+$0x0], $0xffff  }
0x2f3: {  	v0 =	vadd.f32 v3, v0;
	v3 =	vld.idx.msk [tilespmem:v62+s2+$0x0], $0xffff;
	v62 =	vadd.s32 s12, v9  }
0x2f4: {  	v1 =	vld.idx.msk [tilespmem:v6+s9+$0x0], $0xffff  }
0x2f5: {  	v5 =	vadd.s32 s12, v19;
	_ =	sdelay $0x1  }
0x2f6: {  	v63 =	vld.idx.msk [tilespmem:v63+s9+$0x0], $0xffff;
	v0 =	vadd.f32 v4, v0  }
0x2f7: {  	v62 =	vld.idx.msk [tilespmem:v62+s9+$0x0], $0xffff  }
0x2f8: {  	[tilespmem:$0x1F470] =	vst v1;
	v1 =	vadd.f32 v2, v0;
	v0 =	vld [tilespmem:$0x1F460]  }
0x2f9: {  	v5 =	vld.idx.msk [tilespmem:v5+s9+$0x0], $0xffff  }
0x2fa: {  	v61 =	vadd.s32 s12, v8;
	_ =	sdelay $0x2  }
0x2fb: {  	[tilespmem:$0x1F480] =	vst v62;
	v62 =	vld [tilespmem:$0x1F470]  }
0x2fc: {  	v6 =	vld.idx.msk [tilespmem:v63+s2+$0x0], $0xffff  }
0x2fd: {  	v61 =	vld.idx.msk [tilespmem:v61+s9+$0x0], $0xffff;
	v60 =	vadd.s32 s12, v21  }
0x2fe: {  	v2 =	vld.idx.msk [tilespmem:v0+s2+$0x0], $0xffff  }
0x2ff: {  	v0 =	vadd.f32 v3, v1;
	v3 =	vld.idx.msk [tilespmem:v5+s2+$0x0], $0xffff;
	v5 =	vadd.s32 s12, v23;
	_ =	sdelay $0x1  }
0x300: {  	v1 =	vadd.f32 v6, v0  }
0x301: {  	v60 =	vld.idx.msk [tilespmem:v60+s9+$0x0], $0xffff  }
0x302: {  	v62 =	vld.idx.msk [tilespmem:v62+s2+$0x0], $0xffff;
	v0 =	vadd.f32 v2, v1  }
0x303: {  	v1 =	vld.idx.msk [tilespmem:v5+s9+$0x0], $0xffff  }
0x304: {  	v0 =	vadd.f32 v3, v0;
	v3 =	vld.idx.msk [tilespmem:v61+s2+$0x0], $0xffff;
	v61 =	vadd.s32 s12, v12  }
0x305: {  	v63 =	vadd.s32 s12, v22  }
0x306: {  	v4 =	vadd.s32 s12, v10;
	_ =	sdelay $0x1  }
0x307: {  	[tilespmem:$0x1F490] =	vst v1;
	v1 =	vadd.f32 v62, v0;
	v62 =	vld [tilespmem:$0x1F480]  }
0x308: {  	v61 =	vld.idx.msk [tilespmem:v61+s9+$0x0], $0xffff  }
0x309: {  	v63 =	vld.idx.msk [tilespmem:v63+s9+$0x0], $0xffff  }
0x30a: {  	v4 =	vld.idx.msk [tilespmem:v4+s9+$0x0], $0xffff  }
0x30b: {  	v2 =	vld.idx.msk [tilespmem:v60+s2+$0x0], $0xffff;
	_ =	sdelay $0x1  }
0x30c: {  	[tilespmem:$0x1F4A0] =	vst v61;
	v61 =	vld [tilespmem:$0x1F490];
	_ =	sdelay $0x1  }
0x30d: {  	v5 =	vld.idx.msk [tilespmem:v62+s2+$0x0], $0xffff  }
0x30e: {  	v0 =	vadd.f32 v2, v1  }
0x30f: {  	v6 =	vadd.s32 s12, v11;
	v2 =	vld.idx.msk [tilespmem:v63+s2+$0x0], $0xffff  }
0x310: {  	v0 =	vadd.f32 v3, v0  }
0x311: {  	v60 =	vadd.s32 s12, v24;
	v3 =	vld.idx.msk [tilespmem:v4+s2+$0x0], $0xffff  }
0x312: {  	v1 =	vadd.f32 v5, v0  }
0x313: {  	v61 =	vld.idx.msk [tilespmem:v61+s2+$0x0], $0xffff  }
0x314: {  	v6 =	vld.idx.msk [tilespmem:v6+s9+$0x0], $0xffff;
	v0 =	vadd.f32 v2, v1  }
0x315: {  	v62 =	vadd.s32 s12, v25  }
0x316: {  	v60 =	vld.idx.msk [tilespmem:v60+s9+$0x0], $0xffff;
	v63 =	vadd.s32 s12, v13;
	v0 =	vadd.f32 v3, v0;
	_ =	sdelay $0x1  }
0x317: {  	v4 =	vadd.s32 s12, v26;
	v0 =	vadd.f32 v61, v0;
	v61 =	vld [tilespmem:$0x1F4A0];
	_ =	sdelay $0x1  }
0x318: {  	v62 =	vld.idx.msk [tilespmem:v62+s9+$0x0], $0xffff;
	v5 =	vadd.s32 s12, v14  }
0x319: {  	v63 =	vld.idx.msk [tilespmem:v63+s9+$0x0], $0xffff  }
0x31a: {  	v2 =	vld.idx.msk [tilespmem:v6+s2+$0x0], $0xffff;
	v6 =	vadd.s32 s12, v27  }
0x31b: {  	v4 =	vld.idx.msk [tilespmem:v4+s9+$0x0], $0xffff  }
0x31c: {  	v3 =	vld.idx.msk [tilespmem:v60+s2+$0x0], $0xffff;
	v60 =	vadd.s32 s12, v28  }
0x31d: {  	v5 =	vld.idx.msk [tilespmem:v5+s9+$0x0], $0xffff  }
0x31e: {  	v1 =	vld.idx.msk [tilespmem:v61+s2+$0x0], $0xffff;
	v61 =	vadd.s32 s12, v29  }
0x31f: {  	v6 =	vld.idx.msk [tilespmem:v6+s9+$0x0], $0xffff;
	v0 =	vadd.f32 v2, v0  }
0x320: {  	v2 =	vld.idx.msk [tilespmem:v62+s2+$0x0], $0xffff;
	v62 =	vadd.s32 s12, v30  }
0x321: {  	v60 =	vld.idx.msk [tilespmem:v60+s9+$0x0], $0xffff;
	v0 =	vadd.f32 v3, v0  }
0x322: {  	v3 =	vld.idx.msk [tilespmem:v63+s2+$0x0], $0xffff;
	v63 =	vadd.s32 s12, v31  }
0x323: {  	v61 =	vld.idx.msk [tilespmem:v61+s9+$0x0], $0xffff;
	v0 =	vadd.f32 v1, v0  }
0x324: {  	v1 =	vld.idx.msk [tilespmem:v4+s2+$0x0], $0xffff;
	v4 =	vadd.s32 s12, v32  }
0x325: {  	v62 =	vld.idx.msk [tilespmem:v62+s9+$0x0], $0xffff;
	v0 =	vadd.f32 v2, v0  }
0x326: {  	v2 =	vld.idx.msk [tilespmem:v5+s2+$0x0], $0xffff;
	v5 =	vadd.s32 s12, v33  }
0x327: {  	v63 =	vld.idx.msk [tilespmem:v63+s9+$0x0], $0xffff;
	v0 =	vadd.f32 v3, v0  }
0x328: {  	v3 =	vld.idx.msk [tilespmem:v6+s2+$0x0], $0xffff;
	v6 =	vadd.s32 s12, v34  }
0x329: {  	v4 =	vld.idx.msk [tilespmem:v4+s9+$0x0], $0xffff;
	v0 =	vadd.f32 v1, v0  }
0x32a: {  	v1 =	vld.idx.msk [tilespmem:v60+s2+$0x0], $0xffff;
	v60 =	vadd.s32 s12, v35  }
0x32b: {  	v5 =	vld.idx.msk [tilespmem:v5+s9+$0x0], $0xffff;
	v0 =	vadd.f32 v2, v0  }
0x32c: {  	v2 =	vld.idx.msk [tilespmem:v61+s2+$0x0], $0xffff;
	v61 =	vadd.s32 s12, v36  }
0x32d: {  	v6 =	vld.idx.msk [tilespmem:v6+s9+$0x0], $0xffff;
	v0 =	vadd.f32 v3, v0  }
0x32e: {  	v3 =	vld.idx.msk [tilespmem:v62+s2+$0x0], $0xffff;
	v62 =	vadd.s32 s12, v37  }
0x32f: {  	v60 =	vld.idx.msk [tilespmem:v60+s9+$0x0], $0xffff;
	v0 =	vadd.f32 v1, v0  }
0x330: {  	v1 =	vld.idx.msk [tilespmem:v63+s2+$0x0], $0xffff;
	v63 =	vadd.s32 s12, v38  }
0x331: {  	v61 =	vld.idx.msk [tilespmem:v61+s9+$0x0], $0xffff;
	v0 =	vadd.f32 v2, v0  }
0x332: {  	v2 =	vld.idx.msk [tilespmem:v4+s2+$0x0], $0xffff;
	v4 =	vadd.s32 s12, v39  }
0x333: {  	v62 =	vld.idx.msk [tilespmem:v62+s9+$0x0], $0xffff;
	v0 =	vadd.f32 v3, v0  }
0x334: {  	v3 =	vld.idx.msk [tilespmem:v5+s2+$0x0], $0xffff;
	v5 =	vadd.s32 s12, v40  }
0x335: {  	v63 =	vld.idx.msk [tilespmem:v63+s9+$0x0], $0xffff;
	v0 =	vadd.f32 v1, v0  }
0x336: {  	v1 =	vld.idx.msk [tilespmem:v6+s2+$0x0], $0xffff;
	v6 =	vadd.s32 s12, v41  }
0x337: {  	v4 =	vld.idx.msk [tilespmem:v4+s9+$0x0], $0xffff;
	v0 =	vadd.f32 v2, v0  }
0x338: {  	v2 =	vld.idx.msk [tilespmem:v60+s2+$0x0], $0xffff;
	v60 =	vadd.s32 s12, v42  }
0x339: {  	v5 =	vld.idx.msk [tilespmem:v5+s9+$0x0], $0xffff;
	v0 =	vadd.f32 v3, v0  }
0x33a: {  	v3 =	vld.idx.msk [tilespmem:v61+s2+$0x0], $0xffff;
	v61 =	vadd.s32 s12, v43  }
0x33b: {  	v6 =	vld.idx.msk [tilespmem:v6+s9+$0x0], $0xffff;
	v0 =	vadd.f32 v1, v0  }
0x33c: {  	v1 =	vld.idx.msk [tilespmem:v62+s2+$0x0], $0xffff;
	v62 =	vadd.s32 s12, v44  }
0x33d: {  	v60 =	vld.idx.msk [tilespmem:v60+s9+$0x0], $0xffff;
	v0 =	vadd.f32 v2, v0  }
0x33e: {  	v2 =	vld.idx.msk [tilespmem:v63+s2+$0x0], $0xffff;
	v63 =	vadd.s32 s12, v45  }
0x33f: {  	v61 =	vld.idx.msk [tilespmem:v61+s9+$0x0], $0xffff;
	v0 =	vadd.f32 v3, v0  }
0x340: {  	v3 =	vld.idx.msk [tilespmem:v4+s2+$0x0], $0xffff;
	v4 =	vadd.s32 s12, v46  }
0x341: {  	v62 =	vld.idx.msk [tilespmem:v62+s9+$0x0], $0xffff;
	v0 =	vadd.f32 v1, v0  }
0x342: {  	v1 =	vld.idx.msk [tilespmem:v5+s2+$0x0], $0xffff;
	v5 =	vadd.s32 s12, v47  }
0x343: {  	v63 =	vld.idx.msk [tilespmem:v63+s9+$0x0], $0xffff;
	v0 =	vadd.f32 v2, v0  }
0x344: {  	v2 =	vld.idx.msk [tilespmem:v6+s2+$0x0], $0xffff;
	v6 =	vadd.s32 s12, v48  }
0x345: {  	v4 =	vld.idx.msk [tilespmem:v4+s9+$0x0], $0xffff;
	v0 =	vadd.f32 v3, v0  }
0x346: {  	v3 =	vld.idx.msk [tilespmem:v60+s2+$0x0], $0xffff;
	v60 =	vadd.s32 s12, v49  }
0x347: {  	v5 =	vld.idx.msk [tilespmem:v5+s9+$0x0], $0xffff;
	v0 =	vadd.f32 v1, v0  }
0x348: {  	v1 =	vld.idx.msk [tilespmem:v61+s2+$0x0], $0xffff;
	v61 =	vadd.s32 s12, v50  }
0x349: {  	v6 =	vld.idx.msk [tilespmem:v6+s9+$0x0], $0xffff;
	v0 =	vadd.f32 v2, v0  }
0x34a: {  	v2 =	vld.idx.msk [tilespmem:v62+s2+$0x0], $0xffff;
	v62 =	vadd.s32 s12, v51  }
0x34b: {  	v60 =	vld.idx.msk [tilespmem:v60+s9+$0x0], $0xffff;
	v0 =	vadd.f32 v3, v0  }
0x34c: {  	v3 =	vld.idx.msk [tilespmem:v63+s2+$0x0], $0xffff;
	v63 =	vadd.s32 s12, v52  }
0x34d: {  	v61 =	vld.idx.msk [tilespmem:v61+s9+$0x0], $0xffff;
	v0 =	vadd.f32 v1, v0  }
0x34e: {  	v1 =	vld.idx.msk [tilespmem:v4+s2+$0x0], $0xffff;
	v4 =	vadd.s32 s12, v53  }
0x34f: {  	v62 =	vld.idx.msk [tilespmem:v62+s9+$0x0], $0xffff;
	v0 =	vadd.f32 v2, v0  }
0x350: {  	v2 =	vld.idx.msk [tilespmem:v5+s2+$0x0], $0xffff;
	v5 =	vadd.s32 s12, v54  }
0x351: {  	v63 =	vld.idx.msk [tilespmem:v63+s9+$0x0], $0xffff;
	v0 =	vadd.f32 v3, v0  }
0x352: {  	v3 =	vld.idx.msk [tilespmem:v6+s2+$0x0], $0xffff;
	v6 =	vadd.s32 s12, v55  }
0x353: {  	v4 =	vld.idx.msk [tilespmem:v4+s9+$0x0], $0xffff;
	v0 =	vadd.f32 v1, v0  }
0x354: {  	v1 =	vld.idx.msk [tilespmem:v60+s2+$0x0], $0xffff;
	v60 =	vadd.s32 s12, v56  }
0x355: {  	v5 =	vld.idx.msk [tilespmem:v5+s9+$0x0], $0xffff;
	v0 =	vadd.f32 v2, v0  }
0x356: {  	v2 =	vld.idx.msk [tilespmem:v61+s2+$0x0], $0xffff;
	v61 =	vadd.s32 s12, v57  }
0x357: {  	v6 =	vld.idx.msk [tilespmem:v6+s9+$0x0], $0xffff;
	v0 =	vadd.f32 v3, v0  }
0x358: {  	v3 =	vld.idx.msk [tilespmem:v62+s2+$0x0], $0xffff;
	v62 =	vadd.s32 s12, v58  }
0x359: {  	v60 =	vld.idx.msk [tilespmem:v60+s9+$0x0], $0xffff;
	v0 =	vadd.f32 v1, v0  }
0x35a: {  	v1 =	vld.idx.msk [tilespmem:v63+s2+$0x0], $0xffff;
	v63 =	vadd.s32 s12, v59  }
0x35b: {  	v61 =	vld.idx.msk [tilespmem:v61+s9+$0x0], $0xffff;
	v0 =	vadd.f32 v2, v0  }
0x35c: {  	v2 =	vld.idx.msk [tilespmem:v4+s2+$0x0], $0xffff  }
0x35d: {  	v4 =	vld.idx.msk [tilespmem:v62+s9+$0x0], $0xffff;
	v0 =	vadd.f32 v3, v0  }
0x35e: {  	v3 =	vld.idx.msk [tilespmem:v5+s2+$0x0], $0xffff  }
0x35f: {  	v5 =	vld.idx.msk [tilespmem:v63+s9+$0x0], $0xffff;
	v0 =	vadd.f32 v1, v0  }
0x360: {  	v1 =	vld.idx.msk [tilespmem:v6+s2+$0x0], $0xffff  }
0x361: {  	v0 =	vadd.f32 v2, v0  }
0x362: {  	v62 =	vld.idx.msk [tilespmem:v60+s2+$0x0], $0xffff  }
0x363: {  	v0 =	vadd.f32 v3, v0  }
0x364: {  	v63 =	vld.idx.msk [tilespmem:v61+s2+$0x0], $0xffff  }
0x365: {  	v0 =	vadd.f32 v1, v0  }
0x366: {  	v60 =	vld.idx.msk [tilespmem:v4+s2+$0x0], $0xffff  }
0x367: {  	v0 =	vadd.f32 v62, v0  }
0x368: {  	v61 =	vld.idx.msk [tilespmem:v5+s2+$0x0], $0xffff  }
0x369: {  	v0 =	vadd.f32 v63, v0;
	_ =	sdelay $0x1  }
0x36a: {  	v0 =	vadd.f32 v60, v0;
	_ =	sdelay $0x1  }
0x36b: {  	v0 =	vadd.f32 v61, v0;
	_ =	sdelay $0x1  }
0x36c: {  	v0 =	vmul.f32 $1.666666750e-02, v0  }
0x36d: {  	s13 =	sadd.s32 $0x10, s13  }
0x36e: {  	s12 =	simm.s32 $0x0;
	[tilespmem:s13+$0x0] =	vst v0  }
0x36f: {  	[tilespmem:s9], [sflag:$0x1] =	stream.linear.gather [hbm4b:s5+s12], $0x3C00, $0x38;
	[tilespmem:$0x1CE00] =	vst v63  }
0x370: {  	_ =	swait.ge [sflag:s8], $0x3C00  }
0x371: {  	v63 =	vld [tilespmem:$0x1FE60]  }
0x372: {  	v62 =	vadd.s32 s12, v7;
	v60 =	vld [tilespmem:$0x1FE70]  }
0x373: {  	v61 =	vld [tilespmem:$0x1FE80]  }
0x374: {  	v4 =	vld [tilespmem:$0x1FE90]  }
0x375: {  	[sflag:s8] =	ssyncset.done $0x0;
	v5 =	vld [tilespmem:$0x1FEA0]  }
0x376: {  	v6 =	vld [tilespmem:$0x1FEB0];
	[sflag:s8] =	ssyncadd.s32 $0xFFFFC400  }
0x377: {  	v0 =	vld.idx.msk [tilespmem:v62+s9+$0x0], $0xffff;
	v1 =	vadd.s32 s12, v63  }
0x378: {  	v62 =	vld [tilespmem:$0x1FEE0];
	v2 =	vadd.s32 s12, v60  }
0x379: {  	v3 =	vadd.s32 s12, v61;
	v60 =	vld [tilespmem:$0x1FEC0]  }
0x37a: {  	v4 =	vadd.s32 s12, v4;
	v61 =	vld [tilespmem:$0x1FED0]  }
0x37b: {  	v63 =	vld [tilespmem:$0x1FEF0]  }
0x37c: {  	v5 =	vadd.s32 s12, v5;
	v1 =	vld.idx.msk [tilespmem:v1+s9+$0x0], $0xffff  }
0x37d: {  	v6 =	vadd.s32 s12, v6;
	v2 =	vld.idx.msk [tilespmem:v2+s9+$0x0], $0xffff  }
0x37e: {  	v62 =	vadd.s32 s12, v62;
	v3 =	vld.idx.msk [tilespmem:v3+s9+$0x0], $0xffff  }
0x37f: {  	v4 =	vld.idx.msk [tilespmem:v4+s9+$0x0], $0xffff  }
0x380: {  	v0 =	vld.idx.msk [tilespmem:v0+s2+$0x0], $0xffff;
	v60 =	vadd.s32 s12, v60  }
0x381: {  	v5 =	vld.idx.msk [tilespmem:v5+s9+$0x0], $0xffff;
	v61 =	vadd.s32 s12, v61  }
0x382: {  	v6 =	vld.idx.msk [tilespmem:v6+s9+$0x0], $0xffff  }
0x383: {  	v62 =	vld.idx.msk [tilespmem:v62+s9+$0x0], $0xffff  }
0x384: {  	v1 =	vld.idx.msk [tilespmem:v1+s2+$0x0], $0xffff  }
0x385: {  	v60 =	vld.idx.msk [tilespmem:v60+s9+$0x0], $0xffff  }
0x386: {  	v63 =	vadd.s32 s12, v63;
	v61 =	vld.idx.msk [tilespmem:v61+s9+$0x0], $0xffff  }
0x387: {  	v0 =	vadd.f32 $0.0e+00, v0;
	v2 =	vld.idx.msk [tilespmem:v2+s2+$0x0], $0xffff  }
0x388: {  	v3 =	vld.idx.msk [tilespmem:v3+s2+$0x0], $0xffff  }
0x389: {  	v0 =	vadd.f32 v1, v0;
	v1 =	vld.idx.msk [tilespmem:v4+s2+$0x0], $0xffff  }
0x38a: {  	v4 =	vld [tilespmem:$0x1FF00]  }
0x38b: {  	v63 =	vld.idx.msk [tilespmem:v63+s9+$0x0], $0xffff  }
0x38c: {  	v0 =	vadd.f32 v2, v0;
	v2 =	vld.idx.msk [tilespmem:v5+s2+$0x0], $0xffff  }
0x38d: {  	v5 =	vld [tilespmem:$0x1FF10]  }
0x38e: {  	v0 =	vadd.f32 v3, v0;
	v3 =	vld.idx.msk [tilespmem:v6+s2+$0x0], $0xffff  }
0x38f: {  	v6 =	vld [tilespmem:$0x1FF20];
	v4 =	vadd.s32 s12, v4  }
0x390: {  	v0 =	vadd.f32 v1, v0;
	v1 =	vld.idx.msk [tilespmem:v60+s2+$0x0], $0xffff  }
0x391: {  	v60 =	vld [tilespmem:$0x1FF30]  }
0x392: {  	v5 =	vadd.s32 s12, v5;
	v0 =	vadd.f32 v2, v0;
	v2 =	vld.idx.msk [tilespmem:v61+s2+$0x0], $0xffff  }
0x393: {  	v61 =	vld [tilespmem:$0x1FF40]  }
0x394: {  	v4 =	vld.idx.msk [tilespmem:v4+s9+$0x0], $0xffff  }
0x395: {  	v0 =	vadd.f32 v3, v0;
	v3 =	vld.idx.msk [tilespmem:v62+s2+$0x0], $0xffff  }
0x396: {  	v6 =	vadd.s32 s12, v6;
	v62 =	vld [tilespmem:$0x1FF50]  }
0x397: {  	v60 =	vadd.s32 s12, v60;
	v5 =	vld.idx.msk [tilespmem:v5+s9+$0x0], $0xffff  }
0x398: {  	v0 =	vadd.f32 v1, v0;
	v1 =	vld.idx.msk [tilespmem:v63+s2+$0x0], $0xffff;
	v61 =	vadd.s32 s12, v61  }
0x399: {  	v63 =	vld [tilespmem:$0x1FF60];
	_ =	sdelay $0x1  }
0x39a: {  	v6 =	vld.idx.msk [tilespmem:v6+s9+$0x0], $0xffff;
	v62 =	vadd.s32 s12, v62  }
0x39b: {  	v60 =	vld.idx.msk [tilespmem:v60+s9+$0x0], $0xffff  }
0x39c: {  	v61 =	vld.idx.msk [tilespmem:v61+s9+$0x0], $0xffff  }
0x39d: {  	v0 =	vadd.f32 v2, v0;
	v63 =	vadd.s32 s12, v63;
	v2 =	vld.idx.msk [tilespmem:v4+s2+$0x0], $0xffff  }
0x39e: {  	v4 =	vld [tilespmem:$0x1FF70]  }
0x39f: {  	v62 =	vld.idx.msk [tilespmem:v62+s9+$0x0], $0xffff  }
0x3a0: {  	v0 =	vadd.f32 v3, v0;
	v3 =	vld.idx.msk [tilespmem:v5+s2+$0x0], $0xffff  }
0x3a1: {  	v5 =	vld [tilespmem:$0x1FF80]  }
0x3a2: {  	v63 =	vld.idx.msk [tilespmem:v63+s9+$0x0], $0xffff  }
0x3a3: {  	v0 =	vadd.f32 v1, v0;
	v1 =	vld.idx.msk [tilespmem:v6+s2+$0x0], $0xffff  }
0x3a4: {  	v6 =	vld [tilespmem:$0x1FF90];
	v4 =	vadd.s32 s12, v4  }
0x3a5: {  	v0 =	vadd.f32 v2, v0;
	v2 =	vld.idx.msk [tilespmem:v60+s2+$0x0], $0xffff  }
0x3a6: {  	v60 =	vld [tilespmem:$0x1FFA0];
	v5 =	vadd.s32 s12, v5  }
0x3a7: {  	v0 =	vadd.f32 v3, v0;
	v3 =	vld.idx.msk [tilespmem:v61+s2+$0x0], $0xffff  }
0x3a8: {  	v61 =	vld [tilespmem:$0x1FFB0]  }
0x3a9: {  	v4 =	vld.idx.msk [tilespmem:v4+s9+$0x0], $0xffff  }
0x3aa: {  	v6 =	vadd.s32 s12, v6;
	v0 =	vadd.f32 v1, v0;
	v1 =	vld.idx.msk [tilespmem:v62+s2+$0x0], $0xffff  }
0x3ab: {  	v60 =	vadd.s32 s12, v60;
	v5 =	vld.idx.msk [tilespmem:v5+s9+$0x0], $0xffff  }
0x3ac: {  	v62 =	vld [tilespmem:$0x1FFC0]  }
0x3ad: {  	v0 =	vadd.f32 v2, v0;
	v2 =	vld.idx.msk [tilespmem:v63+s2+$0x0], $0xffff  }
0x3ae: {  	v63 =	vld [tilespmem:$0x1FFD0]  }
0x3af: {  	v6 =	vld.idx.msk [tilespmem:v6+s9+$0x0], $0xffff  }
0x3b0: {  	v61 =	vadd.s32 s12, v61;
	v60 =	vld.idx.msk [tilespmem:v60+s9+$0x0], $0xffff  }
0x3b1: {  	v0 =	vadd.f32 v3, v0;
	v3 =	vld.idx.msk [tilespmem:v4+s2+$0x0], $0xffff  }
0x3b2: {  	v4 =	vld [tilespmem:$0x1FFE0]  }
0x3b3: {  	v62 =	vadd.s32 s12, v62;
	v0 =	vadd.f32 v1, v0;
	v1 =	vld.idx.msk [tilespmem:v5+s2+$0x0], $0xffff  }
0x3b4: {  	v63 =	vadd.s32 s12, v63;
	v5 =	vld [tilespmem:$0x1FFF0]  }
0x3b5: {  	v61 =	vld.idx.msk [tilespmem:v61+s9+$0x0], $0xffff;
	_ =	sdelay $0x1  }
0x3b6: {  	v4 =	vadd.s32 s12, v4  }
0x3b7: {  	v62 =	vld.idx.msk [tilespmem:v62+s9+$0x0], $0xffff  }
0x3b8: {  	v0 =	vadd.f32 v2, v0;
	v63 =	vld.idx.msk [tilespmem:v63+s9+$0x0], $0xffff;
	v5 =	vadd.s32 s12, v5  }
0x3b9: {  	v2 =	vld.idx.msk [tilespmem:v6+s2+$0x0], $0xffff;
	v6 =	vadd.s32 s12, v27  }
0x3ba: {  	v0 =	vadd.f32 v3, v0;
	v3 =	vld.idx.msk [tilespmem:v60+s2+$0x0], $0xffff  }
0x3bb: {  	v60 =	vadd.s32 s12, v28;
	v4 =	vld.idx.msk [tilespmem:v4+s9+$0x0], $0xffff  }
0x3bc: {  	v0 =	vadd.f32 v1, v0;
	v1 =	vld.idx.msk [tilespmem:v61+s2+$0x0], $0xffff  }
0x3bd: {  	v61 =	vadd.s32 s12, v29;
	v5 =	vld.idx.msk [tilespmem:v5+s9+$0x0], $0xffff  }
0x3be: {  	v6 =	vld.idx.msk [tilespmem:v6+s9+$0x0], $0xffff;
	v0 =	vadd.f32 v2, v0  }
0x3bf: {  	v2 =	vld.idx.msk [tilespmem:v62+s2+$0x0], $0xffff;
	v62 =	vadd.s32 s12, v30  }
0x3c0: {  	v60 =	vld.idx.msk [tilespmem:v60+s9+$0x0], $0xffff;
	v0 =	vadd.f32 v3, v0  }
0x3c1: {  	v3 =	vld.idx.msk [tilespmem:v63+s2+$0x0], $0xffff;
	v63 =	vadd.s32 s12, v31  }
0x3c2: {  	v61 =	vld.idx.msk [tilespmem:v61+s9+$0x0], $0xffff;
	v0 =	vadd.f32 v1, v0  }
0x3c3: {  	v1 =	vld.idx.msk [tilespmem:v4+s2+$0x0], $0xffff;
	v4 =	vadd.s32 s12, v32  }
0x3c4: {  	v62 =	vld.idx.msk [tilespmem:v62+s9+$0x0], $0xffff;
	v0 =	vadd.f32 v2, v0  }
0x3c5: {  	v2 =	vld.idx.msk [tilespmem:v5+s2+$0x0], $0xffff;
	v5 =	vadd.s32 s12, v33  }
0x3c6: {  	v63 =	vld.idx.msk [tilespmem:v63+s9+$0x0], $0xffff;
	v0 =	vadd.f32 v3, v0  }
0x3c7: {  	v3 =	vld.idx.msk [tilespmem:v6+s2+$0x0], $0xffff;
	v6 =	vadd.s32 s12, v34  }
0x3c8: {  	v4 =	vld.idx.msk [tilespmem:v4+s9+$0x0], $0xffff;
	v0 =	vadd.f32 v1, v0  }
0x3c9: {  	v1 =	vld.idx.msk [tilespmem:v60+s2+$0x0], $0xffff;
	v60 =	vadd.s32 s12, v35  }
0x3ca: {  	v5 =	vld.idx.msk [tilespmem:v5+s9+$0x0], $0xffff;
	v0 =	vadd.f32 v2, v0  }
0x3cb: {  	v2 =	vld.idx.msk [tilespmem:v61+s2+$0x0], $0xffff;
	v61 =	vadd.s32 s12, v36  }
0x3cc: {  	v6 =	vld.idx.msk [tilespmem:v6+s9+$0x0], $0xffff;
	v0 =	vadd.f32 v3, v0  }
0x3cd: {  	v3 =	vld.idx.msk [tilespmem:v62+s2+$0x0], $0xffff;
	v62 =	vadd.s32 s12, v37  }
0x3ce: {  	v60 =	vld.idx.msk [tilespmem:v60+s9+$0x0], $0xffff;
	v0 =	vadd.f32 v1, v0  }
0x3cf: {  	v1 =	vld.idx.msk [tilespmem:v63+s2+$0x0], $0xffff;
	v63 =	vadd.s32 s12, v38  }
0x3d0: {  	v61 =	vld.idx.msk [tilespmem:v61+s9+$0x0], $0xffff;
	v0 =	vadd.f32 v2, v0  }
0x3d1: {  	v2 =	vld.idx.msk [tilespmem:v4+s2+$0x0], $0xffff;
	v4 =	vadd.s32 s12, v39  }
0x3d2: {  	v62 =	vld.idx.msk [tilespmem:v62+s9+$0x0], $0xffff;
	v0 =	vadd.f32 v3, v0  }
0x3d3: {  	v3 =	vld.idx.msk [tilespmem:v5+s2+$0x0], $0xffff;
	v5 =	vadd.s32 s12, v40  }
0x3d4: {  	v63 =	vld.idx.msk [tilespmem:v63+s9+$0x0], $0xffff;
	v0 =	vadd.f32 v1, v0  }
0x3d5: {  	v1 =	vld.idx.msk [tilespmem:v6+s2+$0x0], $0xffff;
	v6 =	vadd.s32 s12, v41  }
0x3d6: {  	v4 =	vld.idx.msk [tilespmem:v4+s9+$0x0], $0xffff;
	v0 =	vadd.f32 v2, v0  }
0x3d7: {  	v2 =	vld.idx.msk [tilespmem:v60+s2+$0x0], $0xffff;
	v60 =	vadd.s32 s12, v42  }
0x3d8: {  	v5 =	vld.idx.msk [tilespmem:v5+s9+$0x0], $0xffff;
	v0 =	vadd.f32 v3, v0  }
0x3d9: {  	v3 =	vld.idx.msk [tilespmem:v61+s2+$0x0], $0xffff;
	v61 =	vadd.s32 s12, v43  }
0x3da: {  	v6 =	vld.idx.msk [tilespmem:v6+s9+$0x0], $0xffff;
	v0 =	vadd.f32 v1, v0  }
0x3db: {  	v1 =	vld.idx.msk [tilespmem:v62+s2+$0x0], $0xffff;
	v62 =	vadd.s32 s12, v44  }
0x3dc: {  	v60 =	vld.idx.msk [tilespmem:v60+s9+$0x0], $0xffff;
	v0 =	vadd.f32 v2, v0  }
0x3dd: {  	v2 =	vld.idx.msk [tilespmem:v63+s2+$0x0], $0xffff;
	v63 =	vadd.s32 s12, v45  }
0x3de: {  	v61 =	vld.idx.msk [tilespmem:v61+s9+$0x0], $0xffff;
	v0 =	vadd.f32 v3, v0  }
0x3df: {  	v3 =	vld.idx.msk [tilespmem:v4+s2+$0x0], $0xffff;
	v4 =	vadd.s32 s12, v46  }
0x3e0: {  	v62 =	vld.idx.msk [tilespmem:v62+s9+$0x0], $0xffff;
	v0 =	vadd.f32 v1, v0  }
0x3e1: {  	v1 =	vld.idx.msk [tilespmem:v5+s2+$0x0], $0xffff;
	v5 =	vadd.s32 s12, v47  }
0x3e2: {  	v63 =	vld.idx.msk [tilespmem:v63+s9+$0x0], $0xffff;
	v0 =	vadd.f32 v2, v0  }
0x3e3: {  	v2 =	vld.idx.msk [tilespmem:v6+s2+$0x0], $0xffff;
	v6 =	vadd.s32 s12, v48  }
0x3e4: {  	v4 =	vld.idx.msk [tilespmem:v4+s9+$0x0], $0xffff;
	v0 =	vadd.f32 v3, v0  }
0x3e5: {  	v3 =	vld.idx.msk [tilespmem:v60+s2+$0x0], $0xffff;
	v60 =	vadd.s32 s12, v49  }
0x3e6: {  	v5 =	vld.idx.msk [tilespmem:v5+s9+$0x0], $0xffff;
	v0 =	vadd.f32 v1, v0  }
0x3e7: {  	v1 =	vld.idx.msk [tilespmem:v61+s2+$0x0], $0xffff;
	v61 =	vadd.s32 s12, v50  }
0x3e8: {  	v6 =	vld.idx.msk [tilespmem:v6+s9+$0x0], $0xffff;
	v0 =	vadd.f32 v2, v0  }
0x3e9: {  	v2 =	vld.idx.msk [tilespmem:v62+s2+$0x0], $0xffff;
	v62 =	vadd.s32 s12, v51  }
0x3ea: {  	v60 =	vld.idx.msk [tilespmem:v60+s9+$0x0], $0xffff;
	v0 =	vadd.f32 v3, v0  }
0x3eb: {  	v3 =	vld.idx.msk [tilespmem:v63+s2+$0x0], $0xffff;
	v63 =	vadd.s32 s12, v52  }
0x3ec: {  	v61 =	vld.idx.msk [tilespmem:v61+s9+$0x0], $0xffff;
	v0 =	vadd.f32 v1, v0  }
0x3ed: {  	v1 =	vld.idx.msk [tilespmem:v4+s2+$0x0], $0xffff;
	v4 =	vadd.s32 s12, v53  }
0x3ee: {  	v62 =	vld.idx.msk [tilespmem:v62+s9+$0x0], $0xffff;
	v0 =	vadd.f32 v2, v0  }
0x3ef: {  	v2 =	vld.idx.msk [tilespmem:v5+s2+$0x0], $0xffff;
	v5 =	vadd.s32 s12, v54  }
0x3f0: {  	v63 =	vld.idx.msk [tilespmem:v63+s9+$0x0], $0xffff;
	v0 =	vadd.f32 v3, v0  }
0x3f1: {  	v3 =	vld.idx.msk [tilespmem:v6+s2+$0x0], $0xffff;
	v6 =	vadd.s32 s12, v55  }
0x3f2: {  	v4 =	vld.idx.msk [tilespmem:v4+s9+$0x0], $0xffff;
	v0 =	vadd.f32 v1, v0  }
0x3f3: {  	v1 =	vld.idx.msk [tilespmem:v60+s2+$0x0], $0xffff;
	v60 =	vadd.s32 s12, v56  }
0x3f4: {  	v5 =	vld.idx.msk [tilespmem:v5+s9+$0x0], $0xffff;
	v0 =	vadd.f32 v2, v0  }
0x3f5: {  	v2 =	vld.idx.msk [tilespmem:v61+s2+$0x0], $0xffff;
	v61 =	vadd.s32 s12, v57  }
0x3f6: {  	v6 =	vld.idx.msk [tilespmem:v6+s9+$0x0], $0xffff;
	v0 =	vadd.f32 v3, v0  }
0x3f7: {  	v3 =	vld.idx.msk [tilespmem:v62+s2+$0x0], $0xffff;
	v62 =	vadd.s32 s12, v58  }
0x3f8: {  	v60 =	vld.idx.msk [tilespmem:v60+s9+$0x0], $0xffff;
	v0 =	vadd.f32 v1, v0  }
0x3f9: {  	v1 =	vld.idx.msk [tilespmem:v63+s2+$0x0], $0xffff;
	v63 =	vadd.s32 s12, v59  }
0x3fa: {  	v61 =	vld.idx.msk [tilespmem:v61+s9+$0x0], $0xffff;
	v0 =	vadd.f32 v2, v0  }
0x3fb: {  	v2 =	vld.idx.msk [tilespmem:v4+s2+$0x0], $0xffff  }
0x3fc: {  	v4 =	vld.idx.msk [tilespmem:v62+s9+$0x0], $0xffff;
	v0 =	vadd.f32 v3, v0  }
0x3fd: {  	v62 =	vld.idx.msk [tilespmem:v5+s2+$0x0], $0xffff  }
0x3fe: {  	v5 =	vld.idx.msk [tilespmem:v63+s9+$0x0], $0xffff;
	v0 =	vadd.f32 v1, v0  }
0x3ff: {  	v63 =	vld.idx.msk [tilespmem:v6+s2+$0x0], $0xffff  }
0x400: {  	v0 =	vadd.f32 v2, v0  }
0x401: {  	v60 =	vld.idx.msk [tilespmem:v60+s2+$0x0], $0xffff  }
0x402: {  	v0 =	vadd.f32 v62, v0  }
0x403: {  	v62 =	vld.idx.msk [tilespmem:v61+s2+$0x0], $0xffff  }
0x404: {  	v0 =	vadd.f32 v63, v0  }
0x405: {  	v63 =	vld.idx.msk [tilespmem:v4+s2+$0x0], $0xffff  }
0x406: {  	v0 =	vadd.f32 v60, v0  }
0x407: {  	v60 =	vld.idx.msk [tilespmem:v5+s2+$0x0], $0xffff  }
0x408: {  	v0 =	vadd.f32 v62, v0  }
0x409: {  	v4 =	vld [tilespmem:$0x1FE90]  }
0x40a: {  	v62 =	vld [tilespmem:$0x1FE60];
	v0 =	vadd.f32 v63, v0  }
0x40b: {  	s31 =	simm.s32 $0x3C0;
	v63 =	vld [tilespmem:$0x1FE70]  }
0x40c: {  	v61 =	vadd.s32 s31, v7;
	v5 =	vld [tilespmem:$0x1FEA0];
	v0 =	vadd.f32 v60, v0  }
0x40d: {  	v60 =	vld [tilespmem:$0x1FE80]  }
0x40e: {  	v6 =	vld [tilespmem:$0x1FEB0];
	v0 =	vmul.f32 $1.666666750e-02, v0  }
0x40f: {  	s14 =	sand.u32 $0xF0, s12;
	v2 =	vadd.s32 s31, v62;
	v62 =	vld [tilespmem:$0x1FEE0]  }
0x410: {  	v4 =	vadd.s32 s31, v4;
	v3 =	vadd.s32 s31, v63;
	v63 =	vld [tilespmem:$0x1FEF0];
	[tilespmem:s14+$0x1CD00] =	vst v0  }
0x411: {  	v5 =	vadd.s32 s31, v5;
	v0 =	vld.idx.msk [tilespmem:v61+s9+$0x0], $0xffff  }
0x412: {  	v1 =	vadd.s32 s31, v60;
	v60 =	vld [tilespmem:$0x1FEC0]  }
0x413: {  	v61 =	vld [tilespmem:$0x1FED0]  }
0x414: {  	v6 =	vadd.s32 s31, v6;
	v2 =	vld.idx.msk [tilespmem:v2+s9+$0x0], $0xffff  }
0x415: {  	v4 =	vld.idx.msk [tilespmem:v4+s9+$0x0], $0xffff  }
0x416: {  	v5 =	vld.idx.msk [tilespmem:v5+s9+$0x0], $0xffff;
	v62 =	vadd.s32 s31, v62  }
0x417: {  	v3 =	vld.idx.msk [tilespmem:v3+s9+$0x0], $0xffff  }
0x418: {  	v1 =	vld.idx.msk [tilespmem:v1+s9+$0x0], $0xffff;
	v60 =	vadd.s32 s31, v60  }
0x419: {  	v6 =	vld.idx.msk [tilespmem:v6+s9+$0x0], $0xffff;
	v61 =	vadd.s32 s31, v61  }
0x41a: {  	v0 =	vld.idx.msk [tilespmem:v0+s2+$0x0], $0xffff  }
0x41b: {  	v62 =	vld.idx.msk [tilespmem:v62+s9+$0x0], $0xffff  }
0x41c: {  	v2 =	vld.idx.msk [tilespmem:v2+s2+$0x0], $0xffff  }
0x41d: {  	v60 =	vld.idx.msk [tilespmem:v60+s9+$0x0], $0xffff  }
0x41e: {  	v63 =	vadd.s32 s31, v63;
	v61 =	vld.idx.msk [tilespmem:v61+s9+$0x0], $0xffff  }
0x41f: {  	v3 =	vld.idx.msk [tilespmem:v3+s2+$0x0], $0xffff;
	v0 =	vadd.f32 $0.0e+00, v0  }
0x420: {  	v1 =	vld.idx.msk [tilespmem:v1+s2+$0x0], $0xffff  }
0x421: {  	v0 =	vadd.f32 v2, v0;
	v2 =	vld.idx.msk [tilespmem:v4+s2+$0x0], $0xffff  }
0x422: {  	v4 =	vld [tilespmem:$0x1FF00]  }
0x423: {  	v63 =	vld.idx.msk [tilespmem:v63+s9+$0x0], $0xffff  }
0x424: {  	v0 =	vadd.f32 v3, v0;
	v3 =	vld.idx.msk [tilespmem:v5+s2+$0x0], $0xffff  }
0x425: {  	v5 =	vld [tilespmem:$0x1FF10]  }
0x426: {  	v0 =	vadd.f32 v1, v0;
	v1 =	vld.idx.msk [tilespmem:v6+s2+$0x0], $0xffff  }
0x427: {  	v6 =	vld [tilespmem:$0x1FF20];
	v4 =	vadd.s32 s31, v4  }
0x428: {  	v0 =	vadd.f32 v2, v0;
	v2 =	vld.idx.msk [tilespmem:v60+s2+$0x0], $0xffff  }
0x429: {  	v60 =	vld [tilespmem:$0x1FF30]  }
0x42a: {  	v5 =	vadd.s32 s31, v5;
	v0 =	vadd.f32 v3, v0;
	v3 =	vld.idx.msk [tilespmem:v61+s2+$0x0], $0xffff  }
0x42b: {  	v61 =	vld [tilespmem:$0x1FF40]  }
0x42c: {  	v4 =	vld.idx.msk [tilespmem:v4+s9+$0x0], $0xffff  }
0x42d: {  	v0 =	vadd.f32 v1, v0;
	v1 =	vld.idx.msk [tilespmem:v62+s2+$0x0], $0xffff  }
0x42e: {  	v6 =	vadd.s32 s31, v6;
	v62 =	vld [tilespmem:$0x1FF50]  }
0x42f: {  	v60 =	vadd.s32 s31, v60;
	v5 =	vld.idx.msk [tilespmem:v5+s9+$0x0], $0xffff  }
0x430: {  	v0 =	vadd.f32 v2, v0;
	v2 =	vld.idx.msk [tilespmem:v63+s2+$0x0], $0xffff;
	v61 =	vadd.s32 s31, v61  }
0x431: {  	v63 =	vld [tilespmem:$0x1FF60];
	_ =	sdelay $0x1  }
0x432: {  	v6 =	vld.idx.msk [tilespmem:v6+s9+$0x0], $0xffff;
	v62 =	vadd.s32 s31, v62  }
0x433: {  	v60 =	vld.idx.msk [tilespmem:v60+s9+$0x0], $0xffff  }
0x434: {  	v61 =	vld.idx.msk [tilespmem:v61+s9+$0x0], $0xffff  }
0x435: {  	v0 =	vadd.f32 v3, v0;
	v63 =	vadd.s32 s31, v63;
	v3 =	vld.idx.msk [tilespmem:v4+s2+$0x0], $0xffff  }
0x436: {  	v4 =	vld [tilespmem:$0x1FF70]  }
0x437: {  	v62 =	vld.idx.msk [tilespmem:v62+s9+$0x0], $0xffff  }
0x438: {  	v0 =	vadd.f32 v1, v0;
	v1 =	vld.idx.msk [tilespmem:v5+s2+$0x0], $0xffff  }
0x439: {  	v5 =	vld [tilespmem:$0x1FF80]  }
0x43a: {  	v63 =	vld.idx.msk [tilespmem:v63+s9+$0x0], $0xffff  }
0x43b: {  	v0 =	vadd.f32 v2, v0;
	v2 =	vld.idx.msk [tilespmem:v6+s2+$0x0], $0xffff  }
0x43c: {  	v6 =	vld [tilespmem:$0x1FF90];
	v4 =	vadd.s32 s31, v4  }
0x43d: {  	v0 =	vadd.f32 v3, v0;
	v3 =	vld.idx.msk [tilespmem:v60+s2+$0x0], $0xffff  }
0x43e: {  	v60 =	vld [tilespmem:$0x1FFA0];
	v5 =	vadd.s32 s31, v5  }
0x43f: {  	v0 =	vadd.f32 v1, v0;
	v1 =	vld.idx.msk [tilespmem:v61+s2+$0x0], $0xffff  }
0x440: {  	v61 =	vld [tilespmem:$0x1FFB0]  }
0x441: {  	v4 =	vld.idx.msk [tilespmem:v4+s9+$0x0], $0xffff  }
0x442: {  	v6 =	vadd.s32 s31, v6;
	v0 =	vadd.f32 v2, v0;
	v2 =	vld.idx.msk [tilespmem:v62+s2+$0x0], $0xffff  }
0x443: {  	v60 =	vadd.s32 s31, v60;
	v5 =	vld.idx.msk [tilespmem:v5+s9+$0x0], $0xffff  }
0x444: {  	v62 =	vld [tilespmem:$0x1FFC0]  }
0x445: {  	v0 =	vadd.f32 v3, v0;
	v3 =	vld.idx.msk [tilespmem:v63+s2+$0x0], $0xffff  }
0x446: {  	v63 =	vld [tilespmem:$0x1FFD0]  }
0x447: {  	v6 =	vld.idx.msk [tilespmem:v6+s9+$0x0], $0xffff  }
0x448: {  	v61 =	vadd.s32 s31, v61;
	v60 =	vld.idx.msk [tilespmem:v60+s9+$0x0], $0xffff  }
0x449: {  	v0 =	vadd.f32 v1, v0;
	v1 =	vld.idx.msk [tilespmem:v4+s2+$0x0], $0xffff  }
0x44a: {  	v4 =	vld [tilespmem:$0x1FFE0]  }
0x44b: {  	v62 =	vadd.s32 s31, v62;
	v0 =	vadd.f32 v2, v0;
	v2 =	vld.idx.msk [tilespmem:v5+s2+$0x0], $0xffff  }
0x44c: {  	v63 =	vadd.s32 s31, v63;
	v5 =	vld [tilespmem:$0x1FFF0]  }
0x44d: {  	v61 =	vld.idx.msk [tilespmem:v61+s9+$0x0], $0xffff;
	_ =	sdelay $0x1  }
0x44e: {  	v4 =	vadd.s32 s31, v4  }
0x44f: {  	v62 =	vld.idx.msk [tilespmem:v62+s9+$0x0], $0xffff  }
0x450: {  	v0 =	vadd.f32 v3, v0;
	v63 =	vld.idx.msk [tilespmem:v63+s9+$0x0], $0xffff;
	v5 =	vadd.s32 s31, v5  }
0x451: {  	v3 =	vld.idx.msk [tilespmem:v6+s2+$0x0], $0xffff;
	v6 =	vadd.s32 s31, v27  }
0x452: {  	v0 =	vadd.f32 v1, v0;
	v1 =	vld.idx.msk [tilespmem:v60+s2+$0x0], $0xffff  }
0x453: {  	v60 =	vadd.s32 s31, v28;
	v4 =	vld.idx.msk [tilespmem:v4+s9+$0x0], $0xffff  }
0x454: {  	v0 =	vadd.f32 v2, v0;
	v2 =	vld.idx.msk [tilespmem:v61+s2+$0x0], $0xffff  }
0x455: {  	v61 =	vadd.s32 s31, v29;
	v5 =	vld.idx.msk [tilespmem:v5+s9+$0x0], $0xffff  }
0x456: {  	v6 =	vld.idx.msk [tilespmem:v6+s9+$0x0], $0xffff;
	v0 =	vadd.f32 v3, v0  }
0x457: {  	v3 =	vld.idx.msk [tilespmem:v62+s2+$0x0], $0xffff;
	v62 =	vadd.s32 s31, v30  }
0x458: {  	v60 =	vld.idx.msk [tilespmem:v60+s9+$0x0], $0xffff;
	v0 =	vadd.f32 v1, v0  }
0x459: {  	v1 =	vld.idx.msk [tilespmem:v63+s2+$0x0], $0xffff;
	v63 =	vadd.s32 s31, v31  }
0x45a: {  	v61 =	vld.idx.msk [tilespmem:v61+s9+$0x0], $0xffff;
	v0 =	vadd.f32 v2, v0  }
0x45b: {  	v2 =	vld.idx.msk [tilespmem:v4+s2+$0x0], $0xffff;
	v4 =	vadd.s32 s31, v32  }
0x45c: {  	v62 =	vld.idx.msk [tilespmem:v62+s9+$0x0], $0xffff;
	v0 =	vadd.f32 v3, v0  }
0x45d: {  	v3 =	vld.idx.msk [tilespmem:v5+s2+$0x0], $0xffff;
	v5 =	vadd.s32 s31, v33  }
0x45e: {  	v63 =	vld.idx.msk [tilespmem:v63+s9+$0x0], $0xffff;
	v0 =	vadd.f32 v1, v0  }
0x45f: {  	v1 =	vld.idx.msk [tilespmem:v6+s2+$0x0], $0xffff;
	v6 =	vadd.s32 s31, v34  }
0x460: {  	v4 =	vld.idx.msk [tilespmem:v4+s9+$0x0], $0xffff;
	v0 =	vadd.f32 v2, v0  }
0x461: {  	v2 =	vld.idx.msk [tilespmem:v60+s2+$0x0], $0xffff;
	v60 =	vadd.s32 s31, v35  }
0x462: {  	v5 =	vld.idx.msk [tilespmem:v5+s9+$0x0], $0xffff;
	v0 =	vadd.f32 v3, v0  }
0x463: {  	v3 =	vld.idx.msk [tilespmem:v61+s2+$0x0], $0xffff;
	v61 =	vadd.s32 s31, v36  }
0x464: {  	v6 =	vld.idx.msk [tilespmem:v6+s9+$0x0], $0xffff;
	v0 =	vadd.f32 v1, v0  }
0x465: {  	v1 =	vld.idx.msk [tilespmem:v62+s2+$0x0], $0xffff;
	v62 =	vadd.s32 s31, v37  }
0x466: {  	v60 =	vld.idx.msk [tilespmem:v60+s9+$0x0], $0xffff;
	v0 =	vadd.f32 v2, v0  }
0x467: {  	v2 =	vld.idx.msk [tilespmem:v63+s2+$0x0], $0xffff;
	v63 =	vadd.s32 s31, v38  }
0x468: {  	v61 =	vld.idx.msk [tilespmem:v61+s9+$0x0], $0xffff;
	v0 =	vadd.f32 v3, v0  }
0x469: {  	v3 =	vld.idx.msk [tilespmem:v4+s2+$0x0], $0xffff;
	v4 =	vadd.s32 s31, v39  }
0x46a: {  	v62 =	vld.idx.msk [tilespmem:v62+s9+$0x0], $0xffff;
	v0 =	vadd.f32 v1, v0  }
0x46b: {  	v1 =	vld.idx.msk [tilespmem:v5+s2+$0x0], $0xffff;
	v5 =	vadd.s32 s31, v40  }
0x46c: {  	v63 =	vld.idx.msk [tilespmem:v63+s9+$0x0], $0xffff;
	v0 =	vadd.f32 v2, v0  }
0x46d: {  	v2 =	vld.idx.msk [tilespmem:v6+s2+$0x0], $0xffff;
	v6 =	vadd.s32 s31, v41  }
0x46e: {  	v4 =	vld.idx.msk [tilespmem:v4+s9+$0x0], $0xffff;
	v0 =	vadd.f32 v3, v0  }
0x46f: {  	v3 =	vld.idx.msk [tilespmem:v60+s2+$0x0], $0xffff;
	v60 =	vadd.s32 s31, v42  }
0x470: {  	v5 =	vld.idx.msk [tilespmem:v5+s9+$0x0], $0xffff;
	v0 =	vadd.f32 v1, v0  }
0x471: {  	v1 =	vld.idx.msk [tilespmem:v61+s2+$0x0], $0xffff;
	v61 =	vadd.s32 s31, v43  }
0x472: {  	v6 =	vld.idx.msk [tilespmem:v6+s9+$0x0], $0xffff;
	v0 =	vadd.f32 v2, v0  }
0x473: {  	v2 =	vld.idx.msk [tilespmem:v62+s2+$0x0], $0xffff;
	v62 =	vadd.s32 s31, v44  }
0x474: {  	v60 =	vld.idx.msk [tilespmem:v60+s9+$0x0], $0xffff;
	v0 =	vadd.f32 v3, v0  }
0x475: {  	v3 =	vld.idx.msk [tilespmem:v63+s2+$0x0], $0xffff;
	v63 =	vadd.s32 s31, v45  }
0x476: {  	v61 =	vld.idx.msk [tilespmem:v61+s9+$0x0], $0xffff;
	v0 =	vadd.f32 v1, v0  }
0x477: {  	v1 =	vld.idx.msk [tilespmem:v4+s2+$0x0], $0xffff;
	v4 =	vadd.s32 s31, v46  }
0x478: {  	v62 =	vld.idx.msk [tilespmem:v62+s9+$0x0], $0xffff;
	v0 =	vadd.f32 v2, v0  }
0x479: {  	v2 =	vld.idx.msk [tilespmem:v5+s2+$0x0], $0xffff;
	v5 =	vadd.s32 s31, v47  }
0x47a: {  	v63 =	vld.idx.msk [tilespmem:v63+s9+$0x0], $0xffff;
	v0 =	vadd.f32 v3, v0  }
0x47b: {  	v3 =	vld.idx.msk [tilespmem:v6+s2+$0x0], $0xffff;
	v6 =	vadd.s32 s31, v48  }
0x47c: {  	v4 =	vld.idx.msk [tilespmem:v4+s9+$0x0], $0xffff;
	v0 =	vadd.f32 v1, v0  }
0x47d: {  	v1 =	vld.idx.msk [tilespmem:v60+s2+$0x0], $0xffff;
	v60 =	vadd.s32 s31, v49  }
0x47e: {  	v5 =	vld.idx.msk [tilespmem:v5+s9+$0x0], $0xffff;
	v0 =	vadd.f32 v2, v0  }
0x47f: {  	v2 =	vld.idx.msk [tilespmem:v61+s2+$0x0], $0xffff;
	v61 =	vadd.s32 s31, v50  }
0x480: {  	v6 =	vld.idx.msk [tilespmem:v6+s9+$0x0], $0xffff;
	v0 =	vadd.f32 v3, v0  }
0x481: {  	v3 =	vld.idx.msk [tilespmem:v62+s2+$0x0], $0xffff;
	v62 =	vadd.s32 s31, v51  }
0x482: {  	v60 =	vld.idx.msk [tilespmem:v60+s9+$0x0], $0xffff;
	v0 =	vadd.f32 v1, v0  }
0x483: {  	v1 =	vld.idx.msk [tilespmem:v63+s2+$0x0], $0xffff;
	v63 =	vadd.s32 s31, v52  }
0x484: {  	v61 =	vld.idx.msk [tilespmem:v61+s9+$0x0], $0xffff;
	v0 =	vadd.f32 v2, v0  }
0x485: {  	v2 =	vld.idx.msk [tilespmem:v4+s2+$0x0], $0xffff;
	v4 =	vadd.s32 s31, v53  }
0x486: {  	v62 =	vld.idx.msk [tilespmem:v62+s9+$0x0], $0xffff;
	v0 =	vadd.f32 v3, v0  }
0x487: {  	v3 =	vld.idx.msk [tilespmem:v5+s2+$0x0], $0xffff;
	v5 =	vadd.s32 s31, v54  }
0x488: {  	v63 =	vld.idx.msk [tilespmem:v63+s9+$0x0], $0xffff;
	v0 =	vadd.f32 v1, v0  }
0x489: {  	v1 =	vld.idx.msk [tilespmem:v6+s2+$0x0], $0xffff;
	v6 =	vadd.s32 s31, v55  }
0x48a: {  	v4 =	vld.idx.msk [tilespmem:v4+s9+$0x0], $0xffff;
	v0 =	vadd.f32 v2, v0  }
0x48b: {  	v2 =	vld.idx.msk [tilespmem:v60+s2+$0x0], $0xffff;
	v60 =	vadd.s32 s31, v56  }
0x48c: {  	v5 =	vld.idx.msk [tilespmem:v5+s9+$0x0], $0xffff;
	v0 =	vadd.f32 v3, v0  }
0x48d: {  	v3 =	vld.idx.msk [tilespmem:v61+s2+$0x0], $0xffff;
	v61 =	vadd.s32 s31, v57  }
0x48e: {  	v6 =	vld.idx.msk [tilespmem:v6+s9+$0x0], $0xffff;
	v0 =	vadd.f32 v1, v0  }
0x48f: {  	v1 =	vld.idx.msk [tilespmem:v62+s2+$0x0], $0xffff;
	v62 =	vadd.s32 s31, v58  }
0x490: {  	v60 =	vld.idx.msk [tilespmem:v60+s9+$0x0], $0xffff;
	v0 =	vadd.f32 v2, v0  }
0x491: {  	v2 =	vld.idx.msk [tilespmem:v63+s2+$0x0], $0xffff;
	v63 =	vadd.s32 s31, v59  }
0x492: {  	v61 =	vld.idx.msk [tilespmem:v61+s9+$0x0], $0xffff;
	v0 =	vadd.f32 v3, v0  }
0x493: {  	v4 =	vld.idx.msk [tilespmem:v4+s2+$0x0], $0xffff  }
0x494: {  	v62 =	vld.idx.msk [tilespmem:v62+s9+$0x0], $0xffff;
	v0 =	vadd.f32 v1, v0  }
0x495: {  	v5 =	vld.idx.msk [tilespmem:v5+s2+$0x0], $0xffff  }
0x496: {  	v63 =	vld.idx.msk [tilespmem:v63+s9+$0x0], $0xffff;
	v0 =	vadd.f32 v2, v0  }
0x497: {  	v6 =	vld.idx.msk [tilespmem:v6+s2+$0x0], $0xffff  }
0x498: {  	v0 =	vadd.f32 v4, v0  }
0x499: {  	v4 =	vld.idx.msk [tilespmem:v60+s2+$0x0], $0xffff  }
0x49a: {  	v0 =	vadd.f32 v5, v0  }
0x49b: {  	v3 =	vld.idx.msk [tilespmem:v61+s2+$0x0], $0xffff  }
0x49c: {  	v0 =	vadd.f32 v6, v0  }
0x49d: {  	v1 =	vld.idx.msk [tilespmem:v62+s2+$0x0], $0xffff  }
0x49e: {  	v0 =	vadd.f32 v4, v0  }
0x49f: {  	v2 =	vld.idx.msk [tilespmem:v63+s2+$0x0], $0xffff  }
0x4a0: {  	v0 =	vadd.f32 v3, v0;
	_ =	sdelay $0x1  }
0x4a1: {  	v0 =	vadd.f32 v1, v0  }
0x4a2: {  	s13 =	simm.s32 $0x780  }
0x4a3: {  	s14 =	simm.s32 $0xB40;
	v60 =	vadd.s32 s13, v7;
	v61 =	vadd.f32 v2, v0  }
.LBB2_4:
0x4a4: {  	v0 =	vld [tilespmem:$0x1FE60];
	_ =	sdelay $0x1  }
0x4a5: {  	v2 =	vld [tilespmem:$0x1FE70];
	_ =	sdelay $0x1  }
0x4a6: {  	v3 =	vld [tilespmem:$0x1FE80]  }
0x4a7: {  	s12 =	sadd.s32 $0x10, s12;
	v4 =	vld [tilespmem:$0x1FE90];
	v1 =	vmul.f32 $1.666666750e-02, v61;
	v0 =	vadd.s32 s13, v0  }
0x4a8: {  	s15 =	sand.u32 $0xF0, s12  }
0x4a9: {  	v5 =	vld [tilespmem:$0x1FEA0];
	[tilespmem:s15+$0x1CD00] =	vst v1;
	v2 =	vadd.s32 s13, v2  }
0x4aa: {  	v1 =	vld.idx.msk [tilespmem:v60+s9+$0x0], $0xffff  }
0x4ab: {  	v6 =	vld [tilespmem:$0x1FEB0];
	v3 =	vadd.s32 s13, v3  }
0x4ac: {  	v4 =	vadd.s32 s13, v4;
	v0 =	vld.idx.msk [tilespmem:v0+s9+$0x0], $0xffff  }
0x4ad: {  	v60 =	vld [tilespmem:$0x1FEC0]  }
0x4ae: {  	v5 =	vadd.s32 s13, v5;
	v2 =	vld.idx.msk [tilespmem:v2+s9+$0x0], $0xffff;
	_ =	sdelay $0x1  }
0x4af: {  	v6 =	vadd.s32 s13, v6;
	v3 =	vld.idx.msk [tilespmem:v3+s9+$0x0], $0xffff  }
0x4b0: {  	v4 =	vld.idx.msk [tilespmem:v4+s9+$0x0], $0xffff  }
0x4b1: {  	v60 =	vadd.s32 s13, v60;
	v1 =	vld.idx.msk [tilespmem:v1+s2+$0x0], $0xffff  }
0x4b2: {  	v5 =	vld.idx.msk [tilespmem:v5+s9+$0x0], $0xffff  }
0x4b3: {  	v61 =	vadd.s32 s13, v15;
	v0 =	vld.idx.msk [tilespmem:v0+s2+$0x0], $0xffff  }
0x4b4: {  	v6 =	vld.idx.msk [tilespmem:v6+s9+$0x0], $0xffff  }
0x4b5: {  	v62 =	vadd.s32 s13, v16;
	v2 =	vld.idx.msk [tilespmem:v2+s2+$0x0], $0xffff  }
0x4b6: {  	v60 =	vld.idx.msk [tilespmem:v60+s9+$0x0], $0xffff;
	v1 =	vadd.f32 $0.0e+00, v1  }
0x4b7: {  	v63 =	vadd.s32 s13, v17;
	v3 =	vld.idx.msk [tilespmem:v3+s2+$0x0], $0xffff  }
0x4b8: {  	v61 =	vld.idx.msk [tilespmem:v61+s9+$0x0], $0xffff;
	v0 =	vadd.f32 v0, v1  }
0x4b9: {  	v1 =	vld.idx.msk [tilespmem:v4+s2+$0x0], $0xffff;
	v4 =	vadd.s32 s13, v18  }
0x4ba: {  	v62 =	vld.idx.msk [tilespmem:v62+s9+$0x0], $0xffff;
	v0 =	vadd.f32 v2, v0  }
0x4bb: {  	v2 =	vld.idx.msk [tilespmem:v5+s2+$0x0], $0xffff;
	v5 =	vadd.s32 s13, v19  }
0x4bc: {  	v63 =	vld.idx.msk [tilespmem:v63+s9+$0x0], $0xffff;
	v0 =	vadd.f32 v3, v0  }
0x4bd: {  	v3 =	vld.idx.msk [tilespmem:v6+s2+$0x0], $0xffff;
	v6 =	vadd.s32 s13, v20  }
0x4be: {  	v4 =	vld.idx.msk [tilespmem:v4+s9+$0x0], $0xffff;
	v0 =	vadd.f32 v1, v0  }
0x4bf: {  	v1 =	vld.idx.msk [tilespmem:v60+s2+$0x0], $0xffff;
	v60 =	vadd.s32 s13, v21  }
0x4c0: {  	v5 =	vld.idx.msk [tilespmem:v5+s9+$0x0], $0xffff;
	v0 =	vadd.f32 v2, v0  }
0x4c1: {  	v2 =	vld.idx.msk [tilespmem:v61+s2+$0x0], $0xffff;
	v61 =	vadd.s32 s13, v8  }
0x4c2: {  	v6 =	vld.idx.msk [tilespmem:v6+s9+$0x0], $0xffff;
	v0 =	vadd.f32 v3, v0  }
0x4c3: {  	v3 =	vld.idx.msk [tilespmem:v62+s2+$0x0], $0xffff;
	v62 =	vadd.s32 s13, v9  }
0x4c4: {  	v60 =	vld.idx.msk [tilespmem:v60+s9+$0x0], $0xffff;
	v0 =	vadd.f32 v1, v0  }
0x4c5: {  	v1 =	vld.idx.msk [tilespmem:v63+s2+$0x0], $0xffff;
	v63 =	vadd.s32 s13, v22  }
0x4c6: {  	v61 =	vld.idx.msk [tilespmem:v61+s9+$0x0], $0xffff;
	v0 =	vadd.f32 v2, v0  }
0x4c7: {  	v2 =	vld.idx.msk [tilespmem:v4+s2+$0x0], $0xffff;
	v4 =	vadd.s32 s13, v10  }
0x4c8: {  	v62 =	vld.idx.msk [tilespmem:v62+s9+$0x0], $0xffff;
	v0 =	vadd.f32 v3, v0  }
0x4c9: {  	v3 =	vld.idx.msk [tilespmem:v5+s2+$0x0], $0xffff;
	v5 =	vadd.s32 s13, v23  }
0x4ca: {  	v63 =	vld.idx.msk [tilespmem:v63+s9+$0x0], $0xffff;
	v0 =	vadd.f32 v1, v0  }
0x4cb: {  	v1 =	vld.idx.msk [tilespmem:v6+s2+$0x0], $0xffff;
	v6 =	vadd.s32 s13, v11  }
0x4cc: {  	v4 =	vld.idx.msk [tilespmem:v4+s9+$0x0], $0xffff;
	v0 =	vadd.f32 v2, v0  }
0x4cd: {  	v2 =	vld.idx.msk [tilespmem:v60+s2+$0x0], $0xffff;
	v60 =	vadd.s32 s13, v24  }
0x4ce: {  	v5 =	vld.idx.msk [tilespmem:v5+s9+$0x0], $0xffff;
	v0 =	vadd.f32 v3, v0  }
0x4cf: {  	v3 =	vld.idx.msk [tilespmem:v61+s2+$0x0], $0xffff;
	v61 =	vadd.s32 s13, v12  }
0x4d0: {  	v6 =	vld.idx.msk [tilespmem:v6+s9+$0x0], $0xffff;
	v0 =	vadd.f32 v1, v0  }
0x4d1: {  	v1 =	vld.idx.msk [tilespmem:v62+s2+$0x0], $0xffff;
	v62 =	vadd.s32 s13, v25  }
0x4d2: {  	v60 =	vld.idx.msk [tilespmem:v60+s9+$0x0], $0xffff;
	v0 =	vadd.f32 v2, v0  }
0x4d3: {  	v2 =	vld.idx.msk [tilespmem:v63+s2+$0x0], $0xffff;
	v63 =	vadd.s32 s13, v13  }
0x4d4: {  	v61 =	vld.idx.msk [tilespmem:v61+s9+$0x0], $0xffff;
	v0 =	vadd.f32 v3, v0  }
0x4d5: {  	v3 =	vld.idx.msk [tilespmem:v4+s2+$0x0], $0xffff;
	v4 =	vadd.s32 s13, v26  }
0x4d6: {  	v62 =	vld.idx.msk [tilespmem:v62+s9+$0x0], $0xffff;
	v0 =	vadd.f32 v1, v0  }
0x4d7: {  	v1 =	vld.idx.msk [tilespmem:v5+s2+$0x0], $0xffff;
	v5 =	vadd.s32 s13, v14  }
0x4d8: {  	v63 =	vld.idx.msk [tilespmem:v63+s9+$0x0], $0xffff;
	v0 =	vadd.f32 v2, v0  }
0x4d9: {  	v2 =	vld.idx.msk [tilespmem:v6+s2+$0x0], $0xffff;
	v6 =	vadd.s32 s13, v27  }
0x4da: {  	v4 =	vld.idx.msk [tilespmem:v4+s9+$0x0], $0xffff;
	v0 =	vadd.f32 v3, v0  }
0x4db: {  	v3 =	vld.idx.msk [tilespmem:v60+s2+$0x0], $0xffff;
	v60 =	vadd.s32 s13, v28  }
0x4dc: {  	v5 =	vld.idx.msk [tilespmem:v5+s9+$0x0], $0xffff;
	v0 =	vadd.f32 v1, v0  }
0x4dd: {  	v1 =	vld.idx.msk [tilespmem:v61+s2+$0x0], $0xffff;
	v61 =	vadd.s32 s13, v29  }
0x4de: {  	v6 =	vld.idx.msk [tilespmem:v6+s9+$0x0], $0xffff;
	v0 =	vadd.f32 v2, v0  }
0x4df: {  	v2 =	vld.idx.msk [tilespmem:v62+s2+$0x0], $0xffff;
	v62 =	vadd.s32 s13, v30  }
0x4e0: {  	v60 =	vld.idx.msk [tilespmem:v60+s9+$0x0], $0xffff;
	v0 =	vadd.f32 v3, v0  }
0x4e1: {  	v3 =	vld.idx.msk [tilespmem:v63+s2+$0x0], $0xffff;
	v63 =	vadd.s32 s13, v31  }
0x4e2: {  	v61 =	vld.idx.msk [tilespmem:v61+s9+$0x0], $0xffff;
	v0 =	vadd.f32 v1, v0  }
0x4e3: {  	v1 =	vld.idx.msk [tilespmem:v4+s2+$0x0], $0xffff;
	v4 =	vadd.s32 s13, v32  }
0x4e4: {  	v62 =	vld.idx.msk [tilespmem:v62+s9+$0x0], $0xffff;
	v0 =	vadd.f32 v2, v0  }
0x4e5: {  	v2 =	vld.idx.msk [tilespmem:v5+s2+$0x0], $0xffff;
	v5 =	vadd.s32 s13, v33  }
0x4e6: {  	v63 =	vld.idx.msk [tilespmem:v63+s9+$0x0], $0xffff;
	v0 =	vadd.f32 v3, v0  }
0x4e7: {  	v3 =	vld.idx.msk [tilespmem:v6+s2+$0x0], $0xffff;
	v6 =	vadd.s32 s13, v34  }
0x4e8: {  	v4 =	vld.idx.msk [tilespmem:v4+s9+$0x0], $0xffff;
	v0 =	vadd.f32 v1, v0  }
0x4e9: {  	v1 =	vld.idx.msk [tilespmem:v60+s2+$0x0], $0xffff;
	v60 =	vadd.s32 s13, v35  }
0x4ea: {  	v5 =	vld.idx.msk [tilespmem:v5+s9+$0x0], $0xffff;
	v0 =	vadd.f32 v2, v0  }
0x4eb: {  	v2 =	vld.idx.msk [tilespmem:v61+s2+$0x0], $0xffff;
	v61 =	vadd.s32 s13, v36  }
0x4ec: {  	v6 =	vld.idx.msk [tilespmem:v6+s9+$0x0], $0xffff;
	v0 =	vadd.f32 v3, v0  }
0x4ed: {  	v3 =	vld.idx.msk [tilespmem:v62+s2+$0x0], $0xffff;
	v62 =	vadd.s32 s13, v37  }
0x4ee: {  	v60 =	vld.idx.msk [tilespmem:v60+s9+$0x0], $0xffff;
	v0 =	vadd.f32 v1, v0  }
0x4ef: {  	v1 =	vld.idx.msk [tilespmem:v63+s2+$0x0], $0xffff;
	v63 =	vadd.s32 s13, v38  }
0x4f0: {  	v61 =	vld.idx.msk [tilespmem:v61+s9+$0x0], $0xffff;
	v0 =	vadd.f32 v2, v0  }
0x4f1: {  	v2 =	vld.idx.msk [tilespmem:v4+s2+$0x0], $0xffff;
	v4 =	vadd.s32 s13, v39  }
0x4f2: {  	v62 =	vld.idx.msk [tilespmem:v62+s9+$0x0], $0xffff;
	v0 =	vadd.f32 v3, v0  }
0x4f3: {  	v3 =	vld.idx.msk [tilespmem:v5+s2+$0x0], $0xffff;
	v5 =	vadd.s32 s13, v40  }
0x4f4: {  	v63 =	vld.idx.msk [tilespmem:v63+s9+$0x0], $0xffff;
	v0 =	vadd.f32 v1, v0  }
0x4f5: {  	v1 =	vld.idx.msk [tilespmem:v6+s2+$0x0], $0xffff;
	v6 =	vadd.s32 s13, v41  }
0x4f6: {  	v4 =	vld.idx.msk [tilespmem:v4+s9+$0x0], $0xffff;
	v0 =	vadd.f32 v2, v0  }
0x4f7: {  	v2 =	vld.idx.msk [tilespmem:v60+s2+$0x0], $0xffff;
	v60 =	vadd.s32 s13, v42  }
0x4f8: {  	v5 =	vld.idx.msk [tilespmem:v5+s9+$0x0], $0xffff;
	v0 =	vadd.f32 v3, v0  }
0x4f9: {  	v3 =	vld.idx.msk [tilespmem:v61+s2+$0x0], $0xffff;
	v61 =	vadd.s32 s13, v43  }
0x4fa: {  	v6 =	vld.idx.msk [tilespmem:v6+s9+$0x0], $0xffff;
	v0 =	vadd.f32 v1, v0  }
0x4fb: {  	v1 =	vld.idx.msk [tilespmem:v62+s2+$0x0], $0xffff;
	v62 =	vadd.s32 s13, v44  }
0x4fc: {  	v60 =	vld.idx.msk [tilespmem:v60+s9+$0x0], $0xffff;
	v0 =	vadd.f32 v2, v0  }
0x4fd: {  	v2 =	vld.idx.msk [tilespmem:v63+s2+$0x0], $0xffff;
	v63 =	vadd.s32 s13, v45  }
0x4fe: {  	v61 =	vld.idx.msk [tilespmem:v61+s9+$0x0], $0xffff;
	v0 =	vadd.f32 v3, v0  }
0x4ff: {  	v3 =	vld.idx.msk [tilespmem:v4+s2+$0x0], $0xffff;
	v4 =	vadd.s32 s13, v46  }
0x500: {  	v62 =	vld.idx.msk [tilespmem:v62+s9+$0x0], $0xffff;
	v0 =	vadd.f32 v1, v0  }
0x501: {  	v1 =	vld.idx.msk [tilespmem:v5+s2+$0x0], $0xffff;
	v5 =	vadd.s32 s13, v47  }
0x502: {  	v63 =	vld.idx.msk [tilespmem:v63+s9+$0x0], $0xffff;
	v0 =	vadd.f32 v2, v0  }
0x503: {  	v2 =	vld.idx.msk [tilespmem:v6+s2+$0x0], $0xffff;
	v6 =	vadd.s32 s13, v48  }
0x504: {  	v4 =	vld.idx.msk [tilespmem:v4+s9+$0x0], $0xffff;
	v0 =	vadd.f32 v3, v0  }
0x505: {  	v3 =	vld.idx.msk [tilespmem:v60+s2+$0x0], $0xffff;
	v60 =	vadd.s32 s13, v49  }
0x506: {  	v5 =	vld.idx.msk [tilespmem:v5+s9+$0x0], $0xffff;
	v0 =	vadd.f32 v1, v0  }
0x507: {  	v1 =	vld.idx.msk [tilespmem:v61+s2+$0x0], $0xffff;
	v61 =	vadd.s32 s13, v50  }
0x508: {  	v6 =	vld.idx.msk [tilespmem:v6+s9+$0x0], $0xffff;
	v0 =	vadd.f32 v2, v0  }
0x509: {  	v2 =	vld.idx.msk [tilespmem:v62+s2+$0x0], $0xffff;
	v62 =	vadd.s32 s13, v51  }
0x50a: {  	v60 =	vld.idx.msk [tilespmem:v60+s9+$0x0], $0xffff;
	v0 =	vadd.f32 v3, v0  }
0x50b: {  	v3 =	vld.idx.msk [tilespmem:v63+s2+$0x0], $0xffff;
	v63 =	vadd.s32 s13, v52  }
0x50c: {  	v61 =	vld.idx.msk [tilespmem:v61+s9+$0x0], $0xffff;
	v0 =	vadd.f32 v1, v0  }
0x50d: {  	v1 =	vld.idx.msk [tilespmem:v4+s2+$0x0], $0xffff;
	v4 =	vadd.s32 s13, v53  }
0x50e: {  	v62 =	vld.idx.msk [tilespmem:v62+s9+$0x0], $0xffff;
	v0 =	vadd.f32 v2, v0  }
0x50f: {  	v2 =	vld.idx.msk [tilespmem:v5+s2+$0x0], $0xffff;
	v5 =	vadd.s32 s13, v54  }
0x510: {  	v63 =	vld.idx.msk [tilespmem:v63+s9+$0x0], $0xffff;
	v0 =	vadd.f32 v3, v0  }
0x511: {  	v3 =	vld.idx.msk [tilespmem:v6+s2+$0x0], $0xffff;
	v6 =	vadd.s32 s13, v55  }
0x512: {  	v4 =	vld.idx.msk [tilespmem:v4+s9+$0x0], $0xffff;
	v0 =	vadd.f32 v1, v0  }
0x513: {  	v1 =	vld.idx.msk [tilespmem:v60+s2+$0x0], $0xffff;
	v60 =	vadd.s32 s13, v56  }
0x514: {  	v5 =	vld.idx.msk [tilespmem:v5+s9+$0x0], $0xffff;
	v0 =	vadd.f32 v2, v0  }
0x515: {  	v2 =	vld.idx.msk [tilespmem:v61+s2+$0x0], $0xffff;
	v61 =	vadd.s32 s13, v57  }
0x516: {  	v6 =	vld.idx.msk [tilespmem:v6+s9+$0x0], $0xffff;
	v0 =	vadd.f32 v3, v0  }
0x517: {  	v3 =	vld.idx.msk [tilespmem:v62+s2+$0x0], $0xffff;
	v62 =	vadd.s32 s13, v58  }
0x518: {  	v60 =	vld.idx.msk [tilespmem:v60+s9+$0x0], $0xffff;
	v0 =	vadd.f32 v1, v0  }
0x519: {  	v1 =	vld.idx.msk [tilespmem:v63+s2+$0x0], $0xffff;
	v63 =	vadd.s32 s13, v59  }
0x51a: {  	v61 =	vld.idx.msk [tilespmem:v61+s9+$0x0], $0xffff;
	v0 =	vadd.f32 v2, v0  }
0x51b: {  	v2 =	vld.idx.msk [tilespmem:v4+s2+$0x0], $0xffff  }
0x51c: {  	v4 =	vld.idx.msk [tilespmem:v62+s9+$0x0], $0xffff;
	v0 =	vadd.f32 v3, v0  }
0x51d: {  	v62 =	vld.idx.msk [tilespmem:v5+s2+$0x0], $0xffff  }
0x51e: {  	v5 =	vld.idx.msk [tilespmem:v63+s9+$0x0], $0xffff;
	v0 =	vadd.f32 v1, v0  }
0x51f: {  	v63 =	vld.idx.msk [tilespmem:v6+s2+$0x0], $0xffff  }
0x520: {  	v0 =	vadd.f32 v2, v0  }
0x521: {  	v60 =	vld.idx.msk [tilespmem:v60+s2+$0x0], $0xffff  }
0x522: {  	v0 =	vadd.f32 v62, v0  }
0x523: {  	v62 =	vld.idx.msk [tilespmem:v61+s2+$0x0], $0xffff  }
0x524: {  	v0 =	vadd.f32 v63, v0  }
0x525: {  	v63 =	vld.idx.msk [tilespmem:v4+s2+$0x0], $0xffff  }
0x526: {  	v0 =	vadd.f32 v60, v0  }
0x527: {  	p0 =	sne.s32 s14, $0x3840;
	v2 =	vld.idx.msk [tilespmem:v5+s2+$0x0], $0xffff  }
.Ltmp1:
0x528: {  	v0 =	vadd.f32 v62, v0;
	(pc) =	sbr.rel @p0 .LBB2_4-.Ltmp1, $4  }
0x529: {  	_ = 	snop  }
0x52a: {  	v0 =	vadd.f32 v63, v0  }
0x52b: {  	s13 =	smov.u32 s14  }
0x52c: {  	s14 =	sadd.s32 $0x3C0, s14;
	v60 =	vadd.s32 s13, v7;
	v61 =	vadd.f32 v2, v0  }
0x52d: {  	v0 =	vld [tilespmem:$0x1FE60];
	_ =	sdelay $0x1  }
0x52e: {  	v2 =	vld [tilespmem:$0x1FE70];
	_ =	sdelay $0x1  }
0x52f: {  	v3 =	vld [tilespmem:$0x1FE80]  }
0x530: {  	s12 =	sadd.s32 $0x10, s12;
	v4 =	vld [tilespmem:$0x1FE90];
	v1 =	vmul.f32 $1.666666750e-02, v61;
	v0 =	vadd.s32 s13, v0  }
0x531: {  	s14 =	sand.u32 $0xF0, s12  }
0x532: {  	v5 =	vld [tilespmem:$0x1FEA0];
	[tilespmem:s14+$0x1CD00] =	vst v1;
	v2 =	vadd.s32 s13, v2  }
0x533: {  	v1 =	vld.idx.msk [tilespmem:v60+s9+$0x0], $0xffff  }
0x534: {  	v6 =	vld [tilespmem:$0x1FEB0];
	v3 =	vadd.s32 s13, v3  }
0x535: {  	v4 =	vadd.s32 s13, v4;
	v0 =	vld.idx.msk [tilespmem:v0+s9+$0x0], $0xffff  }
0x536: {  	v60 =	vld [tilespmem:$0x1FEC0]  }
0x537: {  	v5 =	vadd.s32 s13, v5;
	v2 =	vld.idx.msk [tilespmem:v2+s9+$0x0], $0xffff;
	_ =	sdelay $0x1  }
0x538: {  	v6 =	vadd.s32 s13, v6;
	v3 =	vld.idx.msk [tilespmem:v3+s9+$0x0], $0xffff  }
0x539: {  	v4 =	vld.idx.msk [tilespmem:v4+s9+$0x0], $0xffff  }
0x53a: {  	v60 =	vadd.s32 s13, v60;
	v1 =	vld.idx.msk [tilespmem:v1+s2+$0x0], $0xffff  }
0x53b: {  	v5 =	vld.idx.msk [tilespmem:v5+s9+$0x0], $0xffff  }
0x53c: {  	v61 =	vadd.s32 s13, v15;
	v0 =	vld.idx.msk [tilespmem:v0+s2+$0x0], $0xffff  }
0x53d: {  	v6 =	vld.idx.msk [tilespmem:v6+s9+$0x0], $0xffff  }
0x53e: {  	v62 =	vadd.s32 s13, v16;
	v2 =	vld.idx.msk [tilespmem:v2+s2+$0x0], $0xffff  }
0x53f: {  	v60 =	vld.idx.msk [tilespmem:v60+s9+$0x0], $0xffff;
	v1 =	vadd.f32 $0.0e+00, v1  }
0x540: {  	v63 =	vadd.s32 s13, v17;
	v3 =	vld.idx.msk [tilespmem:v3+s2+$0x0], $0xffff  }
0x541: {  	v61 =	vld.idx.msk [tilespmem:v61+s9+$0x0], $0xffff;
	v0 =	vadd.f32 v0, v1  }
0x542: {  	v1 =	vld.idx.msk [tilespmem:v4+s2+$0x0], $0xffff;
	v4 =	vadd.s32 s13, v18  }
0x543: {  	v62 =	vld.idx.msk [tilespmem:v62+s9+$0x0], $0xffff;
	v0 =	vadd.f32 v2, v0  }
0x544: {  	v2 =	vld.idx.msk [tilespmem:v5+s2+$0x0], $0xffff;
	v5 =	vadd.s32 s13, v19  }
0x545: {  	v63 =	vld.idx.msk [tilespmem:v63+s9+$0x0], $0xffff;
	v0 =	vadd.f32 v3, v0  }
0x546: {  	v3 =	vld.idx.msk [tilespmem:v6+s2+$0x0], $0xffff;
	v6 =	vadd.s32 s13, v20  }
0x547: {  	v4 =	vld.idx.msk [tilespmem:v4+s9+$0x0], $0xffff;
	v0 =	vadd.f32 v1, v0  }
0x548: {  	v1 =	vld.idx.msk [tilespmem:v60+s2+$0x0], $0xffff;
	v60 =	vadd.s32 s13, v21  }
0x549: {  	v5 =	vld.idx.msk [tilespmem:v5+s9+$0x0], $0xffff;
	v0 =	vadd.f32 v2, v0  }
0x54a: {  	v2 =	vld.idx.msk [tilespmem:v61+s2+$0x0], $0xffff;
	v61 =	vadd.s32 s13, v8  }
0x54b: {  	v6 =	vld.idx.msk [tilespmem:v6+s9+$0x0], $0xffff;
	v0 =	vadd.f32 v3, v0  }
0x54c: {  	v3 =	vld.idx.msk [tilespmem:v62+s2+$0x0], $0xffff;
	v62 =	vadd.s32 s13, v9  }
0x54d: {  	v60 =	vld.idx.msk [tilespmem:v60+s9+$0x0], $0xffff;
	v0 =	vadd.f32 v1, v0  }
0x54e: {  	v1 =	vld.idx.msk [tilespmem:v63+s2+$0x0], $0xffff;
	v63 =	vadd.s32 s13, v22  }
0x54f: {  	v61 =	vld.idx.msk [tilespmem:v61+s9+$0x0], $0xffff;
	v0 =	vadd.f32 v2, v0  }
0x550: {  	v2 =	vld.idx.msk [tilespmem:v4+s2+$0x0], $0xffff;
	v4 =	vadd.s32 s13, v10  }
0x551: {  	v62 =	vld.idx.msk [tilespmem:v62+s9+$0x0], $0xffff;
	v0 =	vadd.f32 v3, v0  }
0x552: {  	v3 =	vld.idx.msk [tilespmem:v5+s2+$0x0], $0xffff;
	v5 =	vadd.s32 s13, v23  }
0x553: {  	v63 =	vld.idx.msk [tilespmem:v63+s9+$0x0], $0xffff;
	v0 =	vadd.f32 v1, v0  }
0x554: {  	v1 =	vld.idx.msk [tilespmem:v6+s2+$0x0], $0xffff;
	v6 =	vadd.s32 s13, v11  }
0x555: {  	v4 =	vld.idx.msk [tilespmem:v4+s9+$0x0], $0xffff;
	v0 =	vadd.f32 v2, v0  }
0x556: {  	v2 =	vld.idx.msk [tilespmem:v60+s2+$0x0], $0xffff;
	v60 =	vadd.s32 s13, v24  }
0x557: {  	v5 =	vld.idx.msk [tilespmem:v5+s9+$0x0], $0xffff;
	v0 =	vadd.f32 v3, v0  }
0x558: {  	v3 =	vld.idx.msk [tilespmem:v61+s2+$0x0], $0xffff;
	v61 =	vadd.s32 s13, v12  }
0x559: {  	v6 =	vld.idx.msk [tilespmem:v6+s9+$0x0], $0xffff;
	v0 =	vadd.f32 v1, v0  }
0x55a: {  	v1 =	vld.idx.msk [tilespmem:v62+s2+$0x0], $0xffff;
	v62 =	vadd.s32 s13, v25  }
0x55b: {  	v60 =	vld.idx.msk [tilespmem:v60+s9+$0x0], $0xffff;
	v0 =	vadd.f32 v2, v0  }
0x55c: {  	v2 =	vld.idx.msk [tilespmem:v63+s2+$0x0], $0xffff;
	v63 =	vadd.s32 s13, v13  }
0x55d: {  	v61 =	vld.idx.msk [tilespmem:v61+s9+$0x0], $0xffff;
	v0 =	vadd.f32 v3, v0  }
0x55e: {  	v3 =	vld.idx.msk [tilespmem:v4+s2+$0x0], $0xffff;
	v4 =	vadd.s32 s13, v26  }
0x55f: {  	v62 =	vld.idx.msk [tilespmem:v62+s9+$0x0], $0xffff;
	v0 =	vadd.f32 v1, v0  }
0x560: {  	v1 =	vld.idx.msk [tilespmem:v5+s2+$0x0], $0xffff;
	v5 =	vadd.s32 s13, v14  }
0x561: {  	v63 =	vld.idx.msk [tilespmem:v63+s9+$0x0], $0xffff;
	v0 =	vadd.f32 v2, v0  }
0x562: {  	v2 =	vld.idx.msk [tilespmem:v6+s2+$0x0], $0xffff;
	v6 =	vadd.s32 s13, v27  }
0x563: {  	v4 =	vld.idx.msk [tilespmem:v4+s9+$0x0], $0xffff;
	v0 =	vadd.f32 v3, v0  }
0x564: {  	v3 =	vld.idx.msk [tilespmem:v60+s2+$0x0], $0xffff;
	v60 =	vadd.s32 s13, v28  }
0x565: {  	v5 =	vld.idx.msk [tilespmem:v5+s9+$0x0], $0xffff;
	v0 =	vadd.f32 v1, v0  }
0x566: {  	v1 =	vld.idx.msk [tilespmem:v61+s2+$0x0], $0xffff;
	v61 =	vadd.s32 s13, v29  }
0x567: {  	v6 =	vld.idx.msk [tilespmem:v6+s9+$0x0], $0xffff;
	v0 =	vadd.f32 v2, v0  }
0x568: {  	v2 =	vld.idx.msk [tilespmem:v62+s2+$0x0], $0xffff;
	v62 =	vadd.s32 s13, v30  }
0x569: {  	v60 =	vld.idx.msk [tilespmem:v60+s9+$0x0], $0xffff;
	v0 =	vadd.f32 v3, v0  }
0x56a: {  	v3 =	vld.idx.msk [tilespmem:v63+s2+$0x0], $0xffff;
	v63 =	vadd.s32 s13, v31  }
0x56b: {  	v61 =	vld.idx.msk [tilespmem:v61+s9+$0x0], $0xffff;
	v0 =	vadd.f32 v1, v0  }
0x56c: {  	v1 =	vld.idx.msk [tilespmem:v4+s2+$0x0], $0xffff;
	v4 =	vadd.s32 s13, v32  }
0x56d: {  	v62 =	vld.idx.msk [tilespmem:v62+s9+$0x0], $0xffff;
	v0 =	vadd.f32 v2, v0  }
0x56e: {  	v2 =	vld.idx.msk [tilespmem:v5+s2+$0x0], $0xffff;
	v5 =	vadd.s32 s13, v33  }
0x56f: {  	v63 =	vld.idx.msk [tilespmem:v63+s9+$0x0], $0xffff;
	v0 =	vadd.f32 v3, v0  }
0x570: {  	v3 =	vld.idx.msk [tilespmem:v6+s2+$0x0], $0xffff;
	v6 =	vadd.s32 s13, v34  }
0x571: {  	v4 =	vld.idx.msk [tilespmem:v4+s9+$0x0], $0xffff;
	v0 =	vadd.f32 v1, v0  }
0x572: {  	v1 =	vld.idx.msk [tilespmem:v60+s2+$0x0], $0xffff;
	v60 =	vadd.s32 s13, v35  }
0x573: {  	v5 =	vld.idx.msk [tilespmem:v5+s9+$0x0], $0xffff;
	v0 =	vadd.f32 v2, v0  }
0x574: {  	v2 =	vld.idx.msk [tilespmem:v61+s2+$0x0], $0xffff;
	v61 =	vadd.s32 s13, v36  }
0x575: {  	v6 =	vld.idx.msk [tilespmem:v6+s9+$0x0], $0xffff;
	v0 =	vadd.f32 v3, v0  }
0x576: {  	v3 =	vld.idx.msk [tilespmem:v62+s2+$0x0], $0xffff;
	v62 =	vadd.s32 s13, v37  }
0x577: {  	v60 =	vld.idx.msk [tilespmem:v60+s9+$0x0], $0xffff;
	v0 =	vadd.f32 v1, v0  }
0x578: {  	v1 =	vld.idx.msk [tilespmem:v63+s2+$0x0], $0xffff;
	v63 =	vadd.s32 s13, v38  }
0x579: {  	v61 =	vld.idx.msk [tilespmem:v61+s9+$0x0], $0xffff;
	v0 =	vadd.f32 v2, v0  }
0x57a: {  	v2 =	vld.idx.msk [tilespmem:v4+s2+$0x0], $0xffff;
	v4 =	vadd.s32 s13, v39  }
0x57b: {  	v62 =	vld.idx.msk [tilespmem:v62+s9+$0x0], $0xffff;
	v0 =	vadd.f32 v3, v0  }
0x57c: {  	v3 =	vld.idx.msk [tilespmem:v5+s2+$0x0], $0xffff;
	v5 =	vadd.s32 s13, v40  }
0x57d: {  	v63 =	vld.idx.msk [tilespmem:v63+s9+$0x0], $0xffff;
	v0 =	vadd.f32 v1, v0  }
0x57e: {  	v1 =	vld.idx.msk [tilespmem:v6+s2+$0x0], $0xffff;
	v6 =	vadd.s32 s13, v41  }
0x57f: {  	v4 =	vld.idx.msk [tilespmem:v4+s9+$0x0], $0xffff;
	v0 =	vadd.f32 v2, v0  }
0x580: {  	v2 =	vld.idx.msk [tilespmem:v60+s2+$0x0], $0xffff;
	v60 =	vadd.s32 s13, v42  }
0x581: {  	v5 =	vld.idx.msk [tilespmem:v5+s9+$0x0], $0xffff;
	v0 =	vadd.f32 v3, v0  }
0x582: {  	v3 =	vld.idx.msk [tilespmem:v61+s2+$0x0], $0xffff;
	v61 =	vadd.s32 s13, v43  }
0x583: {  	v6 =	vld.idx.msk [tilespmem:v6+s9+$0x0], $0xffff;
	v0 =	vadd.f32 v1, v0  }
0x584: {  	v1 =	vld.idx.msk [tilespmem:v62+s2+$0x0], $0xffff;
	v62 =	vadd.s32 s13, v44  }
0x585: {  	v60 =	vld.idx.msk [tilespmem:v60+s9+$0x0], $0xffff;
	v0 =	vadd.f32 v2, v0  }
0x586: {  	v2 =	vld.idx.msk [tilespmem:v63+s2+$0x0], $0xffff;
	v63 =	vadd.s32 s13, v45  }
0x587: {  	v61 =	vld.idx.msk [tilespmem:v61+s9+$0x0], $0xffff;
	v0 =	vadd.f32 v3, v0  }
0x588: {  	v3 =	vld.idx.msk [tilespmem:v4+s2+$0x0], $0xffff;
	v4 =	vadd.s32 s13, v46  }
0x589: {  	v62 =	vld.idx.msk [tilespmem:v62+s9+$0x0], $0xffff;
	v0 =	vadd.f32 v1, v0  }
0x58a: {  	v1 =	vld.idx.msk [tilespmem:v5+s2+$0x0], $0xffff;
	v5 =	vadd.s32 s13, v47  }
0x58b: {  	v63 =	vld.idx.msk [tilespmem:v63+s9+$0x0], $0xffff;
	v0 =	vadd.f32 v2, v0  }
0x58c: {  	v2 =	vld.idx.msk [tilespmem:v6+s2+$0x0], $0xffff;
	v6 =	vadd.s32 s13, v48  }
0x58d: {  	v4 =	vld.idx.msk [tilespmem:v4+s9+$0x0], $0xffff;
	v0 =	vadd.f32 v3, v0  }
0x58e: {  	v3 =	vld.idx.msk [tilespmem:v60+s2+$0x0], $0xffff;
	v60 =	vadd.s32 s13, v49  }
0x58f: {  	v5 =	vld.idx.msk [tilespmem:v5+s9+$0x0], $0xffff;
	v0 =	vadd.f32 v1, v0  }
0x590: {  	v1 =	vld.idx.msk [tilespmem:v61+s2+$0x0], $0xffff;
	v61 =	vadd.s32 s13, v50  }
0x591: {  	v6 =	vld.idx.msk [tilespmem:v6+s9+$0x0], $0xffff;
	v0 =	vadd.f32 v2, v0  }
0x592: {  	v2 =	vld.idx.msk [tilespmem:v62+s2+$0x0], $0xffff;
	v62 =	vadd.s32 s13, v51  }
0x593: {  	v60 =	vld.idx.msk [tilespmem:v60+s9+$0x0], $0xffff;
	v0 =	vadd.f32 v3, v0  }
0x594: {  	v3 =	vld.idx.msk [tilespmem:v63+s2+$0x0], $0xffff;
	v63 =	vadd.s32 s13, v52  }
0x595: {  	v61 =	vld.idx.msk [tilespmem:v61+s9+$0x0], $0xffff;
	v0 =	vadd.f32 v1, v0  }
0x596: {  	v1 =	vld.idx.msk [tilespmem:v4+s2+$0x0], $0xffff;
	v4 =	vadd.s32 s13, v53  }
0x597: {  	v62 =	vld.idx.msk [tilespmem:v62+s9+$0x0], $0xffff;
	v0 =	vadd.f32 v2, v0  }
0x598: {  	v2 =	vld.idx.msk [tilespmem:v5+s2+$0x0], $0xffff;
	v5 =	vadd.s32 s13, v54  }
0x599: {  	v63 =	vld.idx.msk [tilespmem:v63+s9+$0x0], $0xffff;
	v0 =	vadd.f32 v3, v0  }
0x59a: {  	v3 =	vld.idx.msk [tilespmem:v6+s2+$0x0], $0xffff;
	v6 =	vadd.s32 s13, v55  }
0x59b: {  	v4 =	vld.idx.msk [tilespmem:v4+s9+$0x0], $0xffff;
	v0 =	vadd.f32 v1, v0  }
0x59c: {  	v1 =	vld.idx.msk [tilespmem:v60+s2+$0x0], $0xffff;
	v60 =	vadd.s32 s13, v56  }
0x59d: {  	v5 =	vld.idx.msk [tilespmem:v5+s9+$0x0], $0xffff;
	v0 =	vadd.f32 v2, v0  }
0x59e: {  	v2 =	vld.idx.msk [tilespmem:v61+s2+$0x0], $0xffff;
	v61 =	vadd.s32 s13, v57  }
0x59f: {  	v6 =	vld.idx.msk [tilespmem:v6+s9+$0x0], $0xffff;
	v0 =	vadd.f32 v3, v0  }
0x5a0: {  	v3 =	vld.idx.msk [tilespmem:v62+s2+$0x0], $0xffff;
	v62 =	vadd.s32 s13, v58  }
0x5a1: {  	v60 =	vld.idx.msk [tilespmem:v60+s9+$0x0], $0xffff;
	v0 =	vadd.f32 v1, v0  }
0x5a2: {  	v1 =	vld.idx.msk [tilespmem:v63+s2+$0x0], $0xffff;
	v63 =	vadd.s32 s13, v59  }
0x5a3: {  	v61 =	vld.idx.msk [tilespmem:v61+s9+$0x0], $0xffff;
	v0 =	vadd.f32 v2, v0  }
0x5a4: {  	v4 =	vld.idx.msk [tilespmem:v4+s2+$0x0], $0xffff  }
0x5a5: {  	v62 =	vld.idx.msk [tilespmem:v62+s9+$0x0], $0xffff;
	v0 =	vadd.f32 v3, v0  }
0x5a6: {  	v5 =	vld.idx.msk [tilespmem:v5+s2+$0x0], $0xffff  }
0x5a7: {  	v63 =	vld.idx.msk [tilespmem:v63+s9+$0x0], $0xffff;
	v0 =	vadd.f32 v1, v0  }
0x5a8: {  	v6 =	vld.idx.msk [tilespmem:v6+s2+$0x0], $0xffff  }
0x5a9: {  	v0 =	vadd.f32 v4, v0  }
0x5aa: {  	v4 =	vld.idx.msk [tilespmem:v60+s2+$0x0], $0xffff  }
0x5ab: {  	v0 =	vadd.f32 v5, v0  }
0x5ac: {  	v2 =	vld.idx.msk [tilespmem:v61+s2+$0x0], $0xffff  }
0x5ad: {  	v0 =	vadd.f32 v6, v0  }
0x5ae: {  	v3 =	vld.idx.msk [tilespmem:v62+s2+$0x0], $0xffff  }
0x5af: {  	v0 =	vadd.f32 v4, v0  }
0x5b0: {  	v1 =	vld.idx.msk [tilespmem:v63+s2+$0x0], $0xffff  }
0x5b1: {  	v0 =	vadd.f32 v2, v0;
	_ =	sdelay $0x1  }
0x5b2: {  	v0 =	vadd.f32 v3, v0;
	_ =	sdelay $0x1  }
0x5b3: {  	v0 =	vadd.f32 v1, v0;
	_ =	sdelay $0x1  }
0x5b4: {  	s11 =	sadd.s32 $0x1, s11;
	s12 =	sadd.s32 $0x10, s12;
	v0 =	vmul.f32 $1.666666750e-02, v0  }
0x5b5: {  	p0 =	sne.s32 s11, s7;
	s12 =	sand.u32 $0xF0, s12  }
.Ltmp2:
0x5b6: {  	[tilespmem:s12+$0x1CD00] =	vst v0;
	(pc) =	sbr.rel @p0 .LBB2_1-.Ltmp2, $4  }
0x5b7: {  	[hbm4b:s6+s2] =	stream.linear.scatter [tilespmem:s10], [sflag:$0x1], $0x200, $0x38;
	[tilespmem:$0x1CE00] =	vst v63  }
0x5b8: {  	_ =	swait.ge [sflag:s8], $0x200  }
0x5b9: {  	[sflag:s8] =	ssyncset.done $0x0  }
0x5ba: {  	[sflag:s8] =	ssyncadd.s32 $0xFFFFFE00  }
0x5bb: {  	_ =	sfence.sel $0x180000  }
0x5bc: {  	[bflag:$0x0] =	sbarrier.arrive $0xFFFF  }
0x5bd: {  	p0 =	sne.s32 s0, $0x0;
	_ =	strace $0x90000047  }
0x5be: {  	s0 =	sadd.s32 @!p0 $0x100000, s1;
	[bflag:$0x2] =	sbarrier.arrive $0xFFFF  }
0x5bf: {  	[sflag:s0] =	ssyncadd.tile.s32 @!p0 $0x1;
	_ =	shalt  }
.Lfunc_end2:
_tile_overlayer_lowered:
.L_overlay_start_2:
0x5c0: {  	(tag) =	ssettag $0x2  }
0x5c1: {  	s0 =	rddreg [dreg:$0x0];
	s2 =	stileid.u32  }
0x5c2: {  	s1 =	rddreg [dreg:$0x1];
	p0 =	sne.s32 s2, $0x0  }
0x5c3: {  	s3 =	rddreg [dreg:$0x2];
	[bflag:$0x3] =	sbarrier.arrive $0xFFFF;
	s2 =	simm.s32 @!p0 $0x1C01  }
0x5c4: {  	[timem:s3], [sflag:s2] =	dma.local @!p0 [hbm:s0], s1  }
0x5c5: {  	s0 =	simm.s32 @!p0 $0x1  }
0x5c6: {  	_ =	swait.ge @!p0 [sflag:s0], s1  }
0x5c7: {  	s1 =	ssub.s32 @!p0 $0x0, s1;
	[sflag:s0] =	ssyncset.done @!p0 $0x0  }
0x5c8: {  	[sflag:s0] =	ssyncadd.s32 @!p0 s1  }
0x5c9: {  	[bflag:$0x3] =	sbarrier.arrive $0xFFFF  }
0x5ca: {  	_ =	shalt  }

</sc_bundles>
